<compile_context>
chip_gen: v7x
topology: tpu7x:2x2x1
jax: 0.10.2.dev20260603
libtpu: 0.0.44.dev20260713+nightly
codegen_flags: <defaults>
</compile_context>

<pallas_src>
import functools

import jax
import jax.numpy as jnp
from jax import lax
from jax.experimental import pallas as pl
from jax.experimental.pallas import tpu as pltpu
from jax.experimental.pallas import tpu_sc as plsc

N = 10000
E = 640000
DIM = 3
K = 3
B = 16
SIZE = 16
NUM_OUT = 101
F1 = 32
F2 = 128

NC = 2
NS = 16
NW = NC * NS
EPW = E // NW
BLK = 400
CH = 80
GRP = 16
NBLK = EPW // BLK
NCH = BLK // CH
NGRP = CH // GRP
NP = 10240
RPT = NP // NS

_CORNERS = [(c & 1, (c >> 1) & 1, (c >> 2) & 1) for c in range(8)]


def _basis(ea0, ea1, ea2):
    one = jnp.float32(1.0)
    zero = jnp.float32(0.0)
    fracs = []
    ibase = None
    for d, ea in enumerate((ea0, ea1, ea2)):
        v = ea * jnp.float32(K - 1)
        bot = jnp.where(v >= one, one, zero)
        fracs.append(v - bot)
        ib = bot.astype(jnp.int32) * jnp.int32(3 ** d)
        ibase = ib if ibase is None else ibase + ib
    return ibase, fracs


def _corner_w(fracs, bits):
    w = None
    for d in range(DIM):
        f = fracs[d] if bits[d] else jnp.float32(1.0) - fracs[d]
        w = f if w is None else w * f
    return w


def _corner_off(bits):
    return jnp.int32(bits[0] + 3 * bits[1] + 9 * bits[2])


_GDN = lax.GatherDimensionNumbers(
    offset_dims=(), collapsed_slice_dims=(0,), start_index_map=(0,))


def _lane_bcast(vec, jfull):
    return lax.gather(vec, jfull[:, None], _GDN, (1,),
                      mode=lax.GatherScatterMode.PROMISE_IN_BOUNDS)



def _sc1_body(src3_h, dst3_h, ea0_h, ea1_h, ea2_h, x_h, z_h, out_h,
              src3_v, xg_v, ea0_v, ea1_v, ea2_v, dst3_v, rowbuf, acc_sh):
    cid = lax.axis_index("c")
    sid = lax.axis_index("s")
    wid = cid * NS + sid
    iota = lax.iota(jnp.int32, 16)
    iota_f = iota.astype(jnp.float32)
    iota_hi_f = iota_f + jnp.float32(16.0)
    deg_hi = jnp.where(iota + 16 == 27, 1.0, 0.0).astype(jnp.float32)

    pltpu.sync_copy(z_h.at[pl.ds(sid * RPT, RPT)],
                    acc_sh.at[pl.ds(sid * RPT, RPT)])

    z16 = jnp.zeros((16,), jnp.float32)

    def zrow(i, _):
        rowbuf[i // 8, pl.ds((i % 8) * 16, 16)] = z16
        return 0
    lax.fori_loop(0, CH * 8, zrow, 0)
    plsc.subcore_barrier()

    def block_body(blk, _):
        base = wid * EPW + blk * BLK
        pltpu.sync_copy(ea0_h.at[pl.ds(base, BLK)], ea0_v)
        pltpu.sync_copy(ea1_h.at[pl.ds(base, BLK)], ea1_v)
        pltpu.sync_copy(ea2_h.at[pl.ds(base, BLK)], ea2_v)
        pltpu.sync_copy(src3_h.at[wid * NBLK + blk], src3_v)
        pltpu.sync_copy(dst3_h.at[wid * NBLK + blk], dst3_v)

        def chunk_body(ci, _):
            pltpu.sync_copy(x_h.at[src3_v.at[ci]], xg_v)

            def group_body(g, _):
                e0 = ci * CH + g * GRP
                ibase, fracs = _basis(ea0_v[pl.ds(e0, 16)],
                                      ea1_v[pl.ds(e0, 16)],
                                      ea2_v[pl.ds(e0, 16)])
                ws = [_corner_w(fracs, bits) for bits in _CORNERS]
                idxs = [(ibase + _corner_off(bits)).astype(jnp.float32)
                        for bits in _CORNERS]

                def j_body(j, _):
                    jf = jnp.full((16,), j, jnp.int32)
                    lo = jnp.zeros((16,), jnp.float32)
                    hi = jnp.zeros((16,), jnp.float32)
                    for c in range(8):
                        wb = _lane_bcast(ws[c], jf)
                        ib = _lane_bcast(idxs[c], jf)
                        lo = lo + jnp.where(iota_f == ib, wb, 0.0)
                        hi = hi + jnp.where(iota_hi_f == ib, wb, 0.0)
                    xrow = xg_v[g * GRP + j, pl.ds(0, 16)]
                    rowbuf[g * GRP + j, pl.ds(0, 16)] = lo * xrow
                    rowbuf[g * GRP + j, pl.ds(16, 16)] = hi * xrow + deg_hi
                    return 0
                lax.fori_loop(0, GRP, j_body, 0)
                return 0
            lax.fori_loop(0, NGRP, group_body, 0)
            pltpu.sync_copy(rowbuf, acc_sh.at[dst3_v.at[ci]], add=True)
            return 0
        lax.fori_loop(0, NCH, chunk_body, 0)
        return 0
    lax.fori_loop(0, NBLK, block_body, 0)

    plsc.subcore_barrier()
    pltpu.sync_copy(acc_sh.at[pl.ds(sid * RPT, RPT)],
                    out_h.at[cid, pl.ds(sid * RPT, RPT)])


def _sc_spline1(src3, dst3, ea0, ea1, ea2, xf, z32):
    mesh = plsc.VectorSubcoreMesh(core_axis_name="c", subcore_axis_name="s", num_cores=NC, num_subcores=NS)
    run = pl.kernel(
        _sc1_body,
        out_type=jax.ShapeDtypeStruct((NC, NP, F2), jnp.float32),
        mesh=mesh,
        compiler_params=pltpu.CompilerParams(needs_layout_passes=False),
        scratch_types=[
            pltpu.VMEM((NCH, CH), jnp.int32),
            pltpu.VMEM((CH, F2), jnp.float32),
            pltpu.VMEM((BLK,), jnp.float32),
            pltpu.VMEM((BLK,), jnp.float32),
            pltpu.VMEM((BLK,), jnp.float32),
            pltpu.VMEM((NCH, CH), jnp.int32),
            pltpu.VMEM((CH, F2), jnp.float32),
            pltpu.VMEM_SHARED((NP, F2), jnp.float32),
        ],
    )
    return run(src3, dst3, ea0, ea1, ea2, xf, z32)



def _sc2_body(src_h, dst3_h, ea0_h, ea1_h, ea2_h, tab_h, z_h, out_h,
              src_v, ea0_v, ea1_v, ea2_v, dst3_v, gidx_v, rows_v, msg_v,
              acc_sh):
    cid = lax.axis_index("c")
    sid = lax.axis_index("s")
    wid = cid * NS + sid
    iota = lax.iota(jnp.int32, 16)

    pltpu.sync_copy(z_h.at[pl.ds(sid * RPT, RPT)],
                    acc_sh.at[pl.ds(sid * RPT, RPT)])
    plsc.subcore_barrier()

    def block_body(blk, _):
        base = wid * EPW + blk * BLK
        pltpu.sync_copy(src_h.at[pl.ds(base, BLK)], src_v)
        pltpu.sync_copy(ea0_h.at[pl.ds(base, BLK)], ea0_v)
        pltpu.sync_copy(ea1_h.at[pl.ds(base, BLK)], ea1_v)
        pltpu.sync_copy(ea2_h.at[pl.ds(base, BLK)], ea2_v)
        pltpu.sync_copy(dst3_h.at[wid * NBLK + blk], dst3_v)

        def chunk_body(ci, _):
            def group_body(g, _):
                e0 = ci * CH + g * GRP
                src_g = src_v[pl.ds(e0, 16)]
                ibase, fracs = _basis(ea0_v[pl.ds(e0, 16)],
                                      ea1_v[pl.ds(e0, 16)],
                                      ea2_v[pl.ds(e0, 16)])
                src27 = src_g * jnp.int32(27)
                bws = []
                for c, bits in enumerate(_CORNERS):
                    plsc.store_scatter(
                        gidx_v, [iota * 8 + jnp.int32(c)],
                        src27 + ibase + _corner_off(bits))
                    bws.append(_corner_w(fracs, bits))
                pltpu.sync_copy(tab_h.at[gidx_v], rows_v)

                def j_body(j, _):
                    jfull = jnp.full((16,), j, jnp.int32)
                    row = j * 8
                    for f in range(8):
                        acc = jnp.zeros((16,), jnp.float32)
                        for c in range(8):
                            w = _lane_bcast(bws[c], jfull)
                            acc = acc + w * rows_v[row + c, pl.ds(f * 16, 16)]
                        msg_v[g * GRP + j, pl.ds(f * 16, 16)] = acc
                    return 0
                lax.fori_loop(0, GRP, j_body, 0)
                return 0
            lax.fori_loop(0, NGRP, group_body, 0)
            pltpu.sync_copy(msg_v, acc_sh.at[dst3_v.at[ci]], add=True)
            return 0
        lax.fori_loop(0, NCH, chunk_body, 0)
        return 0
    lax.fori_loop(0, NBLK, block_body, 0)

    plsc.subcore_barrier()
    pltpu.sync_copy(acc_sh.at[pl.ds(sid * RPT, RPT)],
                    out_h.at[cid, pl.ds(sid * RPT, RPT)])


def _sc_spline2(src, dst3, ea0, ea1, ea2, tab, z128):
    mesh = plsc.VectorSubcoreMesh(core_axis_name="c", subcore_axis_name="s", num_cores=NC, num_subcores=NS)
    run = pl.kernel(
        _sc2_body,
        out_type=jax.ShapeDtypeStruct((NC, NP, F2), jnp.float32),
        mesh=mesh,
        compiler_params=pltpu.CompilerParams(needs_layout_passes=False),
        scratch_types=[
            pltpu.VMEM((BLK,), jnp.int32),
            pltpu.VMEM((BLK,), jnp.float32),
            pltpu.VMEM((BLK,), jnp.float32),
            pltpu.VMEM((BLK,), jnp.float32),
            pltpu.VMEM((NCH, CH), jnp.int32),
            pltpu.VMEM((GRP * 8,), jnp.int32),
            pltpu.VMEM((GRP * 8, F2), jnp.float32),
            pltpu.VMEM((CH, F2), jnp.float32),
            pltpu.VMEM_SHARED((NP, F2), jnp.float32),
        ],
    )
    return run(src, dst3, ea0, ea1, ea2, tab, z128)



def _elu(x):
    return jnp.where(x > 0, x, jnp.exp(x) - 1.0)


def _bn(h, g, b):
    mu = jnp.mean(h, axis=0, keepdims=True)
    var = jnp.mean((h - mu) * (h - mu), axis=0, keepdims=True)
    return (h - mu) * jax.lax.rsqrt(var + 1e-5) * g + b


def _tc1_body(acc_ref, w1_ref, g_ref, b_ref, h1_ref, deg_ref):
    s = acc_ref[0, :N, :F1] + acc_ref[1, :N, :F1]
    deg = jnp.maximum(s[:, 27:28], 1.0)
    agg = jnp.dot(s[:, :27], w1_ref[...],
                  preferred_element_type=jnp.float32) / deg
    h1_ref[...] = _bn(_elu(agg), g_ref[...], b_ref[...])
    deg_ref[...] = deg


def _tc_dense1(acc1, w1r, g1, b1):
    return pl.pallas_call(
        _tc1_body,
        out_shape=(jax.ShapeDtypeStruct((N, F1), jnp.float32),
                   jax.ShapeDtypeStruct((N, 1), jnp.float32)),
    )(acc1, w1r, g1, b1)


def _tc_table_body(h1_ref, w2_ref, out_ref):
    out_ref[...] = jnp.dot(h1_ref[...], w2_ref[...],
                           preferred_element_type=jnp.float32)


def _tc_table(h1, w2f):
    blk = 400
    return pl.pallas_call(
        _tc_table_body,
        grid=(N // blk,),
        in_specs=[pl.BlockSpec((blk, F1), lambda i: (i, 0)),
                  pl.BlockSpec((F1, 27 * F2), lambda i: (0, 0))],
        out_specs=pl.BlockSpec((blk, 27 * F2), lambda i: (i, 0)),
        out_shape=jax.ShapeDtypeStruct((N, 27 * F2), jnp.float32),
    )(h1, w2f)


def _tc2_body(acc_ref, deg_ref, g_ref, b_ref, h2_ref):
    agg = (acc_ref[0, :N, :] + acc_ref[1, :N, :]) / deg_ref[...]
    h2_ref[...] = _bn(_elu(agg), g_ref[...], b_ref[...])


def _tc_dense2(acc2, deg, g2, b2):
    return pl.pallas_call(
        _tc2_body,
        out_shape=jax.ShapeDtypeStruct((N, F2), jnp.float32),
    )(acc2, deg, g2, b2)


def _tc_pool_body(h2_ref, pos_ref, batch_ref, pool_ref):
    cx = jnp.clip((pos_ref[:, 0:1] * 4.0).astype(jnp.int32), 0, 3)
    cy = jnp.clip((pos_ref[:, 1:2] * 4.0).astype(jnp.int32), 0, 3)
    seg = batch_ref[...] * SIZE + cx + 4 * cy
    h2 = h2_ref[...]
    neg = jnp.float32(-jnp.inf)

    def seg_body(s8, _):
        ms = [jnp.max(jnp.where(seg == s8 * 8 + k, h2, neg), axis=0,
                      keepdims=True)
              for k in range(8)]
        m8 = jnp.concatenate(ms, axis=0)
        pool_ref[pl.ds(pl.multiple_of(s8 * 8, 8), 8), :] = jnp.where(
            jnp.isfinite(m8), m8, 0.0)
        return 0
    lax.fori_loop(0, B * SIZE // 8, seg_body, 0)


def _tc_pool(h2, pos, batch2):
    return pl.pallas_call(
        _tc_pool_body,
        out_shape=jax.ShapeDtypeStruct((B * SIZE, F2), jnp.float32),
    )(h2, pos, batch2)


def _tc_fc_body(p_ref, wfc_ref, out_ref):
    out_ref[...] = jnp.dot(p_ref[...], wfc_ref[...],
                           preferred_element_type=jnp.float32)


def _tc_fc(p2, wfc):
    return pl.pallas_call(
        _tc_fc_body,
        out_shape=jax.ShapeDtypeStruct((B, NUM_OUT), jnp.float32),
    )(p2, wfc)



@jax.jit
def kernel(x, edge_index, edge_attr, pos, batch, W1, W2, g1, b1, g2, b2, Wfc):
    src = edge_index[0]
    dst = edge_index[1]
    ea0 = edge_attr[:, 0]
    ea1 = edge_attr[:, 1]
    ea2 = edge_attr[:, 2]
    dst3 = dst.reshape(NW * NBLK, NCH, CH)
    xf = x[:, 0]
    z128 = jnp.zeros((NP, F2), jnp.float32)

    src3 = src.reshape(NW * NBLK, NCH, CH)
    x128 = jnp.broadcast_to(x, (N, F2))
    acc1 = _sc_spline1(src3, dst3, ea0, ea1, ea2, x128, z128)
    h1, deg = _tc_dense1(acc1, W1[:, 0, :], g1.reshape(1, F1),
                         b1.reshape(1, F1))
    w2f = W2.transpose(1, 0, 2).reshape(F1, 27 * F2)
    tab = _tc_table(h1, w2f).reshape(N * 27, F2)
    acc2 = _sc_spline2(src, dst3, ea0, ea1, ea2, tab, z128)
    h2 = _tc_dense2(acc2, deg, g2.reshape(1, F2), b2.reshape(1, F2))
    p = _tc_pool(h2, pos, batch.reshape(N, 1))
    return _tc_fc(p.reshape(B, SIZE * F2), Wfc)

# --- scband reference (transcript-rebuilt; emitter-appended) ---
"""Pipeline reference for scband-graph-res-70909910057698 (READ-ONLY COPY).

The authoritative reference and input builder live on the scoring server;
editing this copy changes nothing except your own understanding.
"""

import jax, jax.numpy as jnp
import numpy as np

N = 10000
E = 640000
DIM = 3
K = 3
B = 16
SIZE = 16
NUM_OUT = 101


def _spline_conv(x, src, dst, pseudo, W):
    # SplineConv, degree=1, open spline, kernel_size=K per dim, aggr='mean',
    # root_weight=False, bias=False
    n = x.shape[0]
    xw = jnp.einsum('ni,kio->nko', x, W)  # [n, K**DIM, out]
    v = pseudo * (K - 1)
    bot = jnp.floor(v)
    frac = v - bot
    boti = bot.astype(jnp.int32)
    msg = jnp.zeros((src.shape[0], W.shape[2]), x.dtype)
    for c in range(2 ** DIM):
        b = jnp.ones((pseudo.shape[0],), x.dtype)
        idx = jnp.zeros((pseudo.shape[0],), jnp.int32)
        stride = 1
        for d in range(DIM):
            bit = (c >> d) & 1
            i_d = jnp.clip(boti[:, d] + bit, 0, K - 1)
            b = b * (frac[:, d] if bit else (1.0 - frac[:, d]))
            idx = idx + i_d * stride
            stride = stride * K
        msg = msg + b[:, None] * xw[src, idx]
    deg = jax.ops.segment_sum(jnp.ones((src.shape[0],), x.dtype), dst, num_segments=n)
    agg = jax.ops.segment_sum(msg, dst, num_segments=n)
    return agg / jnp.clip(deg, 1.0)[:, None]


def _batch_norm(x, g, b):
    # PyG BatchNorm (BatchNorm1d over nodes), training-mode batch statistics
    mu = jnp.mean(x, axis=0)
    var = jnp.var(x, axis=0)
    return (x - mu) / jnp.sqrt(var + 1e-5) * g + b


def _max_pool_x(x, pos2, batch):
    # MaxPoolingX: 4x4 voxel grid over the spatial extent -> 16 clusters per graph,
    # max-pooled per (batch, cluster); empty clusters filled with 0
    cx = jnp.clip((pos2[:, 0] * 4.0).astype(jnp.int32), 0, 3)
    cy = jnp.clip((pos2[:, 1] * 4.0).astype(jnp.int32), 0, 3)
    seg = batch.astype(jnp.int32) * SIZE + cx + 4 * cy
    out = jax.ops.segment_max(x, seg, num_segments=B * SIZE)
    return jnp.where(jnp.isfinite(out), out, 0.0)


def setup_inputs(seed: int = 0):
    key = jax.random.key(seed)
    ks = jax.random.split(key, 8)
    x = jax.random.normal(ks[0], (N, 1), jnp.float32)
    edge_index = jax.random.randint(ks[1], (2, E), 0, N, jnp.int32)
    edge_attr = jax.random.uniform(ks[2], (E, DIM), jnp.float32)
    pos = jax.random.uniform(ks[3], (N, DIM), jnp.float32)
    batch = jnp.sort(jax.random.randint(ks[4], (N,), 0, B, jnp.int32))
    W1 = jax.random.normal(ks[5], (K ** DIM, 1, 32), jnp.float32) * 0.1
    W2 = jax.random.normal(ks[6], (K ** DIM, 32, 128), jnp.float32) * 0.05
    g1 = jnp.ones((32,), jnp.float32)
    b1 = jnp.zeros((32,), jnp.float32)
    g2 = jnp.ones((128,), jnp.float32)
    b2 = jnp.zeros((128,), jnp.float32)
    Wfc = jax.random.normal(ks[7], (128 * SIZE, NUM_OUT), jnp.float32) * 0.02
    return {"x": x, "edge_index": edge_index, "edge_attr": edge_attr, "pos": pos,
            "batch": batch, "W1": W1, "W2": W2, "g1": g1, "b1": b1,
            "g2": g2, "b2": b2, "Wfc": Wfc}


def reference(x, edge_index, edge_attr, pos, batch, W1, W2, g1, b1, g2, b2, Wfc):
    src, dst = edge_index[0], edge_index[1]
    h = jax.nn.elu(_spline_conv(x, src, dst, edge_attr, W1))
    h = _batch_norm(h, g1, b1)
    h = jax.nn.elu(_spline_conv(h, src, dst, edge_attr, W2))
    h = _batch_norm(h, g2, b2)
    p = _max_pool_x(h, pos[:, :2], batch)
    p = p.reshape(-1, 128 * SIZE)
    return p @ Wfc

if __name__ == "__main__":
    import jax
    _d = setup_inputs()
    print(jax.jit(kernel)(*tuple(_d.values())))

</pallas_src>

<mosaic_0001>
#map = affine_map<(d0, d1) -> (0, 0, 0)>
#map1 = affine_map<(d0, d1) -> (0)>
#map2 = affine_map<(d0, d1) -> (0, 0)>
module attributes {stable_mosaic.version = 14 : i64} {
  func.func @_sc1_body(%arg0: i32, %arg1: i32, %arg2: memref<1600x5x80xi32, #tpu.memory_space<hbm>>, %arg3: memref<1600x5x80xi32, #tpu.memory_space<hbm>>, %arg4: memref<640000xf32, #tpu.memory_space<hbm>>, %arg5: memref<640000xf32, #tpu.memory_space<hbm>>, %arg6: memref<640000xf32, #tpu.memory_space<hbm>>, %arg7: memref<10000x128xf32, #tpu.memory_space<hbm>>, %arg8: memref<10240x128xf32, #tpu.memory_space<hbm>>, %arg9: memref<2x10240x128xf32, #tpu.memory_space<hbm>>, %arg10: memref<5x80xi32, #tpu.memory_space<vmem>>, %arg11: memref<80x128xf32, #tpu.memory_space<vmem>>, %arg12: memref<400xf32, #tpu.memory_space<vmem>>, %arg13: memref<400xf32, #tpu.memory_space<vmem>>, %arg14: memref<400xf32, #tpu.memory_space<vmem>>, %arg15: memref<5x80xi32, #tpu.memory_space<vmem>>, %arg16: memref<80x128xf32, #tpu.memory_space<vmem>>, %arg17: memref<10240x128xf32, #tpu.memory_space<vmem_shared>>) attributes {dimension_semantics = [#tpu.dimension_semantics<core_parallel>, #tpu.dimension_semantics<subcore_parallel>], iteration_bounds = array<i64: 2, 16>, scalar_prefetch = 0 : i64, scratch_operands = 8 : i64, tpu.core_type = #tpu.core_type<sc_vector_subcore>, window_params = [{transform_indices = #map}, {transform_indices = #map}, {transform_indices = #map1}, {transform_indices = #map1}, {transform_indices = #map1}, {transform_indices = #map2}, {transform_indices = #map2}, {transform_indices = #map}]} {
    %mul3A = arith.constant 16 : i32
    %mul3A_0 = arith.muli %arg0, %mul3A : i32
    %add3A = arith.addi %mul3A_0, %arg1 : i32
    %iota3A = tpu.iota {dimensions = array<i32: 0>} : vector<16xi32>
    %convert_element_type3A = arith.sitofp %iota3A : vector<16xi32> to vector<16xf32>
    %add3A_1 = arith.constant 1.600000e+01 : f32
    %add3A_2 = vector.broadcast %add3A_1 : f32 to vector<16xf32>
    %add3A_3 = arith.addf %convert_element_type3A, %add3A_2 : vector<16xf32>
    %add3A_4 = arith.constant 16 : i32
    %add3A_5 = vector.broadcast %add3A_4 : i32 to vector<16xi32>
    %add3A_6 = arith.addi %iota3A, %add3A_5 : vector<16xi32>
    %eq3A = arith.constant 27 : i32
    %eq3A_7 = vector.broadcast %eq3A : i32 to vector<16xi32>
    %eq3A_8 = arith.cmpi eq, %add3A_6, %eq3A_7 : vector<16xi32>
    %jit3A = arith.constant 1.000000e+00 : f32
    %jit3A_9 = arith.constant 0.000000e+00 : f32
    %broadcast_in_dim3A = vector.broadcast %jit3A : f32 to vector<16xf32>
    %broadcast_in_dim3A_10 = vector.broadcast %jit3A_9 : f32 to vector<16xf32>
    %select_n3A = arith.select %eq3A_8, %broadcast_in_dim3A, %broadcast_in_dim3A_10 : vector<16xi1>, vector<16xf32>
    %mul3A_11 = arith.constant 640 : i32
    %mul3A_12 = arith.muli %arg1, %mul3A_11 : i32
    %mul3A_13 = arith.constant 640 : i32
    %mul3A_14 = arith.muli %arg1, %mul3A_13 : i32
    "tpu.region"() ({
      %run_scoped3A = tpu.sem_alloc : memref<!tpu.dma_semaphore, #tpu.memory_space<semaphore_mem>>
      %dma_start3A = arith.constant 0 : i32
      %dma_start3A_35 = tpu.memref_slice %arg17[%mul3A_14, %dma_start3A] : memref<10240x128xf32, #tpu.memory_space<vmem_shared>> -> memref<640x128xf32, #tpu.memory_space<vmem_shared>>
      %dma_start3A_36 = arith.constant 0 : i32
      %dma_start3A_37 = tpu.memref_slice %arg8[%mul3A_12, %dma_start3A_36] : memref<10240x128xf32, #tpu.memory_space<hbm>> -> memref<640x128xf32, #tpu.memory_space<hbm>>
      tpu.enqueue_dma source(%dma_start3A_37 : memref<640x128xf32, #tpu.memory_space<hbm>>) target(%dma_start3A_35 : memref<640x128xf32, #tpu.memory_space<vmem_shared>>) target_semaphore(%run_scoped3A : memref<!tpu.dma_semaphore, #tpu.memory_space<semaphore_mem>>)
      %dma_wait3A = arith.constant 0 : i32
      %dma_wait3A_38 = tpu.memref_slice %arg17[%mul3A_14, %dma_wait3A] : memref<10240x128xf32, #tpu.memory_space<vmem_shared>> -> memref<640x128xf32, #tpu.memory_space<vmem_shared>>
      %dma_wait3A_39 = arith.constant 0 : i32
      %dma_wait3A_40 = tpu.memref_slice %arg8[%mul3A_12, %dma_wait3A_39] : memref<10240x128xf32, #tpu.memory_space<hbm>> -> memref<640x128xf32, #tpu.memory_space<hbm>>
      tpu.wait_dma2 semaphore(%run_scoped3A : memref<!tpu.dma_semaphore, #tpu.memory_space<semaphore_mem>>) src(%dma_wait3A_40 : memref<640x128xf32, #tpu.memory_space<hbm>>) dst(%dma_wait3A_38 : memref<640x128xf32, #tpu.memory_space<vmem_shared>>)
      tpu.yield
    }) : () -> ()
    %broadcast_in_dim3A_15 = arith.constant 0.000000e+00 : f32
    %broadcast_in_dim3A_16 = vector.broadcast %broadcast_in_dim3A_15 : f32 to vector<16xf32>
    %scan3A = arith.constant 0 : i32
    %scan3A_17 = arith.constant 0 : i32
    %scan3A_18 = arith.constant 640 : i32
    %scan3A_19 = arith.addi %scan3A_17, %scan3A_18 : i32
    %scan3A_20 = arith.constant 1 : i32
    %scan3A_21 = scf.for %scan3A_35 = %scan3A_17 to %scan3A_19 step %scan3A_20 iter_args(%scan3A_36 = %scan3A) -> (i32)  : i32 {
      %jit3A_37 = arith.constant 8 : i32
      %div3A = arith.divsi %scan3A_35, %jit3A_37 : i32
      %sign3A = arith.constant 0 : i32
      %sign3A_38 = arith.cmpi sgt, %scan3A_35, %sign3A : i32
      %sign3A_39 = arith.extui %sign3A_38 : i1 to i32
      %sign3A_40 = arith.constant 0 : i32
      %sign3A_41 = arith.cmpi slt, %scan3A_35, %sign3A_40 : i32
      %sign3A_42 = arith.extui %sign3A_41 : i1 to i32
      %sign3A_43 = arith.subi %sign3A_39, %sign3A_42 : i32
      %sign3A_44 = arith.constant 0 : i32
      %sign3A_45 = arith.cmpi sgt, %jit3A_37, %sign3A_44 : i32
      %sign3A_46 = arith.extui %sign3A_45 : i1 to i32
      %sign3A_47 = arith.constant 0 : i32
      %sign3A_48 = arith.cmpi slt, %jit3A_37, %sign3A_47 : i32
      %sign3A_49 = arith.extui %sign3A_48 : i1 to i32
      %sign3A_50 = arith.subi %sign3A_46, %sign3A_49 : i32
      %ne3A = arith.cmpi ne, %sign3A_43, %sign3A_50 : i32
      %rem3A = arith.remsi %scan3A_35, %jit3A_37 : i32
      %ne3A_51 = arith.constant 0 : i32
      %ne3A_52 = arith.cmpi ne, %rem3A, %ne3A_51 : i32
      %and3A = arith.andi %ne3A, %ne3A_52 : i1
      %sub3A = arith.constant 1 : i32
      %sub3A_53 = arith.subi %div3A, %sub3A : i32
      %select_n3A_54 = arith.select %and3A, %sub3A_53, %div3A : i32
      %jit3A_55 = arith.constant 8 : i32
      %eq3A_56 = arith.constant 0 : i32
      %eq3A_57 = arith.cmpi eq, %jit3A_55, %eq3A_56 : i32
      %jit3A_58 = arith.constant 1 : i32
      %select_n3A_59 = arith.select %eq3A_57, %jit3A_58, %jit3A_55 : i32
      %rem3A_60 = arith.remsi %scan3A_35, %select_n3A_59 : i32
      %ne3A_61 = arith.constant 0 : i32
      %ne3A_62 = arith.cmpi ne, %rem3A_60, %ne3A_61 : i32
      %lt3A = arith.constant 0 : i32
      %lt3A_63 = arith.cmpi slt, %rem3A_60, %lt3A : i32
      %lt3A_64 = arith.constant 0 : i32
      %lt3A_65 = arith.cmpi slt, %select_n3A_59, %lt3A_64 : i32
      %ne3A_66 = arith.xori %lt3A_63, %lt3A_65 : i1
      %and3A_67 = arith.andi %ne3A_66, %ne3A_62 : i1
      %add3A_68 = arith.addi %rem3A_60, %select_n3A_59 : i32
      %select_n3A_69 = arith.select %and3A_67, %add3A_68, %rem3A_60 : i32
      %mul3A_70 = arith.constant 16 : i32
      %mul3A_71 = arith.muli %select_n3A_69, %mul3A_70 : i32
      %swap3A = arith.index_cast %select_n3A_54 : i32 to index
      %swap3A_72 = arith.index_cast %mul3A_71 : i32 to index
      %swap3A_73 = tpu.vector_load %arg16[%swap3A, %swap3A_72] {strides = array<i32>} : memref<80x128xf32, #tpu.memory_space<vmem>>, vector<16xf32>,
      tpu.vector_store %arg16[%swap3A, %swap3A_72], %broadcast_in_dim3A_16 {strides = array<i32>} : memref<80x128xf32, #tpu.memory_space<vmem>>, vector<16xf32>,
      %scan3A_74 = arith.constant 0 : i32
      scf.yield %scan3A_74 : i32
    }
    %scan3A_22 = arith.constant 640 : i32
    %barrier3A = arith.constant 0 : index
    tpu.barrier barrier_id(%barrier3A)
    %scan3A_23 = arith.constant 0 : i32
    %scan3A_24 = arith.constant 0 : i32
    %scan3A_25 = arith.constant 50 : i32
    %scan3A_26 = arith.addi %scan3A_24, %scan3A_25 : i32
    %scan3A_27 = arith.constant 1 : i32
    %scan3A_28 = scf.for %scan3A_35 = %scan3A_24 to %scan3A_26 step %scan3A_27 iter_args(%scan3A_36 = %scan3A_23) -> (i32)  : i32 {
      %mul3A_37 = arith.constant 20000 : i32
      %mul3A_38 = arith.muli %add3A, %mul3A_37 : i32
      %mul3A_39 = arith.constant 400 : i32
      %mul3A_40 = arith.muli %scan3A_35, %mul3A_39 : i32
      %add3A_41 = arith.addi %mul3A_38, %mul3A_40 : i32
      "tpu.region"() ({
        %run_scoped3A = tpu.sem_alloc : memref<!tpu.dma_semaphore, #tpu.memory_space<semaphore_mem>>
        %dma_start3A = tpu.memref_slice %arg4[%add3A_41] : memref<640000xf32, #tpu.memory_space<hbm>> -> memref<400xf32, #tpu.memory_space<hbm>>
        %dma_start3A_56 = tpu.memref_slice %arg4[%add3A_41] : memref<640000xf32, #tpu.memory_space<hbm>> -> memref<400xf32, #tpu.memory_space<hbm>>
        tpu.enqueue_dma source(%dma_start3A_56 : memref<400xf32, #tpu.memory_space<hbm>>) target(%arg12 : memref<400xf32, #tpu.memory_space<vmem>>) target_semaphore(%run_scoped3A : memref<!tpu.dma_semaphore, #tpu.memory_space<semaphore_mem>>)
        %dma_wait3A = tpu.memref_slice %arg4[%add3A_41] : memref<640000xf32, #tpu.memory_space<hbm>> -> memref<400xf32, #tpu.memory_space<hbm>>
        %dma_wait3A_57 = tpu.memref_slice %arg4[%add3A_41] : memref<640000xf32, #tpu.memory_space<hbm>> -> memref<400xf32, #tpu.memory_space<hbm>>
        tpu.wait_dma2 semaphore(%run_scoped3A : memref<!tpu.dma_semaphore, #tpu.memory_space<semaphore_mem>>) src(%dma_wait3A_57 : memref<400xf32, #tpu.memory_space<hbm>>) dst(%arg12 : memref<400xf32, #tpu.memory_space<vmem>>)
        tpu.yield
      }) : () -> ()
      "tpu.region"() ({
        %run_scoped3A = tpu.sem_alloc : memref<!tpu.dma_semaphore, #tpu.memory_space<semaphore_mem>>
        %dma_start3A = tpu.memref_slice %arg5[%add3A_41] : memref<640000xf32, #tpu.memory_space<hbm>> -> memref<400xf32, #tpu.memory_space<hbm>>
        %dma_start3A_56 = tpu.memref_slice %arg5[%add3A_41] : memref<640000xf32, #tpu.memory_space<hbm>> -> memref<400xf32, #tpu.memory_space<hbm>>
        tpu.enqueue_dma source(%dma_start3A_56 : memref<400xf32, #tpu.memory_space<hbm>>) target(%arg13 : memref<400xf32, #tpu.memory_space<vmem>>) target_semaphore(%run_scoped3A : memref<!tpu.dma_semaphore, #tpu.memory_space<semaphore_mem>>)
        %dma_wait3A = tpu.memref_slice %arg5[%add3A_41] : memref<640000xf32, #tpu.memory_space<hbm>> -> memref<400xf32, #tpu.memory_space<hbm>>
        %dma_wait3A_57 = tpu.memref_slice %arg5[%add3A_41] : memref<640000xf32, #tpu.memory_space<hbm>> -> memref<400xf32, #tpu.memory_space<hbm>>
        tpu.wait_dma2 semaphore(%run_scoped3A : memref<!tpu.dma_semaphore, #tpu.memory_space<semaphore_mem>>) src(%dma_wait3A_57 : memref<400xf32, #tpu.memory_space<hbm>>) dst(%arg13 : memref<400xf32, #tpu.memory_space<vmem>>)
        tpu.yield
      }) : () -> ()
      "tpu.region"() ({
        %run_scoped3A = tpu.sem_alloc : memref<!tpu.dma_semaphore, #tpu.memory_space<semaphore_mem>>
        %dma_start3A = tpu.memref_slice %arg6[%add3A_41] : memref<640000xf32, #tpu.memory_space<hbm>> -> memref<400xf32, #tpu.memory_space<hbm>>
        %dma_start3A_56 = tpu.memref_slice %arg6[%add3A_41] : memref<640000xf32, #tpu.memory_space<hbm>> -> memref<400xf32, #tpu.memory_space<hbm>>
        tpu.enqueue_dma source(%dma_start3A_56 : memref<400xf32, #tpu.memory_space<hbm>>) target(%arg14 : memref<400xf32, #tpu.memory_space<vmem>>) target_semaphore(%run_scoped3A : memref<!tpu.dma_semaphore, #tpu.memory_space<semaphore_mem>>)
        %dma_wait3A = tpu.memref_slice %arg6[%add3A_41] : memref<640000xf32, #tpu.memory_space<hbm>> -> memref<400xf32, #tpu.memory_space<hbm>>
        %dma_wait3A_57 = tpu.memref_slice %arg6[%add3A_41] : memref<640000xf32, #tpu.memory_space<hbm>> -> memref<400xf32, #tpu.memory_space<hbm>>
        tpu.wait_dma2 semaphore(%run_scoped3A : memref<!tpu.dma_semaphore, #tpu.memory_space<semaphore_mem>>) src(%dma_wait3A_57 : memref<400xf32, #tpu.memory_space<hbm>>) dst(%arg14 : memref<400xf32, #tpu.memory_space<vmem>>)
        tpu.yield
      }) : () -> ()
      %mul3A_42 = arith.constant 50 : i32
      %mul3A_43 = arith.muli %add3A, %mul3A_42 : i32
      %add3A_44 = arith.addi %mul3A_43, %scan3A_35 : i32
      "tpu.region"() ({
        %run_scoped3A = tpu.sem_alloc : memref<!tpu.dma_semaphore, #tpu.memory_space<semaphore_mem>>
        %dma_start3A = arith.constant 0 : i32
        %dma_start3A_56 = arith.constant 0 : i32
        %dma_start3A_57 = tpu.memref_slice %arg2[%add3A_44, %dma_start3A, %dma_start3A_56] : memref<1600x5x80xi32, #tpu.memory_space<hbm>> -> memref<1x5x80xi32, #tpu.memory_space<hbm>>
        %dma_start3A_58 = tpu.memref_squeeze %dma_start3A_57 : memref<1x5x80xi32, #tpu.memory_space<hbm>> -> memref<5x80xi32, #tpu.memory_space<hbm>>
        %dma_start3A_59 = arith.constant 0 : i32
        %dma_start3A_60 = arith.constant 0 : i32
        %dma_start3A_61 = tpu.memref_slice %arg2[%add3A_44, %dma_start3A_59, %dma_start3A_60] : memref<1600x5x80xi32, #tpu.memory_space<hbm>> -> memref<1x5x80xi32, #tpu.memory_space<hbm>>
        %dma_start3A_62 = tpu.memref_squeeze %dma_start3A_61 : memref<1x5x80xi32, #tpu.memory_space<hbm>> -> memref<5x80xi32, #tpu.memory_space<hbm>>
        tpu.enqueue_dma source(%dma_start3A_62 : memref<5x80xi32, #tpu.memory_space<hbm>>) target(%arg10 : memref<5x80xi32, #tpu.memory_space<vmem>>) target_semaphore(%run_scoped3A : memref<!tpu.dma_semaphore, #tpu.memory_space<semaphore_mem>>)
        %dma_wait3A = arith.constant 0 : i32
        %dma_wait3A_63 = arith.constant 0 : i32
        %dma_wait3A_64 = tpu.memref_slice %arg2[%add3A_44, %dma_wait3A, %dma_wait3A_63] : memref<1600x5x80xi32, #tpu.memory_space<hbm>> -> memref<1x5x80xi32, #tpu.memory_space<hbm>>
        %dma_wait3A_65 = tpu.memref_squeeze %dma_wait3A_64 : memref<1x5x80xi32, #tpu.memory_space<hbm>> -> memref<5x80xi32, #tpu.memory_space<hbm>>
        %dma_wait3A_66 = arith.constant 0 : i32
        %dma_wait3A_67 = arith.constant 0 : i32
        %dma_wait3A_68 = tpu.memref_slice %arg2[%add3A_44, %dma_wait3A_66, %dma_wait3A_67] : memref<1600x5x80xi32, #tpu.memory_space<hbm>> -> memref<1x5x80xi32, #tpu.memory_space<hbm>>
        %dma_wait3A_69 = tpu.memref_squeeze %dma_wait3A_68 : memref<1x5x80xi32, #tpu.memory_space<hbm>> -> memref<5x80xi32, #tpu.memory_space<hbm>>
        tpu.wait_dma2 semaphore(%run_scoped3A : memref<!tpu.dma_semaphore, #tpu.memory_space<semaphore_mem>>) src(%dma_wait3A_69 : memref<5x80xi32, #tpu.memory_space<hbm>>) dst(%arg10 : memref<5x80xi32, #tpu.memory_space<vmem>>)
        tpu.yield
      }) : () -> ()
      %mul3A_45 = arith.constant 50 : i32
      %mul3A_46 = arith.muli %add3A, %mul3A_45 : i32
      %add3A_47 = arith.addi %mul3A_46, %scan3A_35 : i32
      "tpu.region"() ({
        %run_scoped3A = tpu.sem_alloc : memref<!tpu.dma_semaphore, #tpu.memory_space<semaphore_mem>>
        %dma_start3A = arith.constant 0 : i32
        %dma_start3A_56 = arith.constant 0 : i32
        %dma_start3A_57 = tpu.memref_slice %arg3[%add3A_47, %dma_start3A, %dma_start3A_56] : memref<1600x5x80xi32, #tpu.memory_space<hbm>> -> memref<1x5x80xi32, #tpu.memory_space<hbm>>
        %dma_start3A_58 = tpu.memref_squeeze %dma_start3A_57 : memref<1x5x80xi32, #tpu.memory_space<hbm>> -> memref<5x80xi32, #tpu.memory_space<hbm>>
        %dma_start3A_59 = arith.constant 0 : i32
        %dma_start3A_60 = arith.constant 0 : i32
        %dma_start3A_61 = tpu.memref_slice %arg3[%add3A_47, %dma_start3A_59, %dma_start3A_60] : memref<1600x5x80xi32, #tpu.memory_space<hbm>> -> memref<1x5x80xi32, #tpu.memory_space<hbm>>
        %dma_start3A_62 = tpu.memref_squeeze %dma_start3A_61 : memref<1x5x80xi32, #tpu.memory_space<hbm>> -> memref<5x80xi32, #tpu.memory_space<hbm>>
        tpu.enqueue_dma source(%dma_start3A_62 : memref<5x80xi32, #tpu.memory_space<hbm>>) target(%arg15 : memref<5x80xi32, #tpu.memory_space<vmem>>) target_semaphore(%run_scoped3A : memref<!tpu.dma_semaphore, #tpu.memory_space<semaphore_mem>>)
        %dma_wait3A = arith.constant 0 : i32
        %dma_wait3A_63 = arith.constant 0 : i32
        %dma_wait3A_64 = tpu.memref_slice %arg3[%add3A_47, %dma_wait3A, %dma_wait3A_63] : memref<1600x5x80xi32, #tpu.memory_space<hbm>> -> memref<1x5x80xi32, #tpu.memory_space<hbm>>
        %dma_wait3A_65 = tpu.memref_squeeze %dma_wait3A_64 : memref<1x5x80xi32, #tpu.memory_space<hbm>> -> memref<5x80xi32, #tpu.memory_space<hbm>>
        %dma_wait3A_66 = arith.constant 0 : i32
        %dma_wait3A_67 = arith.constant 0 : i32
        %dma_wait3A_68 = tpu.memref_slice %arg3[%add3A_47, %dma_wait3A_66, %dma_wait3A_67] : memref<1600x5x80xi32, #tpu.memory_space<hbm>> -> memref<1x5x80xi32, #tpu.memory_space<hbm>>
        %dma_wait3A_69 = tpu.memref_squeeze %dma_wait3A_68 : memref<1x5x80xi32, #tpu.memory_space<hbm>> -> memref<5x80xi32, #tpu.memory_space<hbm>>
        tpu.wait_dma2 semaphore(%run_scoped3A : memref<!tpu.dma_semaphore, #tpu.memory_space<semaphore_mem>>) src(%dma_wait3A_69 : memref<5x80xi32, #tpu.memory_space<hbm>>) dst(%arg15 : memref<5x80xi32, #tpu.memory_space<vmem>>)
        tpu.yield
      }) : () -> ()
      %scan3A_48 = arith.constant 0 : i32
      %scan3A_49 = arith.constant 0 : i32
      %scan3A_50 = arith.constant 5 : i32
      %scan3A_51 = arith.addi %scan3A_49, %scan3A_50 : i32
      %scan3A_52 = arith.constant 1 : i32
      %scan3A_53 = scf.for %scan3A_56 = %scan3A_49 to %scan3A_51 step %scan3A_52 iter_args(%scan3A_57 = %scan3A_48) -> (i32)  : i32 {
        "tpu.region"() ({
          %run_scoped3A = tpu.sem_alloc : memref<!tpu.dma_semaphore, #tpu.memory_space<semaphore_mem>>
          %dma_start3A = arith.constant 0 : i32
          %dma_start3A_66 = tpu.memref_slice %arg10[%scan3A_56, %dma_start3A] : memref<5x80xi32, #tpu.memory_space<vmem>> -> memref<1x80xi32, #tpu.memory_space<vmem>>
          %dma_start3A_67 = tpu.memref_squeeze %dma_start3A_66 : memref<1x80xi32, #tpu.memory_space<vmem>> -> memref<80xi32, #tpu.memory_space<vmem>>
          %dma_start3A_68 = arith.constant 0 : i32
          %dma_start3A_69 = arith.constant 0 : i32
          %dma_start3A_70 = tpu.memref_slice %arg7[%dma_start3A_68, %dma_start3A_69] : memref<10000x128xf32, #tpu.memory_space<hbm>> -> memref<10000x128xf32, #tpu.memory_space<hbm>>
          tpu.enqueue_indirect_dma source(%dma_start3A_70 : memref<10000x128xf32, #tpu.memory_space<hbm>>) target(%arg11 : memref<80x128xf32, #tpu.memory_space<vmem>>) offsets(%dma_start3A_67 : memref<80xi32, #tpu.memory_space<vmem>>) semaphore(%run_scoped3A : memref<!tpu.dma_semaphore, #tpu.memory_space<semaphore_mem>>)
          %dma_wait3A = arith.constant 0 : i32
          %dma_wait3A_71 = tpu.memref_slice %arg10[%scan3A_56, %dma_wait3A] : memref<5x80xi32, #tpu.memory_space<vmem>> -> memref<1x80xi32, #tpu.memory_space<vmem>>
          %dma_wait3A_72 = tpu.memref_squeeze %dma_wait3A_71 : memref<1x80xi32, #tpu.memory_space<vmem>> -> memref<80xi32, #tpu.memory_space<vmem>>
          %dma_wait3A_73 = arith.constant 0 : i32
          %dma_wait3A_74 = arith.constant 0 : i32
          %dma_wait3A_75 = tpu.memref_slice %arg7[%dma_wait3A_73, %dma_wait3A_74] : memref<10000x128xf32, #tpu.memory_space<hbm>> -> memref<10000x128xf32, #tpu.memory_space<hbm>>
          tpu.wait_indirect_dma semaphore(%run_scoped3A : memref<!tpu.dma_semaphore, #tpu.memory_space<semaphore_mem>>) src(%dma_wait3A_75 : memref<10000x128xf32, #tpu.memory_space<hbm>>) dst(%arg11 : memref<80x128xf32, #tpu.memory_space<vmem>>)
          tpu.yield
        }) : () -> ()
        %scan3A_58 = arith.constant 0 : i32
        %scan3A_59 = arith.constant 0 : i32
        %scan3A_60 = arith.constant 5 : i32
        %scan3A_61 = arith.addi %scan3A_59, %scan3A_60 : i32
        %scan3A_62 = arith.constant 1 : i32
        %scan3A_63 = scf.for %scan3A_66 = %scan3A_59 to %scan3A_61 step %scan3A_62 iter_args(%scan3A_67 = %scan3A_58) -> (i32)  : i32 {
          %mul3A_68 = arith.constant 80 : i32
          %mul3A_69 = arith.muli %scan3A_56, %mul3A_68 : i32
          %mul3A_70 = arith.constant 16 : i32
          %mul3A_71 = arith.muli %scan3A_66, %mul3A_70 : i32
          %add3A_72 = arith.addi %mul3A_69, %mul3A_71 : i32
          %get3A = arith.index_cast %add3A_72 : i32 to index
          %get3A_73 = tpu.vector_load %arg12[%get3A] {strides = array<i32>} : memref<400xf32, #tpu.memory_space<vmem>>, vector<16xf32>,
          %get3A_74 = arith.index_cast %add3A_72 : i32 to index
          %get3A_75 = tpu.vector_load %arg13[%get3A_74] {strides = array<i32>} : memref<400xf32, #tpu.memory_space<vmem>>, vector<16xf32>,
          %get3A_76 = arith.index_cast %add3A_72 : i32 to index
          %get3A_77 = tpu.vector_load %arg14[%get3A_76] {strides = array<i32>} : memref<400xf32, #tpu.memory_space<vmem>>, vector<16xf32>,
          %mul3A_78 = arith.constant 2.000000e+00 : f32
          %mul3A_79 = vector.broadcast %mul3A_78 : f32 to vector<16xf32>
          %mul3A_80 = arith.mulf %get3A_73, %mul3A_79 : vector<16xf32>
          %ge3A = arith.constant 1.000000e+00 : f32
          %ge3A_81 = vector.broadcast %ge3A : f32 to vector<16xf32>
          %ge3A_82 = arith.cmpf oge, %mul3A_80, %ge3A_81 : vector<16xf32>
          %jit3A_83 = arith.constant 1.000000e+00 : f32
          %jit3A_84 = arith.constant 0.000000e+00 : f32
          %broadcast_in_dim3A_85 = vector.broadcast %jit3A_83 : f32 to vector<16xf32>
          %broadcast_in_dim3A_86 = vector.broadcast %jit3A_84 : f32 to vector<16xf32>
          %select_n3A_87 = arith.select %ge3A_82, %broadcast_in_dim3A_85, %broadcast_in_dim3A_86 : vector<16xi1>, vector<16xf32>
          %sub3A = arith.subf %mul3A_80, %select_n3A_87 : vector<16xf32>
          %convert_element_type3A_88 = arith.fptosi %select_n3A_87 : vector<16xf32> to vector<16xi32>
          %mul3A_89 = arith.constant 1 : i32
          %mul3A_90 = vector.broadcast %mul3A_89 : i32 to vector<16xi32>
          %mul3A_91 = arith.muli %convert_element_type3A_88, %mul3A_90 : vector<16xi32>
          %mul3A_92 = arith.constant 2.000000e+00 : f32
          %mul3A_93 = vector.broadcast %mul3A_92 : f32 to vector<16xf32>
          %mul3A_94 = arith.mulf %get3A_75, %mul3A_93 : vector<16xf32>
          %ge3A_95 = arith.constant 1.000000e+00 : f32
          %ge3A_96 = vector.broadcast %ge3A_95 : f32 to vector<16xf32>
          %ge3A_97 = arith.cmpf oge, %mul3A_94, %ge3A_96 : vector<16xf32>
          %jit3A_98 = arith.constant 1.000000e+00 : f32
          %jit3A_99 = arith.constant 0.000000e+00 : f32
          %broadcast_in_dim3A_100 = vector.broadcast %jit3A_98 : f32 to vector<16xf32>
          %broadcast_in_dim3A_101 = vector.broadcast %jit3A_99 : f32 to vector<16xf32>
          %select_n3A_102 = arith.select %ge3A_97, %broadcast_in_dim3A_100, %broadcast_in_dim3A_101 : vector<16xi1>, vector<16xf32>
          %sub3A_103 = arith.subf %mul3A_94, %select_n3A_102 : vector<16xf32>
          %convert_element_type3A_104 = arith.fptosi %select_n3A_102 : vector<16xf32> to vector<16xi32>
          %mul3A_105 = arith.constant 3 : i32
          %mul3A_106 = vector.broadcast %mul3A_105 : i32 to vector<16xi32>
          %mul3A_107 = arith.muli %convert_element_type3A_104, %mul3A_106 : vector<16xi32>
          %add3A_108 = arith.addi %mul3A_91, %mul3A_107 : vector<16xi32>
          %mul3A_109 = arith.constant 2.000000e+00 : f32
          %mul3A_110 = vector.broadcast %mul3A_109 : f32 to vector<16xf32>
          %mul3A_111 = arith.mulf %get3A_77, %mul3A_110 : vector<16xf32>
          %ge3A_112 = arith.constant 1.000000e+00 : f32
          %ge3A_113 = vector.broadcast %ge3A_112 : f32 to vector<16xf32>
          %ge3A_114 = arith.cmpf oge, %mul3A_111, %ge3A_113 : vector<16xf32>
          %jit3A_115 = arith.constant 1.000000e+00 : f32
          %jit3A_116 = arith.constant 0.000000e+00 : f32
          %broadcast_in_dim3A_117 = vector.broadcast %jit3A_115 : f32 to vector<16xf32>
          %broadcast_in_dim3A_118 = vector.broadcast %jit3A_116 : f32 to vector<16xf32>
          %select_n3A_119 = arith.select %ge3A_114, %broadcast_in_dim3A_117, %broadcast_in_dim3A_118 : vector<16xi1>, vector<16xf32>
          %sub3A_120 = arith.subf %mul3A_111, %select_n3A_119 : vector<16xf32>
          %convert_element_type3A_121 = arith.fptosi %select_n3A_119 : vector<16xf32> to vector<16xi32>
          %mul3A_122 = arith.constant 9 : i32
          %mul3A_123 = vector.broadcast %mul3A_122 : i32 to vector<16xi32>
          %mul3A_124 = arith.muli %convert_element_type3A_121, %mul3A_123 : vector<16xi32>
          %add3A_125 = arith.addi %add3A_108, %mul3A_124 : vector<16xi32>
          %sub3A_126 = arith.constant 1.000000e+00 : f32
          %sub3A_127 = vector.broadcast %sub3A_126 : f32 to vector<16xf32>
          %sub3A_128 = arith.subf %sub3A_127, %sub3A : vector<16xf32>
          %sub3A_129 = arith.constant 1.000000e+00 : f32
          %sub3A_130 = vector.broadcast %sub3A_129 : f32 to vector<16xf32>
          %sub3A_131 = arith.subf %sub3A_130, %sub3A_103 : vector<16xf32>
          %mul3A_132 = arith.mulf %sub3A_128, %sub3A_131 : vector<16xf32>
          %sub3A_133 = arith.constant 1.000000e+00 : f32
          %sub3A_134 = vector.broadcast %sub3A_133 : f32 to vector<16xf32>
          %sub3A_135 = arith.subf %sub3A_134, %sub3A_120 : vector<16xf32>
          %mul3A_136 = arith.mulf %mul3A_132, %sub3A_135 : vector<16xf32>
          %sub3A_137 = arith.constant 1.000000e+00 : f32
          %sub3A_138 = vector.broadcast %sub3A_137 : f32 to vector<16xf32>
          %sub3A_139 = arith.subf %sub3A_138, %sub3A_103 : vector<16xf32>
          %mul3A_140 = arith.mulf %sub3A, %sub3A_139 : vector<16xf32>
          %sub3A_141 = arith.constant 1.000000e+00 : f32
          %sub3A_142 = vector.broadcast %sub3A_141 : f32 to vector<16xf32>
          %sub3A_143 = arith.subf %sub3A_142, %sub3A_120 : vector<16xf32>
          %mul3A_144 = arith.mulf %mul3A_140, %sub3A_143 : vector<16xf32>
          %sub3A_145 = arith.constant 1.000000e+00 : f32
          %sub3A_146 = vector.broadcast %sub3A_145 : f32 to vector<16xf32>
          %sub3A_147 = arith.subf %sub3A_146, %sub3A : vector<16xf32>
          %mul3A_148 = arith.mulf %sub3A_147, %sub3A_103 : vector<16xf32>
          %sub3A_149 = arith.constant 1.000000e+00 : f32
          %sub3A_150 = vector.broadcast %sub3A_149 : f32 to vector<16xf32>
          %sub3A_151 = arith.subf %sub3A_150, %sub3A_120 : vector<16xf32>
          %mul3A_152 = arith.mulf %mul3A_148, %sub3A_151 : vector<16xf32>
          %mul3A_153 = arith.mulf %sub3A, %sub3A_103 : vector<16xf32>
          %sub3A_154 = arith.constant 1.000000e+00 : f32
          %sub3A_155 = vector.broadcast %sub3A_154 : f32 to vector<16xf32>
          %sub3A_156 = arith.subf %sub3A_155, %sub3A_120 : vector<16xf32>
          %mul3A_157 = arith.mulf %mul3A_153, %sub3A_156 : vector<16xf32>
          %sub3A_158 = arith.constant 1.000000e+00 : f32
          %sub3A_159 = vector.broadcast %sub3A_158 : f32 to vector<16xf32>
          %sub3A_160 = arith.subf %sub3A_159, %sub3A : vector<16xf32>
          %sub3A_161 = arith.constant 1.000000e+00 : f32
          %sub3A_162 = vector.broadcast %sub3A_161 : f32 to vector<16xf32>
          %sub3A_163 = arith.subf %sub3A_162, %sub3A_103 : vector<16xf32>
          %mul3A_164 = arith.mulf %sub3A_160, %sub3A_163 : vector<16xf32>
          %mul3A_165 = arith.mulf %mul3A_164, %sub3A_120 : vector<16xf32>
          %sub3A_166 = arith.constant 1.000000e+00 : f32
          %sub3A_167 = vector.broadcast %sub3A_166 : f32 to vector<16xf32>
          %sub3A_168 = arith.subf %sub3A_167, %sub3A_103 : vector<16xf32>
          %mul3A_169 = arith.mulf %sub3A, %sub3A_168 : vector<16xf32>
          %mul3A_170 = arith.mulf %mul3A_169, %sub3A_120 : vector<16xf32>
          %sub3A_171 = arith.constant 1.000000e+00 : f32
          %sub3A_172 = vector.broadcast %sub3A_171 : f32 to vector<16xf32>
          %sub3A_173 = arith.subf %sub3A_172, %sub3A : vector<16xf32>
          %mul3A_174 = arith.mulf %sub3A_173, %sub3A_103 : vector<16xf32>
          %mul3A_175 = arith.mulf %mul3A_174, %sub3A_120 : vector<16xf32>
          %mul3A_176 = arith.mulf %sub3A, %sub3A_103 : vector<16xf32>
          %mul3A_177 = arith.mulf %mul3A_176, %sub3A_120 : vector<16xf32>
          %add3A_178 = arith.constant 0 : i32
          %add3A_179 = vector.broadcast %add3A_178 : i32 to vector<16xi32>
          %add3A_180 = arith.addi %add3A_125, %add3A_179 : vector<16xi32>
          %convert_element_type3A_181 = arith.sitofp %add3A_180 : vector<16xi32> to vector<16xf32>
          %add3A_182 = arith.constant 1 : i32
          %add3A_183 = vector.broadcast %add3A_182 : i32 to vector<16xi32>
          %add3A_184 = arith.addi %add3A_125, %add3A_183 : vector<16xi32>
          %convert_element_type3A_185 = arith.sitofp %add3A_184 : vector<16xi32> to vector<16xf32>
          %add3A_186 = arith.constant 3 : i32
          %add3A_187 = vector.broadcast %add3A_186 : i32 to vector<16xi32>
          %add3A_188 = arith.addi %add3A_125, %add3A_187 : vector<16xi32>
          %convert_element_type3A_189 = arith.sitofp %add3A_188 : vector<16xi32> to vector<16xf32>
          %add3A_190 = arith.constant 4 : i32
          %add3A_191 = vector.broadcast %add3A_190 : i32 to vector<16xi32>
          %add3A_192 = arith.addi %add3A_125, %add3A_191 : vector<16xi32>
          %convert_element_type3A_193 = arith.sitofp %add3A_192 : vector<16xi32> to vector<16xf32>
          %add3A_194 = arith.constant 9 : i32
          %add3A_195 = vector.broadcast %add3A_194 : i32 to vector<16xi32>
          %add3A_196 = arith.addi %add3A_125, %add3A_195 : vector<16xi32>
          %convert_element_type3A_197 = arith.sitofp %add3A_196 : vector<16xi32> to vector<16xf32>
          %add3A_198 = arith.constant 10 : i32
          %add3A_199 = vector.broadcast %add3A_198 : i32 to vector<16xi32>
          %add3A_200 = arith.addi %add3A_125, %add3A_199 : vector<16xi32>
          %convert_element_type3A_201 = arith.sitofp %add3A_200 : vector<16xi32> to vector<16xf32>
          %add3A_202 = arith.constant 12 : i32
          %add3A_203 = vector.broadcast %add3A_202 : i32 to vector<16xi32>
          %add3A_204 = arith.addi %add3A_125, %add3A_203 : vector<16xi32>
          %convert_element_type3A_205 = arith.sitofp %add3A_204 : vector<16xi32> to vector<16xf32>
          %add3A_206 = arith.constant 13 : i32
          %add3A_207 = vector.broadcast %add3A_206 : i32 to vector<16xi32>
          %add3A_208 = arith.addi %add3A_125, %add3A_207 : vector<16xi32>
          %convert_element_type3A_209 = arith.sitofp %add3A_208 : vector<16xi32> to vector<16xf32>
          %scan3A_210 = arith.constant 0 : i32
          %scan3A_211 = arith.constant 0 : i32
          %scan3A_212 = arith.constant 16 : i32
          %scan3A_213 = arith.addi %scan3A_211, %scan3A_212 : i32
          %scan3A_214 = arith.constant 1 : i32
          %scan3A_215 = scf.for %scan3A_218 = %scan3A_211 to %scan3A_213 step %scan3A_214 iter_args(%scan3A_219 = %scan3A_210) -> (i32)  : i32 {
            %broadcast_in_dim3A_220 = vector.broadcast %scan3A_218 : i32 to vector<16xi32>
            %broadcast_in_dim3A_221 = arith.constant 0.000000e+00 : f32
            %broadcast_in_dim3A_222 = vector.broadcast %broadcast_in_dim3A_221 : f32 to vector<16xf32>
            %broadcast_in_dim3A_223 = arith.constant 0.000000e+00 : f32
            %broadcast_in_dim3A_224 = vector.broadcast %broadcast_in_dim3A_223 : f32 to vector<16xf32>
            %broadcast_in_dim3A_225 = vector.shape_cast %broadcast_in_dim3A_220 : vector<16xi32> to vector<16x1xi32>
            %gather3A = vector.shape_cast %broadcast_in_dim3A_225 : vector<16x1xi32> to vector<16xi32>
            %gather3A_226 = tpu.dynamic_gather %mul3A_136[%gather3A] in [0] : vector<16xf32>, vector<16xi32> -> vector<16xf32>
            %broadcast_in_dim3A_227 = vector.shape_cast %broadcast_in_dim3A_220 : vector<16xi32> to vector<16x1xi32>
            %gather3A_228 = vector.shape_cast %broadcast_in_dim3A_227 : vector<16x1xi32> to vector<16xi32>
            %gather3A_229 = tpu.dynamic_gather %convert_element_type3A_181[%gather3A_228] in [0] : vector<16xf32>, vector<16xi32> -> vector<16xf32>
            %eq3A_230 = arith.cmpf oeq, %convert_element_type3A, %gather3A_229 : vector<16xf32>
            %jit3A_231 = arith.constant 0.000000e+00 : f32
            %broadcast_in_dim3A_232 = vector.broadcast %jit3A_231 : f32 to vector<16xf32>
            %select_n3A_233 = arith.select %eq3A_230, %gather3A_226, %broadcast_in_dim3A_232 : vector<16xi1>, vector<16xf32>
            %add3A_234 = arith.addf %broadcast_in_dim3A_222, %select_n3A_233 : vector<16xf32>
            %eq3A_235 = arith.cmpf oeq, %add3A_3, %gather3A_229 : vector<16xf32>
            %jit3A_236 = arith.constant 0.000000e+00 : f32
            %broadcast_in_dim3A_237 = vector.broadcast %jit3A_236 : f32 to vector<16xf32>
            %select_n3A_238 = arith.select %eq3A_235, %gather3A_226, %broadcast_in_dim3A_237 : vector<16xi1>, vector<16xf32>
            %add3A_239 = arith.addf %broadcast_in_dim3A_224, %select_n3A_238 : vector<16xf32>
            %broadcast_in_dim3A_240 = vector.shape_cast %broadcast_in_dim3A_220 : vector<16xi32> to vector<16x1xi32>
            %gather3A_241 = vector.shape_cast %broadcast_in_dim3A_240 : vector<16x1xi32> to vector<16xi32>
            %gather3A_242 = tpu.dynamic_gather %mul3A_144[%gather3A_241] in [0] : vector<16xf32>, vector<16xi32> -> vector<16xf32>
            %broadcast_in_dim3A_243 = vector.shape_cast %broadcast_in_dim3A_220 : vector<16xi32> to vector<16x1xi32>
            %gather3A_244 = vector.shape_cast %broadcast_in_dim3A_243 : vector<16x1xi32> to vector<16xi32>
            %gather3A_245 = tpu.dynamic_gather %convert_element_type3A_185[%gather3A_244] in [0] : vector<16xf32>, vector<16xi32> -> vector<16xf32>
            %eq3A_246 = arith.cmpf oeq, %convert_element_type3A, %gather3A_245 : vector<16xf32>
            %jit3A_247 = arith.constant 0.000000e+00 : f32
            %broadcast_in_dim3A_248 = vector.broadcast %jit3A_247 : f32 to vector<16xf32>
            %select_n3A_249 = arith.select %eq3A_246, %gather3A_242, %broadcast_in_dim3A_248 : vector<16xi1>, vector<16xf32>
            %add3A_250 = arith.addf %add3A_234, %select_n3A_249 : vector<16xf32>
            %eq3A_251 = arith.cmpf oeq, %add3A_3, %gather3A_245 : vector<16xf32>
            %jit3A_252 = arith.constant 0.000000e+00 : f32
            %broadcast_in_dim3A_253 = vector.broadcast %jit3A_252 : f32 to vector<16xf32>
            %select_n3A_254 = arith.select %eq3A_251, %gather3A_242, %broadcast_in_dim3A_253 : vector<16xi1>, vector<16xf32>
            %add3A_255 = arith.addf %add3A_239, %select_n3A_254 : vector<16xf32>
            %broadcast_in_dim3A_256 = vector.shape_cast %broadcast_in_dim3A_220 : vector<16xi32> to vector<16x1xi32>
            %gather3A_257 = vector.shape_cast %broadcast_in_dim3A_256 : vector<16x1xi32> to vector<16xi32>
            %gather3A_258 = tpu.dynamic_gather %mul3A_152[%gather3A_257] in [0] : vector<16xf32>, vector<16xi32> -> vector<16xf32>
            %broadcast_in_dim3A_259 = vector.shape_cast %broadcast_in_dim3A_220 : vector<16xi32> to vector<16x1xi32>
            %gather3A_260 = vector.shape_cast %broadcast_in_dim3A_259 : vector<16x1xi32> to vector<16xi32>
            %gather3A_261 = tpu.dynamic_gather %convert_element_type3A_189[%gather3A_260] in [0] : vector<16xf32>, vector<16xi32> -> vector<16xf32>
            %eq3A_262 = arith.cmpf oeq, %convert_element_type3A, %gather3A_261 : vector<16xf32>
            %jit3A_263 = arith.constant 0.000000e+00 : f32
            %broadcast_in_dim3A_264 = vector.broadcast %jit3A_263 : f32 to vector<16xf32>
            %select_n3A_265 = arith.select %eq3A_262, %gather3A_258, %broadcast_in_dim3A_264 : vector<16xi1>, vector<16xf32>
            %add3A_266 = arith.addf %add3A_250, %select_n3A_265 : vector<16xf32>
            %eq3A_267 = arith.cmpf oeq, %add3A_3, %gather3A_261 : vector<16xf32>
            %jit3A_268 = arith.constant 0.000000e+00 : f32
            %broadcast_in_dim3A_269 = vector.broadcast %jit3A_268 : f32 to vector<16xf32>
            %select_n3A_270 = arith.select %eq3A_267, %gather3A_258, %broadcast_in_dim3A_269 : vector<16xi1>, vector<16xf32>
            %add3A_271 = arith.addf %add3A_255, %select_n3A_270 : vector<16xf32>
            %broadcast_in_dim3A_272 = vector.shape_cast %broadcast_in_dim3A_220 : vector<16xi32> to vector<16x1xi32>
            %gather3A_273 = vector.shape_cast %broadcast_in_dim3A_272 : vector<16x1xi32> to vector<16xi32>
            %gather3A_274 = tpu.dynamic_gather %mul3A_157[%gather3A_273] in [0] : vector<16xf32>, vector<16xi32> -> vector<16xf32>
            %broadcast_in_dim3A_275 = vector.shape_cast %broadcast_in_dim3A_220 : vector<16xi32> to vector<16x1xi32>
            %gather3A_276 = vector.shape_cast %broadcast_in_dim3A_275 : vector<16x1xi32> to vector<16xi32>
            %gather3A_277 = tpu.dynamic_gather %convert_element_type3A_193[%gather3A_276] in [0] : vector<16xf32>, vector<16xi32> -> vector<16xf32>
            %eq3A_278 = arith.cmpf oeq, %convert_element_type3A, %gather3A_277 : vector<16xf32>
            %jit3A_279 = arith.constant 0.000000e+00 : f32
            %broadcast_in_dim3A_280 = vector.broadcast %jit3A_279 : f32 to vector<16xf32>
            %select_n3A_281 = arith.select %eq3A_278, %gather3A_274, %broadcast_in_dim3A_280 : vector<16xi1>, vector<16xf32>
            %add3A_282 = arith.addf %add3A_266, %select_n3A_281 : vector<16xf32>
            %eq3A_283 = arith.cmpf oeq, %add3A_3, %gather3A_277 : vector<16xf32>
            %jit3A_284 = arith.constant 0.000000e+00 : f32
            %broadcast_in_dim3A_285 = vector.broadcast %jit3A_284 : f32 to vector<16xf32>
            %select_n3A_286 = arith.select %eq3A_283, %gather3A_274, %broadcast_in_dim3A_285 : vector<16xi1>, vector<16xf32>
            %add3A_287 = arith.addf %add3A_271, %select_n3A_286 : vector<16xf32>
            %broadcast_in_dim3A_288 = vector.shape_cast %broadcast_in_dim3A_220 : vector<16xi32> to vector<16x1xi32>
            %gather3A_289 = vector.shape_cast %broadcast_in_dim3A_288 : vector<16x1xi32> to vector<16xi32>
            %gather3A_290 = tpu.dynamic_gather %mul3A_165[%gather3A_289] in [0] : vector<16xf32>, vector<16xi32> -> vector<16xf32>
            %broadcast_in_dim3A_291 = vector.shape_cast %broadcast_in_dim3A_220 : vector<16xi32> to vector<16x1xi32>
            %gather3A_292 = vector.shape_cast %broadcast_in_dim3A_291 : vector<16x1xi32> to vector<16xi32>
            %gather3A_293 = tpu.dynamic_gather %convert_element_type3A_197[%gather3A_292] in [0] : vector<16xf32>, vector<16xi32> -> vector<16xf32>
            %eq3A_294 = arith.cmpf oeq, %convert_element_type3A, %gather3A_293 : vector<16xf32>
            %jit3A_295 = arith.constant 0.000000e+00 : f32
            %broadcast_in_dim3A_296 = vector.broadcast %jit3A_295 : f32 to vector<16xf32>
            %select_n3A_297 = arith.select %eq3A_294, %gather3A_290, %broadcast_in_dim3A_296 : vector<16xi1>, vector<16xf32>
            %add3A_298 = arith.addf %add3A_282, %select_n3A_297 : vector<16xf32>
            %eq3A_299 = arith.cmpf oeq, %add3A_3, %gather3A_293 : vector<16xf32>
            %jit3A_300 = arith.constant 0.000000e+00 : f32
            %broadcast_in_dim3A_301 = vector.broadcast %jit3A_300 : f32 to vector<16xf32>
            %select_n3A_302 = arith.select %eq3A_299, %gather3A_290, %broadcast_in_dim3A_301 : vector<16xi1>, vector<16xf32>
            %add3A_303 = arith.addf %add3A_287, %select_n3A_302 : vector<16xf32>
            %broadcast_in_dim3A_304 = vector.shape_cast %broadcast_in_dim3A_220 : vector<16xi32> to vector<16x1xi32>
            %gather3A_305 = vector.shape_cast %broadcast_in_dim3A_304 : vector<16x1xi32> to vector<16xi32>
            %gather3A_306 = tpu.dynamic_gather %mul3A_170[%gather3A_305] in [0] : vector<16xf32>, vector<16xi32> -> vector<16xf32>
            %broadcast_in_dim3A_307 = vector.shape_cast %broadcast_in_dim3A_220 : vector<16xi32> to vector<16x1xi32>
            %gather3A_308 = vector.shape_cast %broadcast_in_dim3A_307 : vector<16x1xi32> to vector<16xi32>
            %gather3A_309 = tpu.dynamic_gather %convert_element_type3A_201[%gather3A_308] in [0] : vector<16xf32>, vector<16xi32> -> vector<16xf32>
            %eq3A_310 = arith.cmpf oeq, %convert_element_type3A, %gather3A_309 : vector<16xf32>
            %jit3A_311 = arith.constant 0.000000e+00 : f32
            %broadcast_in_dim3A_312 = vector.broadcast %jit3A_311 : f32 to vector<16xf32>
            %select_n3A_313 = arith.select %eq3A_310, %gather3A_306, %broadcast_in_dim3A_312 : vector<16xi1>, vector<16xf32>
            %add3A_314 = arith.addf %add3A_298, %select_n3A_313 : vector<16xf32>
            %eq3A_315 = arith.cmpf oeq, %add3A_3, %gather3A_309 : vector<16xf32>
            %jit3A_316 = arith.constant 0.000000e+00 : f32
            %broadcast_in_dim3A_317 = vector.broadcast %jit3A_316 : f32 to vector<16xf32>
            %select_n3A_318 = arith.select %eq3A_315, %gather3A_306, %broadcast_in_dim3A_317 : vector<16xi1>, vector<16xf32>
            %add3A_319 = arith.addf %add3A_303, %select_n3A_318 : vector<16xf32>
            %broadcast_in_dim3A_320 = vector.shape_cast %broadcast_in_dim3A_220 : vector<16xi32> to vector<16x1xi32>
            %gather3A_321 = vector.shape_cast %broadcast_in_dim3A_320 : vector<16x1xi32> to vector<16xi32>
            %gather3A_322 = tpu.dynamic_gather %mul3A_175[%gather3A_321] in [0] : vector<16xf32>, vector<16xi32> -> vector<16xf32>
            %broadcast_in_dim3A_323 = vector.shape_cast %broadcast_in_dim3A_220 : vector<16xi32> to vector<16x1xi32>
            %gather3A_324 = vector.shape_cast %broadcast_in_dim3A_323 : vector<16x1xi32> to vector<16xi32>
            %gather3A_325 = tpu.dynamic_gather %convert_element_type3A_205[%gather3A_324] in [0] : vector<16xf32>, vector<16xi32> -> vector<16xf32>
            %eq3A_326 = arith.cmpf oeq, %convert_element_type3A, %gather3A_325 : vector<16xf32>
            %jit3A_327 = arith.constant 0.000000e+00 : f32
            %broadcast_in_dim3A_328 = vector.broadcast %jit3A_327 : f32 to vector<16xf32>
            %select_n3A_329 = arith.select %eq3A_326, %gather3A_322, %broadcast_in_dim3A_328 : vector<16xi1>, vector<16xf32>
            %add3A_330 = arith.addf %add3A_314, %select_n3A_329 : vector<16xf32>
            %eq3A_331 = arith.cmpf oeq, %add3A_3, %gather3A_325 : vector<16xf32>
            %jit3A_332 = arith.constant 0.000000e+00 : f32
            %broadcast_in_dim3A_333 = vector.broadcast %jit3A_332 : f32 to vector<16xf32>
            %select_n3A_334 = arith.select %eq3A_331, %gather3A_322, %broadcast_in_dim3A_333 : vector<16xi1>, vector<16xf32>
            %add3A_335 = arith.addf %add3A_319, %select_n3A_334 : vector<16xf32>
            %broadcast_in_dim3A_336 = vector.shape_cast %broadcast_in_dim3A_220 : vector<16xi32> to vector<16x1xi32>
            %gather3A_337 = vector.shape_cast %broadcast_in_dim3A_336 : vector<16x1xi32> to vector<16xi32>
            %gather3A_338 = tpu.dynamic_gather %mul3A_177[%gather3A_337] in [0] : vector<16xf32>, vector<16xi32> -> vector<16xf32>
            %broadcast_in_dim3A_339 = vector.shape_cast %broadcast_in_dim3A_220 : vector<16xi32> to vector<16x1xi32>
            %gather3A_340 = vector.shape_cast %broadcast_in_dim3A_339 : vector<16x1xi32> to vector<16xi32>
            %gather3A_341 = tpu.dynamic_gather %convert_element_type3A_209[%gather3A_340] in [0] : vector<16xf32>, vector<16xi32> -> vector<16xf32>
            %eq3A_342 = arith.cmpf oeq, %convert_element_type3A, %gather3A_341 : vector<16xf32>
            %jit3A_343 = arith.constant 0.000000e+00 : f32
            %broadcast_in_dim3A_344 = vector.broadcast %jit3A_343 : f32 to vector<16xf32>
            %select_n3A_345 = arith.select %eq3A_342, %gather3A_338, %broadcast_in_dim3A_344 : vector<16xi1>, vector<16xf32>
            %add3A_346 = arith.addf %add3A_330, %select_n3A_345 : vector<16xf32>
            %eq3A_347 = arith.cmpf oeq, %add3A_3, %gather3A_341 : vector<16xf32>
            %jit3A_348 = arith.constant 0.000000e+00 : f32
            %broadcast_in_dim3A_349 = vector.broadcast %jit3A_348 : f32 to vector<16xf32>
            %select_n3A_350 = arith.select %eq3A_347, %gather3A_338, %broadcast_in_dim3A_349 : vector<16xi1>, vector<16xf32>
            %add3A_351 = arith.addf %add3A_335, %select_n3A_350 : vector<16xf32>
            %mul3A_352 = arith.constant 16 : i32
            %mul3A_353 = arith.muli %scan3A_66, %mul3A_352 : i32
            %add3A_354 = arith.addi %mul3A_353, %scan3A_218 : i32
            %get3A_355 = arith.index_cast %add3A_354 : i32 to index
            %get3A_356 = arith.constant 0 : index
            %get3A_357 = tpu.vector_load %arg11[%get3A_355, %get3A_356] {strides = array<i32>} : memref<80x128xf32, #tpu.memory_space<vmem>>, vector<16xf32>,
            %mul3A_358 = arith.mulf %add3A_346, %get3A_357 : vector<16xf32>
            %mul3A_359 = arith.constant 16 : i32
            %mul3A_360 = arith.muli %scan3A_66, %mul3A_359 : i32
            %add3A_361 = arith.addi %mul3A_360, %scan3A_218 : i32
            %swap3A = arith.index_cast %add3A_361 : i32 to index
            %swap3A_362 = arith.constant 0 : index
            %swap3A_363 = tpu.vector_load %arg16[%swap3A, %swap3A_362] {strides = array<i32>} : memref<80x128xf32, #tpu.memory_space<vmem>>, vector<16xf32>,
            tpu.vector_store %arg16[%swap3A, %swap3A_362], %mul3A_358 {strides = array<i32>} : memref<80x128xf32, #tpu.memory_space<vmem>>, vector<16xf32>,
            %mul3A_364 = arith.mulf %add3A_351, %get3A_357 : vector<16xf32>
            %add3A_365 = arith.addf %mul3A_364, %select_n3A : vector<16xf32>
            %mul3A_366 = arith.constant 16 : i32
            %mul3A_367 = arith.muli %scan3A_66, %mul3A_366 : i32
            %add3A_368 = arith.addi %mul3A_367, %scan3A_218 : i32
            %swap3A_369 = arith.index_cast %add3A_368 : i32 to index
            %swap3A_370 = arith.constant 16 : index
            %swap3A_371 = tpu.vector_load %arg16[%swap3A_369, %swap3A_370] {strides = array<i32>} : memref<80x128xf32, #tpu.memory_space<vmem>>, vector<16xf32>,
            tpu.vector_store %arg16[%swap3A_369, %swap3A_370], %add3A_365 {strides = array<i32>} : memref<80x128xf32, #tpu.memory_space<vmem>>, vector<16xf32>,
            %scan3A_372 = arith.constant 0 : i32
            scf.yield %scan3A_372 : i32
          }
          %scan3A_216 = arith.constant 16 : i32
          %scan3A_217 = arith.constant 0 : i32
          scf.yield %scan3A_217 : i32
        }
        %scan3A_64 = arith.constant 5 : i32
        "tpu.region"() ({
          %run_scoped3A = tpu.sem_alloc : memref<!tpu.dma_semaphore, #tpu.memory_space<semaphore_mem>>
          %dma_start3A = arith.constant 0 : i32
          %dma_start3A_66 = tpu.memref_slice %arg15[%scan3A_56, %dma_start3A] : memref<5x80xi32, #tpu.memory_space<vmem>> -> memref<1x80xi32, #tpu.memory_space<vmem>>
          %dma_start3A_67 = tpu.memref_squeeze %dma_start3A_66 : memref<1x80xi32, #tpu.memory_space<vmem>> -> memref<80xi32, #tpu.memory_space<vmem>>
          %dma_start3A_68 = arith.constant 0 : i32
          %dma_start3A_69 = arith.constant 0 : i32
          %dma_start3A_70 = tpu.memref_slice %arg17[%dma_start3A_68, %dma_start3A_69] : memref<10240x128xf32, #tpu.memory_space<vmem_shared>> -> memref<10240x128xf32, #tpu.memory_space<vmem_shared>>
          tpu.enqueue_indirect_dma source(%arg16 : memref<80x128xf32, #tpu.memory_space<vmem>>) target(%dma_start3A_70 : memref<10240x128xf32, #tpu.memory_space<vmem_shared>>) offsets(%dma_start3A_67 : memref<80xi32, #tpu.memory_space<vmem>>) semaphore(%run_scoped3A : memref<!tpu.dma_semaphore, #tpu.memory_space<semaphore_mem>>) {add = true}
          %dma_wait3A = arith.constant 0 : i32
          %dma_wait3A_71 = tpu.memref_slice %arg15[%scan3A_56, %dma_wait3A] : memref<5x80xi32, #tpu.memory_space<vmem>> -> memref<1x80xi32, #tpu.memory_space<vmem>>
          %dma_wait3A_72 = tpu.memref_squeeze %dma_wait3A_71 : memref<1x80xi32, #tpu.memory_space<vmem>> -> memref<80xi32, #tpu.memory_space<vmem>>
          %dma_wait3A_73 = arith.constant 0 : i32
          %dma_wait3A_74 = arith.constant 0 : i32
          %dma_wait3A_75 = tpu.memref_slice %arg17[%dma_wait3A_73, %dma_wait3A_74] : memref<10240x128xf32, #tpu.memory_space<vmem_shared>> -> memref<10240x128xf32, #tpu.memory_space<vmem_shared>>
          tpu.wait_indirect_dma semaphore(%run_scoped3A : memref<!tpu.dma_semaphore, #tpu.memory_space<semaphore_mem>>) src(%arg16 : memref<80x128xf32, #tpu.memory_space<vmem>>) dst(%dma_wait3A_75 : memref<10240x128xf32, #tpu.memory_space<vmem_shared>>)
          tpu.yield
        }) : () -> ()
        %scan3A_65 = arith.constant 0 : i32
        scf.yield %scan3A_65 : i32
      }
      %scan3A_54 = arith.constant 5 : i32
      %scan3A_55 = arith.constant 0 : i32
      scf.yield %scan3A_55 : i32
    }
    %scan3A_29 = arith.constant 50 : i32
    %barrier3A_30 = arith.constant 0 : index
    tpu.barrier barrier_id(%barrier3A_30)
    %mul3A_31 = arith.constant 640 : i32
    %mul3A_32 = arith.muli %arg1, %mul3A_31 : i32
    %mul3A_33 = arith.constant 640 : i32
    %mul3A_34 = arith.muli %arg1, %mul3A_33 : i32
    "tpu.region"() ({
      %run_scoped3A = tpu.sem_alloc : memref<!tpu.dma_semaphore, #tpu.memory_space<semaphore_mem>>
      %dma_start3A = arith.constant 0 : i32
      %dma_start3A_35 = tpu.memref_slice %arg9[%arg0, %mul3A_34, %dma_start3A] : memref<2x10240x128xf32, #tpu.memory_space<hbm>> -> memref<1x640x128xf32, #tpu.memory_space<hbm>>
      %dma_start3A_36 = tpu.memref_squeeze %dma_start3A_35 : memref<1x640x128xf32, #tpu.memory_space<hbm>> -> memref<640x128xf32, #tpu.memory_space<hbm>>
      %dma_start3A_37 = arith.constant 0 : i32
      %dma_start3A_38 = tpu.memref_slice %arg17[%mul3A_32, %dma_start3A_37] : memref<10240x128xf32, #tpu.memory_space<vmem_shared>> -> memref<640x128xf32, #tpu.memory_space<vmem_shared>>
      tpu.enqueue_dma source(%dma_start3A_38 : memref<640x128xf32, #tpu.memory_space<vmem_shared>>) target(%dma_start3A_36 : memref<640x128xf32, #tpu.memory_space<hbm>>) target_semaphore(%run_scoped3A : memref<!tpu.dma_semaphore, #tpu.memory_space<semaphore_mem>>)
      %dma_wait3A = arith.constant 0 : i32
      %dma_wait3A_39 = tpu.memref_slice %arg9[%arg0, %mul3A_34, %dma_wait3A] : memref<2x10240x128xf32, #tpu.memory_space<hbm>> -> memref<1x640x128xf32, #tpu.memory_space<hbm>>
      %dma_wait3A_40 = tpu.memref_squeeze %dma_wait3A_39 : memref<1x640x128xf32, #tpu.memory_space<hbm>> -> memref<640x128xf32, #tpu.memory_space<hbm>>
      %dma_wait3A_41 = arith.constant 0 : i32
      %dma_wait3A_42 = tpu.memref_slice %arg17[%mul3A_32, %dma_wait3A_41] : memref<10240x128xf32, #tpu.memory_space<vmem_shared>> -> memref<640x128xf32, #tpu.memory_space<vmem_shared>>
      tpu.wait_dma2 semaphore(%run_scoped3A : memref<!tpu.dma_semaphore, #tpu.memory_space<semaphore_mem>>) src(%dma_wait3A_42 : memref<640x128xf32, #tpu.memory_space<vmem_shared>>) dst(%dma_wait3A_40 : memref<640x128xf32, #tpu.memory_space<hbm>>)
      tpu.yield
    }) : () -> ()
    return
  }
}

#map = affine_map<(d0, d1) -> (0)>
#map1 = affine_map<(d0, d1) -> (0, 0, 0)>
#map2 = affine_map<(d0, d1) -> (0, 0)>
module attributes {stable_mosaic.version = 14 : i64} {
  func.func @_sc2_body(%arg0: i32, %arg1: i32, %arg2: memref<640000xi32, #tpu.memory_space<hbm>>, %arg3: memref<1600x5x80xi32, #tpu.memory_space<hbm>>, %arg4: memref<640000xf32, #tpu.memory_space<hbm>>, %arg5: memref<640000xf32, #tpu.memory_space<hbm>>, %arg6: memref<640000xf32, #tpu.memory_space<hbm>>, %arg7: memref<270000x128xf32, #tpu.memory_space<hbm>>, %arg8: memref<10240x128xf32, #tpu.memory_space<hbm>>, %arg9: memref<2x10240x128xf32, #tpu.memory_space<hbm>>, %arg10: memref<400xi32, #tpu.memory_space<vmem>>, %arg11: memref<400xf32, #tpu.memory_space<vmem>>, %arg12: memref<400xf32, #tpu.memory_space<vmem>>, %arg13: memref<400xf32, #tpu.memory_space<vmem>>, %arg14: memref<5x80xi32, #tpu.memory_space<vmem>>, %arg15: memref<128xi32, #tpu.memory_space<vmem>>, %arg16: memref<128x128xf32, #tpu.memory_space<vmem>>, %arg17: memref<80x128xf32, #tpu.memory_space<vmem>>, %arg18: memref<10240x128xf32, #tpu.memory_space<vmem_shared>>) attributes {dimension_semantics = [#tpu.dimension_semantics<core_parallel>, #tpu.dimension_semantics<subcore_parallel>], iteration_bounds = array<i64: 2, 16>, scalar_prefetch = 0 : i64, scratch_operands = 9 : i64, tpu.core_type = #tpu.core_type<sc_vector_subcore>, window_params = [{transform_indices = #map}, {transform_indices = #map1}, {transform_indices = #map}, {transform_indices = #map}, {transform_indices = #map}, {transform_indices = #map2}, {transform_indices = #map2}, {transform_indices = #map1}]} {
    %mul3A = arith.constant 16 : i32
    %mul3A_0 = arith.muli %arg0, %mul3A : i32
    %add3A = arith.addi %mul3A_0, %arg1 : i32
    %iota3A = tpu.iota {dimensions = array<i32: 0>} : vector<16xi32>
    %mul3A_1 = arith.constant 640 : i32
    %mul3A_2 = arith.muli %arg1, %mul3A_1 : i32
    %mul3A_3 = arith.constant 640 : i32
    %mul3A_4 = arith.muli %arg1, %mul3A_3 : i32
    "tpu.region"() ({
      %run_scoped3A = tpu.sem_alloc : memref<!tpu.dma_semaphore, #tpu.memory_space<semaphore_mem>>
      %dma_start3A = arith.constant 0 : i32
      %dma_start3A_16 = tpu.memref_slice %arg18[%mul3A_4, %dma_start3A] : memref<10240x128xf32, #tpu.memory_space<vmem_shared>> -> memref<640x128xf32, #tpu.memory_space<vmem_shared>>
      %dma_start3A_17 = arith.constant 0 : i32
      %dma_start3A_18 = tpu.memref_slice %arg8[%mul3A_2, %dma_start3A_17] : memref<10240x128xf32, #tpu.memory_space<hbm>> -> memref<640x128xf32, #tpu.memory_space<hbm>>
      tpu.enqueue_dma source(%dma_start3A_18 : memref<640x128xf32, #tpu.memory_space<hbm>>) target(%dma_start3A_16 : memref<640x128xf32, #tpu.memory_space<vmem_shared>>) target_semaphore(%run_scoped3A : memref<!tpu.dma_semaphore, #tpu.memory_space<semaphore_mem>>)
      %dma_wait3A = arith.constant 0 : i32
      %dma_wait3A_19 = tpu.memref_slice %arg18[%mul3A_4, %dma_wait3A] : memref<10240x128xf32, #tpu.memory_space<vmem_shared>> -> memref<640x128xf32, #tpu.memory_space<vmem_shared>>
      %dma_wait3A_20 = arith.constant 0 : i32
      %dma_wait3A_21 = tpu.memref_slice %arg8[%mul3A_2, %dma_wait3A_20] : memref<10240x128xf32, #tpu.memory_space<hbm>> -> memref<640x128xf32, #tpu.memory_space<hbm>>
      tpu.wait_dma2 semaphore(%run_scoped3A : memref<!tpu.dma_semaphore, #tpu.memory_space<semaphore_mem>>) src(%dma_wait3A_21 : memref<640x128xf32, #tpu.memory_space<hbm>>) dst(%dma_wait3A_19 : memref<640x128xf32, #tpu.memory_space<vmem_shared>>)
      tpu.yield
    }) : () -> ()
    %barrier3A = arith.constant 0 : index
    tpu.barrier barrier_id(%barrier3A)
    %scan3A = arith.constant 0 : i32
    %scan3A_5 = arith.constant 0 : i32
    %scan3A_6 = arith.constant 50 : i32
    %scan3A_7 = arith.addi %scan3A_5, %scan3A_6 : i32
    %scan3A_8 = arith.constant 1 : i32
    %scan3A_9 = scf.for %scan3A_16 = %scan3A_5 to %scan3A_7 step %scan3A_8 iter_args(%scan3A_17 = %scan3A) -> (i32)  : i32 {
      %mul3A_18 = arith.constant 20000 : i32
      %mul3A_19 = arith.muli %add3A, %mul3A_18 : i32
      %mul3A_20 = arith.constant 400 : i32
      %mul3A_21 = arith.muli %scan3A_16, %mul3A_20 : i32
      %add3A_22 = arith.addi %mul3A_19, %mul3A_21 : i32
      "tpu.region"() ({
        %run_scoped3A = tpu.sem_alloc : memref<!tpu.dma_semaphore, #tpu.memory_space<semaphore_mem>>
        %dma_start3A = tpu.memref_slice %arg2[%add3A_22] : memref<640000xi32, #tpu.memory_space<hbm>> -> memref<400xi32, #tpu.memory_space<hbm>>
        %dma_start3A_34 = tpu.memref_slice %arg2[%add3A_22] : memref<640000xi32, #tpu.memory_space<hbm>> -> memref<400xi32, #tpu.memory_space<hbm>>
        tpu.enqueue_dma source(%dma_start3A_34 : memref<400xi32, #tpu.memory_space<hbm>>) target(%arg10 : memref<400xi32, #tpu.memory_space<vmem>>) target_semaphore(%run_scoped3A : memref<!tpu.dma_semaphore, #tpu.memory_space<semaphore_mem>>)
        %dma_wait3A = tpu.memref_slice %arg2[%add3A_22] : memref<640000xi32, #tpu.memory_space<hbm>> -> memref<400xi32, #tpu.memory_space<hbm>>
        %dma_wait3A_35 = tpu.memref_slice %arg2[%add3A_22] : memref<640000xi32, #tpu.memory_space<hbm>> -> memref<400xi32, #tpu.memory_space<hbm>>
        tpu.wait_dma2 semaphore(%run_scoped3A : memref<!tpu.dma_semaphore, #tpu.memory_space<semaphore_mem>>) src(%dma_wait3A_35 : memref<400xi32, #tpu.memory_space<hbm>>) dst(%arg10 : memref<400xi32, #tpu.memory_space<vmem>>)
        tpu.yield
      }) : () -> ()
      "tpu.region"() ({
        %run_scoped3A = tpu.sem_alloc : memref<!tpu.dma_semaphore, #tpu.memory_space<semaphore_mem>>
        %dma_start3A = tpu.memref_slice %arg4[%add3A_22] : memref<640000xf32, #tpu.memory_space<hbm>> -> memref<400xf32, #tpu.memory_space<hbm>>
        %dma_start3A_34 = tpu.memref_slice %arg4[%add3A_22] : memref<640000xf32, #tpu.memory_space<hbm>> -> memref<400xf32, #tpu.memory_space<hbm>>
        tpu.enqueue_dma source(%dma_start3A_34 : memref<400xf32, #tpu.memory_space<hbm>>) target(%arg11 : memref<400xf32, #tpu.memory_space<vmem>>) target_semaphore(%run_scoped3A : memref<!tpu.dma_semaphore, #tpu.memory_space<semaphore_mem>>)
        %dma_wait3A = tpu.memref_slice %arg4[%add3A_22] : memref<640000xf32, #tpu.memory_space<hbm>> -> memref<400xf32, #tpu.memory_space<hbm>>
        %dma_wait3A_35 = tpu.memref_slice %arg4[%add3A_22] : memref<640000xf32, #tpu.memory_space<hbm>> -> memref<400xf32, #tpu.memory_space<hbm>>
        tpu.wait_dma2 semaphore(%run_scoped3A : memref<!tpu.dma_semaphore, #tpu.memory_space<semaphore_mem>>) src(%dma_wait3A_35 : memref<400xf32, #tpu.memory_space<hbm>>) dst(%arg11 : memref<400xf32, #tpu.memory_space<vmem>>)
        tpu.yield
      }) : () -> ()
      "tpu.region"() ({
        %run_scoped3A = tpu.sem_alloc : memref<!tpu.dma_semaphore, #tpu.memory_space<semaphore_mem>>
        %dma_start3A = tpu.memref_slice %arg5[%add3A_22] : memref<640000xf32, #tpu.memory_space<hbm>> -> memref<400xf32, #tpu.memory_space<hbm>>
        %dma_start3A_34 = tpu.memref_slice %arg5[%add3A_22] : memref<640000xf32, #tpu.memory_space<hbm>> -> memref<400xf32, #tpu.memory_space<hbm>>
        tpu.enqueue_dma source(%dma_start3A_34 : memref<400xf32, #tpu.memory_space<hbm>>) target(%arg12 : memref<400xf32, #tpu.memory_space<vmem>>) target_semaphore(%run_scoped3A : memref<!tpu.dma_semaphore, #tpu.memory_space<semaphore_mem>>)
        %dma_wait3A = tpu.memref_slice %arg5[%add3A_22] : memref<640000xf32, #tpu.memory_space<hbm>> -> memref<400xf32, #tpu.memory_space<hbm>>
        %dma_wait3A_35 = tpu.memref_slice %arg5[%add3A_22] : memref<640000xf32, #tpu.memory_space<hbm>> -> memref<400xf32, #tpu.memory_space<hbm>>
        tpu.wait_dma2 semaphore(%run_scoped3A : memref<!tpu.dma_semaphore, #tpu.memory_space<semaphore_mem>>) src(%dma_wait3A_35 : memref<400xf32, #tpu.memory_space<hbm>>) dst(%arg12 : memref<400xf32, #tpu.memory_space<vmem>>)
        tpu.yield
      }) : () -> ()
      "tpu.region"() ({
        %run_scoped3A = tpu.sem_alloc : memref<!tpu.dma_semaphore, #tpu.memory_space<semaphore_mem>>
        %dma_start3A = tpu.memref_slice %arg6[%add3A_22] : memref<640000xf32, #tpu.memory_space<hbm>> -> memref<400xf32, #tpu.memory_space<hbm>>
        %dma_start3A_34 = tpu.memref_slice %arg6[%add3A_22] : memref<640000xf32, #tpu.memory_space<hbm>> -> memref<400xf32, #tpu.memory_space<hbm>>
        tpu.enqueue_dma source(%dma_start3A_34 : memref<400xf32, #tpu.memory_space<hbm>>) target(%arg13 : memref<400xf32, #tpu.memory_space<vmem>>) target_semaphore(%run_scoped3A : memref<!tpu.dma_semaphore, #tpu.memory_space<semaphore_mem>>)
        %dma_wait3A = tpu.memref_slice %arg6[%add3A_22] : memref<640000xf32, #tpu.memory_space<hbm>> -> memref<400xf32, #tpu.memory_space<hbm>>
        %dma_wait3A_35 = tpu.memref_slice %arg6[%add3A_22] : memref<640000xf32, #tpu.memory_space<hbm>> -> memref<400xf32, #tpu.memory_space<hbm>>
        tpu.wait_dma2 semaphore(%run_scoped3A : memref<!tpu.dma_semaphore, #tpu.memory_space<semaphore_mem>>) src(%dma_wait3A_35 : memref<400xf32, #tpu.memory_space<hbm>>) dst(%arg13 : memref<400xf32, #tpu.memory_space<vmem>>)
        tpu.yield
      }) : () -> ()
      %mul3A_23 = arith.constant 50 : i32
      %mul3A_24 = arith.muli %add3A, %mul3A_23 : i32
      %add3A_25 = arith.addi %mul3A_24, %scan3A_16 : i32
      "tpu.region"() ({
        %run_scoped3A = tpu.sem_alloc : memref<!tpu.dma_semaphore, #tpu.memory_space<semaphore_mem>>
        %dma_start3A = arith.constant 0 : i32
        %dma_start3A_34 = arith.constant 0 : i32
        %dma_start3A_35 = tpu.memref_slice %arg3[%add3A_25, %dma_start3A, %dma_start3A_34] : memref<1600x5x80xi32, #tpu.memory_space<hbm>> -> memref<1x5x80xi32, #tpu.memory_space<hbm>>
        %dma_start3A_36 = tpu.memref_squeeze %dma_start3A_35 : memref<1x5x80xi32, #tpu.memory_space<hbm>> -> memref<5x80xi32, #tpu.memory_space<hbm>>
        %dma_start3A_37 = arith.constant 0 : i32
        %dma_start3A_38 = arith.constant 0 : i32
        %dma_start3A_39 = tpu.memref_slice %arg3[%add3A_25, %dma_start3A_37, %dma_start3A_38] : memref<1600x5x80xi32, #tpu.memory_space<hbm>> -> memref<1x5x80xi32, #tpu.memory_space<hbm>>
        %dma_start3A_40 = tpu.memref_squeeze %dma_start3A_39 : memref<1x5x80xi32, #tpu.memory_space<hbm>> -> memref<5x80xi32, #tpu.memory_space<hbm>>
        tpu.enqueue_dma source(%dma_start3A_40 : memref<5x80xi32, #tpu.memory_space<hbm>>) target(%arg14 : memref<5x80xi32, #tpu.memory_space<vmem>>) target_semaphore(%run_scoped3A : memref<!tpu.dma_semaphore, #tpu.memory_space<semaphore_mem>>)
        %dma_wait3A = arith.constant 0 : i32
        %dma_wait3A_41 = arith.constant 0 : i32
        %dma_wait3A_42 = tpu.memref_slice %arg3[%add3A_25, %dma_wait3A, %dma_wait3A_41] : memref<1600x5x80xi32, #tpu.memory_space<hbm>> -> memref<1x5x80xi32, #tpu.memory_space<hbm>>
        %dma_wait3A_43 = tpu.memref_squeeze %dma_wait3A_42 : memref<1x5x80xi32, #tpu.memory_space<hbm>> -> memref<5x80xi32, #tpu.memory_space<hbm>>
        %dma_wait3A_44 = arith.constant 0 : i32
        %dma_wait3A_45 = arith.constant 0 : i32
        %dma_wait3A_46 = tpu.memref_slice %arg3[%add3A_25, %dma_wait3A_44, %dma_wait3A_45] : memref<1600x5x80xi32, #tpu.memory_space<hbm>> -> memref<1x5x80xi32, #tpu.memory_space<hbm>>
        %dma_wait3A_47 = tpu.memref_squeeze %dma_wait3A_46 : memref<1x5x80xi32, #tpu.memory_space<hbm>> -> memref<5x80xi32, #tpu.memory_space<hbm>>
        tpu.wait_dma2 semaphore(%run_scoped3A : memref<!tpu.dma_semaphore, #tpu.memory_space<semaphore_mem>>) src(%dma_wait3A_47 : memref<5x80xi32, #tpu.memory_space<hbm>>) dst(%arg14 : memref<5x80xi32, #tpu.memory_space<vmem>>)
        tpu.yield
      }) : () -> ()
      %scan3A_26 = arith.constant 0 : i32
      %scan3A_27 = arith.constant 0 : i32
      %scan3A_28 = arith.constant 5 : i32
      %scan3A_29 = arith.addi %scan3A_27, %scan3A_28 : i32
      %scan3A_30 = arith.constant 1 : i32
      %scan3A_31 = scf.for %scan3A_34 = %scan3A_27 to %scan3A_29 step %scan3A_30 iter_args(%scan3A_35 = %scan3A_26) -> (i32)  : i32 {
        %scan3A_36 = arith.constant 0 : i32
        %scan3A_37 = arith.constant 0 : i32
        %scan3A_38 = arith.constant 5 : i32
        %scan3A_39 = arith.addi %scan3A_37, %scan3A_38 : i32
        %scan3A_40 = arith.constant 1 : i32
        %scan3A_41 = scf.for %scan3A_44 = %scan3A_37 to %scan3A_39 step %scan3A_40 iter_args(%scan3A_45 = %scan3A_36) -> (i32)  : i32 {
          %mul3A_46 = arith.constant 80 : i32
          %mul3A_47 = arith.muli %scan3A_34, %mul3A_46 : i32
          %mul3A_48 = arith.constant 16 : i32
          %mul3A_49 = arith.muli %scan3A_44, %mul3A_48 : i32
          %add3A_50 = arith.addi %mul3A_47, %mul3A_49 : i32
          %get3A = arith.index_cast %add3A_50 : i32 to index
          %get3A_51 = tpu.vector_load %arg10[%get3A] {strides = array<i32>} : memref<400xi32, #tpu.memory_space<vmem>>, vector<16xi32>,
          %get3A_52 = arith.index_cast %add3A_50 : i32 to index
          %get3A_53 = tpu.vector_load %arg11[%get3A_52] {strides = array<i32>} : memref<400xf32, #tpu.memory_space<vmem>>, vector<16xf32>,
          %get3A_54 = arith.index_cast %add3A_50 : i32 to index
          %get3A_55 = tpu.vector_load %arg12[%get3A_54] {strides = array<i32>} : memref<400xf32, #tpu.memory_space<vmem>>, vector<16xf32>,
          %get3A_56 = arith.index_cast %add3A_50 : i32 to index
          %get3A_57 = tpu.vector_load %arg13[%get3A_56] {strides = array<i32>} : memref<400xf32, #tpu.memory_space<vmem>>, vector<16xf32>,
          %mul3A_58 = arith.constant 2.000000e+00 : f32
          %mul3A_59 = vector.broadcast %mul3A_58 : f32 to vector<16xf32>
          %mul3A_60 = arith.mulf %get3A_53, %mul3A_59 : vector<16xf32>
          %ge3A = arith.constant 1.000000e+00 : f32
          %ge3A_61 = vector.broadcast %ge3A : f32 to vector<16xf32>
          %ge3A_62 = arith.cmpf oge, %mul3A_60, %ge3A_61 : vector<16xf32>
          %jit3A = arith.constant 1.000000e+00 : f32
          %jit3A_63 = arith.constant 0.000000e+00 : f32
          %broadcast_in_dim3A = vector.broadcast %jit3A : f32 to vector<16xf32>
          %broadcast_in_dim3A_64 = vector.broadcast %jit3A_63 : f32 to vector<16xf32>
          %select_n3A = arith.select %ge3A_62, %broadcast_in_dim3A, %broadcast_in_dim3A_64 : vector<16xi1>, vector<16xf32>
          %sub3A = arith.subf %mul3A_60, %select_n3A : vector<16xf32>
          %convert_element_type3A = arith.fptosi %select_n3A : vector<16xf32> to vector<16xi32>
          %mul3A_65 = arith.constant 1 : i32
          %mul3A_66 = vector.broadcast %mul3A_65 : i32 to vector<16xi32>
          %mul3A_67 = arith.muli %convert_element_type3A, %mul3A_66 : vector<16xi32>
          %mul3A_68 = arith.constant 2.000000e+00 : f32
          %mul3A_69 = vector.broadcast %mul3A_68 : f32 to vector<16xf32>
          %mul3A_70 = arith.mulf %get3A_55, %mul3A_69 : vector<16xf32>
          %ge3A_71 = arith.constant 1.000000e+00 : f32
          %ge3A_72 = vector.broadcast %ge3A_71 : f32 to vector<16xf32>
          %ge3A_73 = arith.cmpf oge, %mul3A_70, %ge3A_72 : vector<16xf32>
          %jit3A_74 = arith.constant 1.000000e+00 : f32
          %jit3A_75 = arith.constant 0.000000e+00 : f32
          %broadcast_in_dim3A_76 = vector.broadcast %jit3A_74 : f32 to vector<16xf32>
          %broadcast_in_dim3A_77 = vector.broadcast %jit3A_75 : f32 to vector<16xf32>
          %select_n3A_78 = arith.select %ge3A_73, %broadcast_in_dim3A_76, %broadcast_in_dim3A_77 : vector<16xi1>, vector<16xf32>
          %sub3A_79 = arith.subf %mul3A_70, %select_n3A_78 : vector<16xf32>
          %convert_element_type3A_80 = arith.fptosi %select_n3A_78 : vector<16xf32> to vector<16xi32>
          %mul3A_81 = arith.constant 3 : i32
          %mul3A_82 = vector.broadcast %mul3A_81 : i32 to vector<16xi32>
          %mul3A_83 = arith.muli %convert_element_type3A_80, %mul3A_82 : vector<16xi32>
          %add3A_84 = arith.addi %mul3A_67, %mul3A_83 : vector<16xi32>
          %mul3A_85 = arith.constant 2.000000e+00 : f32
          %mul3A_86 = vector.broadcast %mul3A_85 : f32 to vector<16xf32>
          %mul3A_87 = arith.mulf %get3A_57, %mul3A_86 : vector<16xf32>
          %ge3A_88 = arith.constant 1.000000e+00 : f32
          %ge3A_89 = vector.broadcast %ge3A_88 : f32 to vector<16xf32>
          %ge3A_90 = arith.cmpf oge, %mul3A_87, %ge3A_89 : vector<16xf32>
          %jit3A_91 = arith.constant 1.000000e+00 : f32
          %jit3A_92 = arith.constant 0.000000e+00 : f32
          %broadcast_in_dim3A_93 = vector.broadcast %jit3A_91 : f32 to vector<16xf32>
          %broadcast_in_dim3A_94 = vector.broadcast %jit3A_92 : f32 to vector<16xf32>
          %select_n3A_95 = arith.select %ge3A_90, %broadcast_in_dim3A_93, %broadcast_in_dim3A_94 : vector<16xi1>, vector<16xf32>
          %sub3A_96 = arith.subf %mul3A_87, %select_n3A_95 : vector<16xf32>
          %convert_element_type3A_97 = arith.fptosi %select_n3A_95 : vector<16xf32> to vector<16xi32>
          %mul3A_98 = arith.constant 9 : i32
          %mul3A_99 = vector.broadcast %mul3A_98 : i32 to vector<16xi32>
          %mul3A_100 = arith.muli %convert_element_type3A_97, %mul3A_99 : vector<16xi32>
          %add3A_101 = arith.addi %add3A_84, %mul3A_100 : vector<16xi32>
          %mul3A_102 = arith.constant 27 : i32
          %mul3A_103 = vector.broadcast %mul3A_102 : i32 to vector<16xi32>
          %mul3A_104 = arith.muli %get3A_51, %mul3A_103 : vector<16xi32>
          %mul3A_105 = arith.constant 8 : i32
          %mul3A_106 = vector.broadcast %mul3A_105 : i32 to vector<16xi32>
          %mul3A_107 = arith.muli %iota3A, %mul3A_106 : vector<16xi32>
          %add3A_108 = arith.constant 0 : i32
          %add3A_109 = vector.broadcast %add3A_108 : i32 to vector<16xi32>
          %add3A_110 = arith.addi %mul3A_107, %add3A_109 : vector<16xi32>
          %add3A_111 = arith.addi %mul3A_104, %add3A_101 : vector<16xi32>
          %add3A_112 = arith.constant 0 : i32
          %add3A_113 = vector.broadcast %add3A_112 : i32 to vector<16xi32>
          %add3A_114 = arith.addi %add3A_111, %add3A_113 : vector<16xi32>
          tpu.vector_store_idx %arg15[%add3A_110], %add3A_114 : memref<128xi32, #tpu.memory_space<vmem>>[vector<16xi32>], vector<16xi32>,
          %sub3A_115 = arith.constant 1.000000e+00 : f32
          %sub3A_116 = vector.broadcast %sub3A_115 : f32 to vector<16xf32>
          %sub3A_117 = arith.subf %sub3A_116, %sub3A : vector<16xf32>
          %sub3A_118 = arith.constant 1.000000e+00 : f32
          %sub3A_119 = vector.broadcast %sub3A_118 : f32 to vector<16xf32>
          %sub3A_120 = arith.subf %sub3A_119, %sub3A_79 : vector<16xf32>
          %mul3A_121 = arith.mulf %sub3A_117, %sub3A_120 : vector<16xf32>
          %sub3A_122 = arith.constant 1.000000e+00 : f32
          %sub3A_123 = vector.broadcast %sub3A_122 : f32 to vector<16xf32>
          %sub3A_124 = arith.subf %sub3A_123, %sub3A_96 : vector<16xf32>
          %mul3A_125 = arith.mulf %mul3A_121, %sub3A_124 : vector<16xf32>
          %mul3A_126 = arith.constant 8 : i32
          %mul3A_127 = vector.broadcast %mul3A_126 : i32 to vector<16xi32>
          %mul3A_128 = arith.muli %iota3A, %mul3A_127 : vector<16xi32>
          %add3A_129 = arith.constant 1 : i32
          %add3A_130 = vector.broadcast %add3A_129 : i32 to vector<16xi32>
          %add3A_131 = arith.addi %mul3A_128, %add3A_130 : vector<16xi32>
          %add3A_132 = arith.addi %mul3A_104, %add3A_101 : vector<16xi32>
          %add3A_133 = arith.constant 1 : i32
          %add3A_134 = vector.broadcast %add3A_133 : i32 to vector<16xi32>
          %add3A_135 = arith.addi %add3A_132, %add3A_134 : vector<16xi32>
          tpu.vector_store_idx %arg15[%add3A_131], %add3A_135 : memref<128xi32, #tpu.memory_space<vmem>>[vector<16xi32>], vector<16xi32>,
          %sub3A_136 = arith.constant 1.000000e+00 : f32
          %sub3A_137 = vector.broadcast %sub3A_136 : f32 to vector<16xf32>
          %sub3A_138 = arith.subf %sub3A_137, %sub3A_79 : vector<16xf32>
          %mul3A_139 = arith.mulf %sub3A, %sub3A_138 : vector<16xf32>
          %sub3A_140 = arith.constant 1.000000e+00 : f32
          %sub3A_141 = vector.broadcast %sub3A_140 : f32 to vector<16xf32>
          %sub3A_142 = arith.subf %sub3A_141, %sub3A_96 : vector<16xf32>
          %mul3A_143 = arith.mulf %mul3A_139, %sub3A_142 : vector<16xf32>
          %mul3A_144 = arith.constant 8 : i32
          %mul3A_145 = vector.broadcast %mul3A_144 : i32 to vector<16xi32>
          %mul3A_146 = arith.muli %iota3A, %mul3A_145 : vector<16xi32>
          %add3A_147 = arith.constant 2 : i32
          %add3A_148 = vector.broadcast %add3A_147 : i32 to vector<16xi32>
          %add3A_149 = arith.addi %mul3A_146, %add3A_148 : vector<16xi32>
          %add3A_150 = arith.addi %mul3A_104, %add3A_101 : vector<16xi32>
          %add3A_151 = arith.constant 3 : i32
          %add3A_152 = vector.broadcast %add3A_151 : i32 to vector<16xi32>
          %add3A_153 = arith.addi %add3A_150, %add3A_152 : vector<16xi32>
          tpu.vector_store_idx %arg15[%add3A_149], %add3A_153 : memref<128xi32, #tpu.memory_space<vmem>>[vector<16xi32>], vector<16xi32>,
          %sub3A_154 = arith.constant 1.000000e+00 : f32
          %sub3A_155 = vector.broadcast %sub3A_154 : f32 to vector<16xf32>
          %sub3A_156 = arith.subf %sub3A_155, %sub3A : vector<16xf32>
          %mul3A_157 = arith.mulf %sub3A_156, %sub3A_79 : vector<16xf32>
          %sub3A_158 = arith.constant 1.000000e+00 : f32
          %sub3A_159 = vector.broadcast %sub3A_158 : f32 to vector<16xf32>
          %sub3A_160 = arith.subf %sub3A_159, %sub3A_96 : vector<16xf32>
          %mul3A_161 = arith.mulf %mul3A_157, %sub3A_160 : vector<16xf32>
          %mul3A_162 = arith.constant 8 : i32
          %mul3A_163 = vector.broadcast %mul3A_162 : i32 to vector<16xi32>
          %mul3A_164 = arith.muli %iota3A, %mul3A_163 : vector<16xi32>
          %add3A_165 = arith.constant 3 : i32
          %add3A_166 = vector.broadcast %add3A_165 : i32 to vector<16xi32>
          %add3A_167 = arith.addi %mul3A_164, %add3A_166 : vector<16xi32>
          %add3A_168 = arith.addi %mul3A_104, %add3A_101 : vector<16xi32>
          %add3A_169 = arith.constant 4 : i32
          %add3A_170 = vector.broadcast %add3A_169 : i32 to vector<16xi32>
          %add3A_171 = arith.addi %add3A_168, %add3A_170 : vector<16xi32>
          tpu.vector_store_idx %arg15[%add3A_167], %add3A_171 : memref<128xi32, #tpu.memory_space<vmem>>[vector<16xi32>], vector<16xi32>,
          %mul3A_172 = arith.mulf %sub3A, %sub3A_79 : vector<16xf32>
          %sub3A_173 = arith.constant 1.000000e+00 : f32
          %sub3A_174 = vector.broadcast %sub3A_173 : f32 to vector<16xf32>
          %sub3A_175 = arith.subf %sub3A_174, %sub3A_96 : vector<16xf32>
          %mul3A_176 = arith.mulf %mul3A_172, %sub3A_175 : vector<16xf32>
          %mul3A_177 = arith.constant 8 : i32
          %mul3A_178 = vector.broadcast %mul3A_177 : i32 to vector<16xi32>
          %mul3A_179 = arith.muli %iota3A, %mul3A_178 : vector<16xi32>
          %add3A_180 = arith.constant 4 : i32
          %add3A_181 = vector.broadcast %add3A_180 : i32 to vector<16xi32>
          %add3A_182 = arith.addi %mul3A_179, %add3A_181 : vector<16xi32>
          %add3A_183 = arith.addi %mul3A_104, %add3A_101 : vector<16xi32>
          %add3A_184 = arith.constant 9 : i32
          %add3A_185 = vector.broadcast %add3A_184 : i32 to vector<16xi32>
          %add3A_186 = arith.addi %add3A_183, %add3A_185 : vector<16xi32>
          tpu.vector_store_idx %arg15[%add3A_182], %add3A_186 : memref<128xi32, #tpu.memory_space<vmem>>[vector<16xi32>], vector<16xi32>,
          %sub3A_187 = arith.constant 1.000000e+00 : f32
          %sub3A_188 = vector.broadcast %sub3A_187 : f32 to vector<16xf32>
          %sub3A_189 = arith.subf %sub3A_188, %sub3A : vector<16xf32>
          %sub3A_190 = arith.constant 1.000000e+00 : f32
          %sub3A_191 = vector.broadcast %sub3A_190 : f32 to vector<16xf32>
          %sub3A_192 = arith.subf %sub3A_191, %sub3A_79 : vector<16xf32>
          %mul3A_193 = arith.mulf %sub3A_189, %sub3A_192 : vector<16xf32>
          %mul3A_194 = arith.mulf %mul3A_193, %sub3A_96 : vector<16xf32>
          %mul3A_195 = arith.constant 8 : i32
          %mul3A_196 = vector.broadcast %mul3A_195 : i32 to vector<16xi32>
          %mul3A_197 = arith.muli %iota3A, %mul3A_196 : vector<16xi32>
          %add3A_198 = arith.constant 5 : i32
          %add3A_199 = vector.broadcast %add3A_198 : i32 to vector<16xi32>
          %add3A_200 = arith.addi %mul3A_197, %add3A_199 : vector<16xi32>
          %add3A_201 = arith.addi %mul3A_104, %add3A_101 : vector<16xi32>
          %add3A_202 = arith.constant 10 : i32
          %add3A_203 = vector.broadcast %add3A_202 : i32 to vector<16xi32>
          %add3A_204 = arith.addi %add3A_201, %add3A_203 : vector<16xi32>
          tpu.vector_store_idx %arg15[%add3A_200], %add3A_204 : memref<128xi32, #tpu.memory_space<vmem>>[vector<16xi32>], vector<16xi32>,
          %sub3A_205 = arith.constant 1.000000e+00 : f32
          %sub3A_206 = vector.broadcast %sub3A_205 : f32 to vector<16xf32>
          %sub3A_207 = arith.subf %sub3A_206, %sub3A_79 : vector<16xf32>
          %mul3A_208 = arith.mulf %sub3A, %sub3A_207 : vector<16xf32>
          %mul3A_209 = arith.mulf %mul3A_208, %sub3A_96 : vector<16xf32>
          %mul3A_210 = arith.constant 8 : i32
          %mul3A_211 = vector.broadcast %mul3A_210 : i32 to vector<16xi32>
          %mul3A_212 = arith.muli %iota3A, %mul3A_211 : vector<16xi32>
          %add3A_213 = arith.constant 6 : i32
          %add3A_214 = vector.broadcast %add3A_213 : i32 to vector<16xi32>
          %add3A_215 = arith.addi %mul3A_212, %add3A_214 : vector<16xi32>
          %add3A_216 = arith.addi %mul3A_104, %add3A_101 : vector<16xi32>
          %add3A_217 = arith.constant 12 : i32
          %add3A_218 = vector.broadcast %add3A_217 : i32 to vector<16xi32>
          %add3A_219 = arith.addi %add3A_216, %add3A_218 : vector<16xi32>
          tpu.vector_store_idx %arg15[%add3A_215], %add3A_219 : memref<128xi32, #tpu.memory_space<vmem>>[vector<16xi32>], vector<16xi32>,
          %sub3A_220 = arith.constant 1.000000e+00 : f32
          %sub3A_221 = vector.broadcast %sub3A_220 : f32 to vector<16xf32>
          %sub3A_222 = arith.subf %sub3A_221, %sub3A : vector<16xf32>
          %mul3A_223 = arith.mulf %sub3A_222, %sub3A_79 : vector<16xf32>
          %mul3A_224 = arith.mulf %mul3A_223, %sub3A_96 : vector<16xf32>
          %mul3A_225 = arith.constant 8 : i32
          %mul3A_226 = vector.broadcast %mul3A_225 : i32 to vector<16xi32>
          %mul3A_227 = arith.muli %iota3A, %mul3A_226 : vector<16xi32>
          %add3A_228 = arith.constant 7 : i32
          %add3A_229 = vector.broadcast %add3A_228 : i32 to vector<16xi32>
          %add3A_230 = arith.addi %mul3A_227, %add3A_229 : vector<16xi32>
          %add3A_231 = arith.addi %mul3A_104, %add3A_101 : vector<16xi32>
          %add3A_232 = arith.constant 13 : i32
          %add3A_233 = vector.broadcast %add3A_232 : i32 to vector<16xi32>
          %add3A_234 = arith.addi %add3A_231, %add3A_233 : vector<16xi32>
          tpu.vector_store_idx %arg15[%add3A_230], %add3A_234 : memref<128xi32, #tpu.memory_space<vmem>>[vector<16xi32>], vector<16xi32>,
          %mul3A_235 = arith.mulf %sub3A, %sub3A_79 : vector<16xf32>
          %mul3A_236 = arith.mulf %mul3A_235, %sub3A_96 : vector<16xf32>
          "tpu.region"() ({
            %run_scoped3A = tpu.sem_alloc : memref<!tpu.dma_semaphore, #tpu.memory_space<semaphore_mem>>
            %dma_start3A = arith.constant 0 : i32
            %dma_start3A_245 = arith.constant 0 : i32
            %dma_start3A_246 = tpu.memref_slice %arg7[%dma_start3A, %dma_start3A_245] : memref<270000x128xf32, #tpu.memory_space<hbm>> -> memref<270000x128xf32, #tpu.memory_space<hbm>>
            tpu.enqueue_indirect_dma source(%dma_start3A_246 : memref<270000x128xf32, #tpu.memory_space<hbm>>) target(%arg16 : memref<128x128xf32, #tpu.memory_space<vmem>>) offsets(%arg15 : memref<128xi32, #tpu.memory_space<vmem>>) semaphore(%run_scoped3A : memref<!tpu.dma_semaphore, #tpu.memory_space<semaphore_mem>>)
            %dma_wait3A = arith.constant 0 : i32
            %dma_wait3A_247 = arith.constant 0 : i32
            %dma_wait3A_248 = tpu.memref_slice %arg7[%dma_wait3A, %dma_wait3A_247] : memref<270000x128xf32, #tpu.memory_space<hbm>> -> memref<270000x128xf32, #tpu.memory_space<hbm>>
            tpu.wait_indirect_dma semaphore(%run_scoped3A : memref<!tpu.dma_semaphore, #tpu.memory_space<semaphore_mem>>) src(%dma_wait3A_248 : memref<270000x128xf32, #tpu.memory_space<hbm>>) dst(%arg16 : memref<128x128xf32, #tpu.memory_space<vmem>>)
            tpu.yield
          }) : () -> ()
          %scan3A_237 = arith.constant 0 : i32
          %scan3A_238 = arith.constant 0 : i32
          %scan3A_239 = arith.constant 16 : i32
          %scan3A_240 = arith.addi %scan3A_238, %scan3A_239 : i32
          %scan3A_241 = arith.constant 1 : i32
          %scan3A_242 = scf.for %scan3A_245 = %scan3A_238 to %scan3A_240 step %scan3A_241 iter_args(%scan3A_246 = %scan3A_237) -> (i32)  : i32 {
            %broadcast_in_dim3A_247 = vector.broadcast %scan3A_245 : i32 to vector<16xi32>
            %mul3A_248 = arith.constant 8 : i32
            %mul3A_249 = arith.muli %scan3A_245, %mul3A_248 : i32
            %broadcast_in_dim3A_250 = arith.constant 0.000000e+00 : f32
            %broadcast_in_dim3A_251 = vector.broadcast %broadcast_in_dim3A_250 : f32 to vector<16xf32>
            %broadcast_in_dim3A_252 = vector.shape_cast %broadcast_in_dim3A_247 : vector<16xi32> to vector<16x1xi32>
            %gather3A = vector.shape_cast %broadcast_in_dim3A_252 : vector<16x1xi32> to vector<16xi32>
            %gather3A_253 = tpu.dynamic_gather %mul3A_125[%gather3A] in [0] : vector<16xf32>, vector<16xi32> -> vector<16xf32>
            %add3A_254 = arith.constant 0 : i32
            %add3A_255 = arith.addi %mul3A_249, %add3A_254 : i32
            %get3A_256 = arith.index_cast %add3A_255 : i32 to index
            %get3A_257 = arith.constant 0 : index
            %get3A_258 = tpu.vector_load %arg16[%get3A_256, %get3A_257] {strides = array<i32>} : memref<128x128xf32, #tpu.memory_space<vmem>>, vector<16xf32>,
            %mul3A_259 = arith.mulf %gather3A_253, %get3A_258 : vector<16xf32>
            %add3A_260 = arith.addf %broadcast_in_dim3A_251, %mul3A_259 : vector<16xf32>
            %broadcast_in_dim3A_261 = vector.shape_cast %broadcast_in_dim3A_247 : vector<16xi32> to vector<16x1xi32>
            %gather3A_262 = vector.shape_cast %broadcast_in_dim3A_261 : vector<16x1xi32> to vector<16xi32>
            %gather3A_263 = tpu.dynamic_gather %mul3A_143[%gather3A_262] in [0] : vector<16xf32>, vector<16xi32> -> vector<16xf32>
            %add3A_264 = arith.constant 1 : i32
            %add3A_265 = arith.addi %mul3A_249, %add3A_264 : i32
            %get3A_266 = arith.index_cast %add3A_265 : i32 to index
            %get3A_267 = arith.constant 0 : index
            %get3A_268 = tpu.vector_load %arg16[%get3A_266, %get3A_267] {strides = array<i32>} : memref<128x128xf32, #tpu.memory_space<vmem>>, vector<16xf32>,
            %mul3A_269 = arith.mulf %gather3A_263, %get3A_268 : vector<16xf32>
            %add3A_270 = arith.addf %add3A_260, %mul3A_269 : vector<16xf32>
            %broadcast_in_dim3A_271 = vector.shape_cast %broadcast_in_dim3A_247 : vector<16xi32> to vector<16x1xi32>
            %gather3A_272 = vector.shape_cast %broadcast_in_dim3A_271 : vector<16x1xi32> to vector<16xi32>
            %gather3A_273 = tpu.dynamic_gather %mul3A_161[%gather3A_272] in [0] : vector<16xf32>, vector<16xi32> -> vector<16xf32>
            %add3A_274 = arith.constant 2 : i32
            %add3A_275 = arith.addi %mul3A_249, %add3A_274 : i32
            %get3A_276 = arith.index_cast %add3A_275 : i32 to index
            %get3A_277 = arith.constant 0 : index
            %get3A_278 = tpu.vector_load %arg16[%get3A_276, %get3A_277] {strides = array<i32>} : memref<128x128xf32, #tpu.memory_space<vmem>>, vector<16xf32>,
            %mul3A_279 = arith.mulf %gather3A_273, %get3A_278 : vector<16xf32>
            %add3A_280 = arith.addf %add3A_270, %mul3A_279 : vector<16xf32>
            %broadcast_in_dim3A_281 = vector.shape_cast %broadcast_in_dim3A_247 : vector<16xi32> to vector<16x1xi32>
            %gather3A_282 = vector.shape_cast %broadcast_in_dim3A_281 : vector<16x1xi32> to vector<16xi32>
            %gather3A_283 = tpu.dynamic_gather %mul3A_176[%gather3A_282] in [0] : vector<16xf32>, vector<16xi32> -> vector<16xf32>
            %add3A_284 = arith.constant 3 : i32
            %add3A_285 = arith.addi %mul3A_249, %add3A_284 : i32
            %get3A_286 = arith.index_cast %add3A_285 : i32 to index
            %get3A_287 = arith.constant 0 : index
            %get3A_288 = tpu.vector_load %arg16[%get3A_286, %get3A_287] {strides = array<i32>} : memref<128x128xf32, #tpu.memory_space<vmem>>, vector<16xf32>,
            %mul3A_289 = arith.mulf %gather3A_283, %get3A_288 : vector<16xf32>
            %add3A_290 = arith.addf %add3A_280, %mul3A_289 : vector<16xf32>
            %broadcast_in_dim3A_291 = vector.shape_cast %broadcast_in_dim3A_247 : vector<16xi32> to vector<16x1xi32>
            %gather3A_292 = vector.shape_cast %broadcast_in_dim3A_291 : vector<16x1xi32> to vector<16xi32>
            %gather3A_293 = tpu.dynamic_gather %mul3A_194[%gather3A_292] in [0] : vector<16xf32>, vector<16xi32> -> vector<16xf32>
            %add3A_294 = arith.constant 4 : i32
            %add3A_295 = arith.addi %mul3A_249, %add3A_294 : i32
            %get3A_296 = arith.index_cast %add3A_295 : i32 to index
            %get3A_297 = arith.constant 0 : index
            %get3A_298 = tpu.vector_load %arg16[%get3A_296, %get3A_297] {strides = array<i32>} : memref<128x128xf32, #tpu.memory_space<vmem>>, vector<16xf32>,
            %mul3A_299 = arith.mulf %gather3A_293, %get3A_298 : vector<16xf32>
            %add3A_300 = arith.addf %add3A_290, %mul3A_299 : vector<16xf32>
            %broadcast_in_dim3A_301 = vector.shape_cast %broadcast_in_dim3A_247 : vector<16xi32> to vector<16x1xi32>
            %gather3A_302 = vector.shape_cast %broadcast_in_dim3A_301 : vector<16x1xi32> to vector<16xi32>
            %gather3A_303 = tpu.dynamic_gather %mul3A_209[%gather3A_302] in [0] : vector<16xf32>, vector<16xi32> -> vector<16xf32>
            %add3A_304 = arith.constant 5 : i32
            %add3A_305 = arith.addi %mul3A_249, %add3A_304 : i32
            %get3A_306 = arith.index_cast %add3A_305 : i32 to index
            %get3A_307 = arith.constant 0 : index
            %get3A_308 = tpu.vector_load %arg16[%get3A_306, %get3A_307] {strides = array<i32>} : memref<128x128xf32, #tpu.memory_space<vmem>>, vector<16xf32>,
            %mul3A_309 = arith.mulf %gather3A_303, %get3A_308 : vector<16xf32>
            %add3A_310 = arith.addf %add3A_300, %mul3A_309 : vector<16xf32>
            %broadcast_in_dim3A_311 = vector.shape_cast %broadcast_in_dim3A_247 : vector<16xi32> to vector<16x1xi32>
            %gather3A_312 = vector.shape_cast %broadcast_in_dim3A_311 : vector<16x1xi32> to vector<16xi32>
            %gather3A_313 = tpu.dynamic_gather %mul3A_224[%gather3A_312] in [0] : vector<16xf32>, vector<16xi32> -> vector<16xf32>
            %add3A_314 = arith.constant 6 : i32
            %add3A_315 = arith.addi %mul3A_249, %add3A_314 : i32
            %get3A_316 = arith.index_cast %add3A_315 : i32 to index
            %get3A_317 = arith.constant 0 : index
            %get3A_318 = tpu.vector_load %arg16[%get3A_316, %get3A_317] {strides = array<i32>} : memref<128x128xf32, #tpu.memory_space<vmem>>, vector<16xf32>,
            %mul3A_319 = arith.mulf %gather3A_313, %get3A_318 : vector<16xf32>
            %add3A_320 = arith.addf %add3A_310, %mul3A_319 : vector<16xf32>
            %broadcast_in_dim3A_321 = vector.shape_cast %broadcast_in_dim3A_247 : vector<16xi32> to vector<16x1xi32>
            %gather3A_322 = vector.shape_cast %broadcast_in_dim3A_321 : vector<16x1xi32> to vector<16xi32>
            %gather3A_323 = tpu.dynamic_gather %mul3A_236[%gather3A_322] in [0] : vector<16xf32>, vector<16xi32> -> vector<16xf32>
            %add3A_324 = arith.constant 7 : i32
            %add3A_325 = arith.addi %mul3A_249, %add3A_324 : i32
            %get3A_326 = arith.index_cast %add3A_325 : i32 to index
            %get3A_327 = arith.constant 0 : index
            %get3A_328 = tpu.vector_load %arg16[%get3A_326, %get3A_327] {strides = array<i32>} : memref<128x128xf32, #tpu.memory_space<vmem>>, vector<16xf32>,
            %mul3A_329 = arith.mulf %gather3A_323, %get3A_328 : vector<16xf32>
            %add3A_330 = arith.addf %add3A_320, %mul3A_329 : vector<16xf32>
            %mul3A_331 = arith.constant 16 : i32
            %mul3A_332 = arith.muli %scan3A_44, %mul3A_331 : i32
            %add3A_333 = arith.addi %mul3A_332, %scan3A_245 : i32
            %swap3A = arith.index_cast %add3A_333 : i32 to index
            %swap3A_334 = arith.constant 0 : index
            %swap3A_335 = tpu.vector_load %arg17[%swap3A, %swap3A_334] {strides = array<i32>} : memref<80x128xf32, #tpu.memory_space<vmem>>, vector<16xf32>,
            tpu.vector_store %arg17[%swap3A, %swap3A_334], %add3A_330 {strides = array<i32>} : memref<80x128xf32, #tpu.memory_space<vmem>>, vector<16xf32>,
            %broadcast_in_dim3A_336 = arith.constant 0.000000e+00 : f32
            %broadcast_in_dim3A_337 = vector.broadcast %broadcast_in_dim3A_336 : f32 to vector<16xf32>
            %broadcast_in_dim3A_338 = vector.shape_cast %broadcast_in_dim3A_247 : vector<16xi32> to vector<16x1xi32>
            %gather3A_339 = vector.shape_cast %broadcast_in_dim3A_338 : vector<16x1xi32> to vector<16xi32>
            %gather3A_340 = tpu.dynamic_gather %mul3A_125[%gather3A_339] in [0] : vector<16xf32>, vector<16xi32> -> vector<16xf32>
            %add3A_341 = arith.constant 0 : i32
            %add3A_342 = arith.addi %mul3A_249, %add3A_341 : i32
            %get3A_343 = arith.index_cast %add3A_342 : i32 to index
            %get3A_344 = arith.constant 16 : index
            %get3A_345 = tpu.vector_load %arg16[%get3A_343, %get3A_344] {strides = array<i32>} : memref<128x128xf32, #tpu.memory_space<vmem>>, vector<16xf32>,
            %mul3A_346 = arith.mulf %gather3A_340, %get3A_345 : vector<16xf32>
            %add3A_347 = arith.addf %broadcast_in_dim3A_337, %mul3A_346 : vector<16xf32>
            %broadcast_in_dim3A_348 = vector.shape_cast %broadcast_in_dim3A_247 : vector<16xi32> to vector<16x1xi32>
            %gather3A_349 = vector.shape_cast %broadcast_in_dim3A_348 : vector<16x1xi32> to vector<16xi32>
            %gather3A_350 = tpu.dynamic_gather %mul3A_143[%gather3A_349] in [0] : vector<16xf32>, vector<16xi32> -> vector<16xf32>
            %add3A_351 = arith.constant 1 : i32
            %add3A_352 = arith.addi %mul3A_249, %add3A_351 : i32
            %get3A_353 = arith.index_cast %add3A_352 : i32 to index
            %get3A_354 = arith.constant 16 : index
            %get3A_355 = tpu.vector_load %arg16[%get3A_353, %get3A_354] {strides = array<i32>} : memref<128x128xf32, #tpu.memory_space<vmem>>, vector<16xf32>,
            %mul3A_356 = arith.mulf %gather3A_350, %get3A_355 : vector<16xf32>
            %add3A_357 = arith.addf %add3A_347, %mul3A_356 : vector<16xf32>
            %broadcast_in_dim3A_358 = vector.shape_cast %broadcast_in_dim3A_247 : vector<16xi32> to vector<16x1xi32>
            %gather3A_359 = vector.shape_cast %broadcast_in_dim3A_358 : vector<16x1xi32> to vector<16xi32>
            %gather3A_360 = tpu.dynamic_gather %mul3A_161[%gather3A_359] in [0] : vector<16xf32>, vector<16xi32> -> vector<16xf32>
            %add3A_361 = arith.constant 2 : i32
            %add3A_362 = arith.addi %mul3A_249, %add3A_361 : i32
            %get3A_363 = arith.index_cast %add3A_362 : i32 to index
            %get3A_364 = arith.constant 16 : index
            %get3A_365 = tpu.vector_load %arg16[%get3A_363, %get3A_364] {strides = array<i32>} : memref<128x128xf32, #tpu.memory_space<vmem>>, vector<16xf32>,
            %mul3A_366 = arith.mulf %gather3A_360, %get3A_365 : vector<16xf32>
            %add3A_367 = arith.addf %add3A_357, %mul3A_366 : vector<16xf32>
            %broadcast_in_dim3A_368 = vector.shape_cast %broadcast_in_dim3A_247 : vector<16xi32> to vector<16x1xi32>
            %gather3A_369 = vector.shape_cast %broadcast_in_dim3A_368 : vector<16x1xi32> to vector<16xi32>
            %gather3A_370 = tpu.dynamic_gather %mul3A_176[%gather3A_369] in [0] : vector<16xf32>, vector<16xi32> -> vector<16xf32>
            %add3A_371 = arith.constant 3 : i32
            %add3A_372 = arith.addi %mul3A_249, %add3A_371 : i32
            %get3A_373 = arith.index_cast %add3A_372 : i32 to index
            %get3A_374 = arith.constant 16 : index
            %get3A_375 = tpu.vector_load %arg16[%get3A_373, %get3A_374] {strides = array<i32>} : memref<128x128xf32, #tpu.memory_space<vmem>>, vector<16xf32>,
            %mul3A_376 = arith.mulf %gather3A_370, %get3A_375 : vector<16xf32>
            %add3A_377 = arith.addf %add3A_367, %mul3A_376 : vector<16xf32>
            %broadcast_in_dim3A_378 = vector.shape_cast %broadcast_in_dim3A_247 : vector<16xi32> to vector<16x1xi32>
            %gather3A_379 = vector.shape_cast %broadcast_in_dim3A_378 : vector<16x1xi32> to vector<16xi32>
            %gather3A_380 = tpu.dynamic_gather %mul3A_194[%gather3A_379] in [0] : vector<16xf32>, vector<16xi32> -> vector<16xf32>
            %add3A_381 = arith.constant 4 : i32
            %add3A_382 = arith.addi %mul3A_249, %add3A_381 : i32
            %get3A_383 = arith.index_cast %add3A_382 : i32 to index
            %get3A_384 = arith.constant 16 : index
            %get3A_385 = tpu.vector_load %arg16[%get3A_383, %get3A_384] {strides = array<i32>} : memref<128x128xf32, #tpu.memory_space<vmem>>, vector<16xf32>,
            %mul3A_386 = arith.mulf %gather3A_380, %get3A_385 : vector<16xf32>
            %add3A_387 = arith.addf %add3A_377, %mul3A_386 : vector<16xf32>
            %broadcast_in_dim3A_388 = vector.shape_cast %broadcast_in_dim3A_247 : vector<16xi32> to vector<16x1xi32>
            %gather3A_389 = vector.shape_cast %broadcast_in_dim3A_388 : vector<16x1xi32> to vector<16xi32>
            %gather3A_390 = tpu.dynamic_gather %mul3A_209[%gather3A_389] in [0] : vector<16xf32>, vector<16xi32> -> vector<16xf32>
            %add3A_391 = arith.constant 5 : i32
            %add3A_392 = arith.addi %mul3A_249, %add3A_391 : i32
            %get3A_393 = arith.index_cast %add3A_392 : i32 to index
            %get3A_394 = arith.constant 16 : index
            %get3A_395 = tpu.vector_load %arg16[%get3A_393, %get3A_394] {strides = array<i32>} : memref<128x128xf32, #tpu.memory_space<vmem>>, vector<16xf32>,
            %mul3A_396 = arith.mulf %gather3A_390, %get3A_395 : vector<16xf32>
            %add3A_397 = arith.addf %add3A_387, %mul3A_396 : vector<16xf32>
            %broadcast_in_dim3A_398 = vector.shape_cast %broadcast_in_dim3A_247 : vector<16xi32> to vector<16x1xi32>
            %gather3A_399 = vector.shape_cast %broadcast_in_dim3A_398 : vector<16x1xi32> to vector<16xi32>
            %gather3A_400 = tpu.dynamic_gather %mul3A_224[%gather3A_399] in [0] : vector<16xf32>, vector<16xi32> -> vector<16xf32>
            %add3A_401 = arith.constant 6 : i32
            %add3A_402 = arith.addi %mul3A_249, %add3A_401 : i32
            %get3A_403 = arith.index_cast %add3A_402 : i32 to index
            %get3A_404 = arith.constant 16 : index
            %get3A_405 = tpu.vector_load %arg16[%get3A_403, %get3A_404] {strides = array<i32>} : memref<128x128xf32, #tpu.memory_space<vmem>>, vector<16xf32>,
            %mul3A_406 = arith.mulf %gather3A_400, %get3A_405 : vector<16xf32>
            %add3A_407 = arith.addf %add3A_397, %mul3A_406 : vector<16xf32>
            %broadcast_in_dim3A_408 = vector.shape_cast %broadcast_in_dim3A_247 : vector<16xi32> to vector<16x1xi32>
            %gather3A_409 = vector.shape_cast %broadcast_in_dim3A_408 : vector<16x1xi32> to vector<16xi32>
            %gather3A_410 = tpu.dynamic_gather %mul3A_236[%gather3A_409] in [0] : vector<16xf32>, vector<16xi32> -> vector<16xf32>
            %add3A_411 = arith.constant 7 : i32
            %add3A_412 = arith.addi %mul3A_249, %add3A_411 : i32
            %get3A_413 = arith.index_cast %add3A_412 : i32 to index
            %get3A_414 = arith.constant 16 : index
            %get3A_415 = tpu.vector_load %arg16[%get3A_413, %get3A_414] {strides = array<i32>} : memref<128x128xf32, #tpu.memory_space<vmem>>, vector<16xf32>,
            %mul3A_416 = arith.mulf %gather3A_410, %get3A_415 : vector<16xf32>
            %add3A_417 = arith.addf %add3A_407, %mul3A_416 : vector<16xf32>
            %mul3A_418 = arith.constant 16 : i32
            %mul3A_419 = arith.muli %scan3A_44, %mul3A_418 : i32
            %add3A_420 = arith.addi %mul3A_419, %scan3A_245 : i32
            %swap3A_421 = arith.index_cast %add3A_420 : i32 to index
            %swap3A_422 = arith.constant 16 : index
            %swap3A_423 = tpu.vector_load %arg17[%swap3A_421, %swap3A_422] {strides = array<i32>} : memref<80x128xf32, #tpu.memory_space<vmem>>, vector<16xf32>,
            tpu.vector_store %arg17[%swap3A_421, %swap3A_422], %add3A_417 {strides = array<i32>} : memref<80x128xf32, #tpu.memory_space<vmem>>, vector<16xf32>,
            %broadcast_in_dim3A_424 = arith.constant 0.000000e+00 : f32
            %broadcast_in_dim3A_425 = vector.broadcast %broadcast_in_dim3A_424 : f32 to vector<16xf32>
            %broadcast_in_dim3A_426 = vector.shape_cast %broadcast_in_dim3A_247 : vector<16xi32> to vector<16x1xi32>
            %gather3A_427 = vector.shape_cast %broadcast_in_dim3A_426 : vector<16x1xi32> to vector<16xi32>
            %gather3A_428 = tpu.dynamic_gather %mul3A_125[%gather3A_427] in [0] : vector<16xf32>, vector<16xi32> -> vector<16xf32>
            %add3A_429 = arith.constant 0 : i32
            %add3A_430 = arith.addi %mul3A_249, %add3A_429 : i32
            %get3A_431 = arith.index_cast %add3A_430 : i32 to index
            %get3A_432 = arith.constant 32 : index
            %get3A_433 = tpu.vector_load %arg16[%get3A_431, %get3A_432] {strides = array<i32>} : memref<128x128xf32, #tpu.memory_space<vmem>>, vector<16xf32>,
            %mul3A_434 = arith.mulf %gather3A_428, %get3A_433 : vector<16xf32>
            %add3A_435 = arith.addf %broadcast_in_dim3A_425, %mul3A_434 : vector<16xf32>
            %broadcast_in_dim3A_436 = vector.shape_cast %broadcast_in_dim3A_247 : vector<16xi32> to vector<16x1xi32>
            %gather3A_437 = vector.shape_cast %broadcast_in_dim3A_436 : vector<16x1xi32> to vector<16xi32>
            %gather3A_438 = tpu.dynamic_gather %mul3A_143[%gather3A_437] in [0] : vector<16xf32>, vector<16xi32> -> vector<16xf32>
            %add3A_439 = arith.constant 1 : i32
            %add3A_440 = arith.addi %mul3A_249, %add3A_439 : i32
            %get3A_441 = arith.index_cast %add3A_440 : i32 to index
            %get3A_442 = arith.constant 32 : index
            %get3A_443 = tpu.vector_load %arg16[%get3A_441, %get3A_442] {strides = array<i32>} : memref<128x128xf32, #tpu.memory_space<vmem>>, vector<16xf32>,
            %mul3A_444 = arith.mulf %gather3A_438, %get3A_443 : vector<16xf32>
            %add3A_445 = arith.addf %add3A_435, %mul3A_444 : vector<16xf32>
            %broadcast_in_dim3A_446 = vector.shape_cast %broadcast_in_dim3A_247 : vector<16xi32> to vector<16x1xi32>
            %gather3A_447 = vector.shape_cast %broadcast_in_dim3A_446 : vector<16x1xi32> to vector<16xi32>
            %gather3A_448 = tpu.dynamic_gather %mul3A_161[%gather3A_447] in [0] : vector<16xf32>, vector<16xi32> -> vector<16xf32>
            %add3A_449 = arith.constant 2 : i32
            %add3A_450 = arith.addi %mul3A_249, %add3A_449 : i32
            %get3A_451 = arith.index_cast %add3A_450 : i32 to index
            %get3A_452 = arith.constant 32 : index
            %get3A_453 = tpu.vector_load %arg16[%get3A_451, %get3A_452] {strides = array<i32>} : memref<128x128xf32, #tpu.memory_space<vmem>>, vector<16xf32>,
            %mul3A_454 = arith.mulf %gather3A_448, %get3A_453 : vector<16xf32>
            %add3A_455 = arith.addf %add3A_445, %mul3A_454 : vector<16xf32>
            %broadcast_in_dim3A_456 = vector.shape_cast %broadcast_in_dim3A_247 : vector<16xi32> to vector<16x1xi32>
            %gather3A_457 = vector.shape_cast %broadcast_in_dim3A_456 : vector<16x1xi32> to vector<16xi32>
            %gather3A_458 = tpu.dynamic_gather %mul3A_176[%gather3A_457] in [0] : vector<16xf32>, vector<16xi32> -> vector<16xf32>
            %add3A_459 = arith.constant 3 : i32
            %add3A_460 = arith.addi %mul3A_249, %add3A_459 : i32
            %get3A_461 = arith.index_cast %add3A_460 : i32 to index
            %get3A_462 = arith.constant 32 : index
            %get3A_463 = tpu.vector_load %arg16[%get3A_461, %get3A_462] {strides = array<i32>} : memref<128x128xf32, #tpu.memory_space<vmem>>, vector<16xf32>,
            %mul3A_464 = arith.mulf %gather3A_458, %get3A_463 : vector<16xf32>
            %add3A_465 = arith.addf %add3A_455, %mul3A_464 : vector<16xf32>
            %broadcast_in_dim3A_466 = vector.shape_cast %broadcast_in_dim3A_247 : vector<16xi32> to vector<16x1xi32>
            %gather3A_467 = vector.shape_cast %broadcast_in_dim3A_466 : vector<16x1xi32> to vector<16xi32>
            %gather3A_468 = tpu.dynamic_gather %mul3A_194[%gather3A_467] in [0] : vector<16xf32>, vector<16xi32> -> vector<16xf32>
            %add3A_469 = arith.constant 4 : i32
            %add3A_470 = arith.addi %mul3A_249, %add3A_469 : i32
            %get3A_471 = arith.index_cast %add3A_470 : i32 to index
            %get3A_472 = arith.constant 32 : index
            %get3A_473 = tpu.vector_load %arg16[%get3A_471, %get3A_472] {strides = array<i32>} : memref<128x128xf32, #tpu.memory_space<vmem>>, vector<16xf32>,
            %mul3A_474 = arith.mulf %gather3A_468, %get3A_473 : vector<16xf32>
            %add3A_475 = arith.addf %add3A_465, %mul3A_474 : vector<16xf32>
            %broadcast_in_dim3A_476 = vector.shape_cast %broadcast_in_dim3A_247 : vector<16xi32> to vector<16x1xi32>
            %gather3A_477 = vector.shape_cast %broadcast_in_dim3A_476 : vector<16x1xi32> to vector<16xi32>
            %gather3A_478 = tpu.dynamic_gather %mul3A_209[%gather3A_477] in [0] : vector<16xf32>, vector<16xi32> -> vector<16xf32>
            %add3A_479 = arith.constant 5 : i32
            %add3A_480 = arith.addi %mul3A_249, %add3A_479 : i32
            %get3A_481 = arith.index_cast %add3A_480 : i32 to index
            %get3A_482 = arith.constant 32 : index
            %get3A_483 = tpu.vector_load %arg16[%get3A_481, %get3A_482] {strides = array<i32>} : memref<128x128xf32, #tpu.memory_space<vmem>>, vector<16xf32>,
            %mul3A_484 = arith.mulf %gather3A_478, %get3A_483 : vector<16xf32>
            %add3A_485 = arith.addf %add3A_475, %mul3A_484 : vector<16xf32>
            %broadcast_in_dim3A_486 = vector.shape_cast %broadcast_in_dim3A_247 : vector<16xi32> to vector<16x1xi32>
            %gather3A_487 = vector.shape_cast %broadcast_in_dim3A_486 : vector<16x1xi32> to vector<16xi32>
            %gather3A_488 = tpu.dynamic_gather %mul3A_224[%gather3A_487] in [0] : vector<16xf32>, vector<16xi32> -> vector<16xf32>
            %add3A_489 = arith.constant 6 : i32
            %add3A_490 = arith.addi %mul3A_249, %add3A_489 : i32
            %get3A_491 = arith.index_cast %add3A_490 : i32 to index
            %get3A_492 = arith.constant 32 : index
            %get3A_493 = tpu.vector_load %arg16[%get3A_491, %get3A_492] {strides = array<i32>} : memref<128x128xf32, #tpu.memory_space<vmem>>, vector<16xf32>,
            %mul3A_494 = arith.mulf %gather3A_488, %get3A_493 : vector<16xf32>
            %add3A_495 = arith.addf %add3A_485, %mul3A_494 : vector<16xf32>
            %broadcast_in_dim3A_496 = vector.shape_cast %broadcast_in_dim3A_247 : vector<16xi32> to vector<16x1xi32>
            %gather3A_497 = vector.shape_cast %broadcast_in_dim3A_496 : vector<16x1xi32> to vector<16xi32>
            %gather3A_498 = tpu.dynamic_gather %mul3A_236[%gather3A_497] in [0] : vector<16xf32>, vector<16xi32> -> vector<16xf32>
            %add3A_499 = arith.constant 7 : i32
            %add3A_500 = arith.addi %mul3A_249, %add3A_499 : i32
            %get3A_501 = arith.index_cast %add3A_500 : i32 to index
            %get3A_502 = arith.constant 32 : index
            %get3A_503 = tpu.vector_load %arg16[%get3A_501, %get3A_502] {strides = array<i32>} : memref<128x128xf32, #tpu.memory_space<vmem>>, vector<16xf32>,
            %mul3A_504 = arith.mulf %gather3A_498, %get3A_503 : vector<16xf32>
            %add3A_505 = arith.addf %add3A_495, %mul3A_504 : vector<16xf32>
            %mul3A_506 = arith.constant 16 : i32
            %mul3A_507 = arith.muli %scan3A_44, %mul3A_506 : i32
            %add3A_508 = arith.addi %mul3A_507, %scan3A_245 : i32
            %swap3A_509 = arith.index_cast %add3A_508 : i32 to index
            %swap3A_510 = arith.constant 32 : index
            %swap3A_511 = tpu.vector_load %arg17[%swap3A_509, %swap3A_510] {strides = array<i32>} : memref<80x128xf32, #tpu.memory_space<vmem>>, vector<16xf32>,
            tpu.vector_store %arg17[%swap3A_509, %swap3A_510], %add3A_505 {strides = array<i32>} : memref<80x128xf32, #tpu.memory_space<vmem>>, vector<16xf32>,
            %broadcast_in_dim3A_512 = arith.constant 0.000000e+00 : f32
            %broadcast_in_dim3A_513 = vector.broadcast %broadcast_in_dim3A_512 : f32 to vector<16xf32>
            %broadcast_in_dim3A_514 = vector.shape_cast %broadcast_in_dim3A_247 : vector<16xi32> to vector<16x1xi32>
            %gather3A_515 = vector.shape_cast %broadcast_in_dim3A_514 : vector<16x1xi32> to vector<16xi32>
            %gather3A_516 = tpu.dynamic_gather %mul3A_125[%gather3A_515] in [0] : vector<16xf32>, vector<16xi32> -> vector<16xf32>
            %add3A_517 = arith.constant 0 : i32
            %add3A_518 = arith.addi %mul3A_249, %add3A_517 : i32
            %get3A_519 = arith.index_cast %add3A_518 : i32 to index
            %get3A_520 = arith.constant 48 : index
            %get3A_521 = tpu.vector_load %arg16[%get3A_519, %get3A_520] {strides = array<i32>} : memref<128x128xf32, #tpu.memory_space<vmem>>, vector<16xf32>,
            %mul3A_522 = arith.mulf %gather3A_516, %get3A_521 : vector<16xf32>
            %add3A_523 = arith.addf %broadcast_in_dim3A_513, %mul3A_522 : vector<16xf32>
            %broadcast_in_dim3A_524 = vector.shape_cast %broadcast_in_dim3A_247 : vector<16xi32> to vector<16x1xi32>
            %gather3A_525 = vector.shape_cast %broadcast_in_dim3A_524 : vector<16x1xi32> to vector<16xi32>
            %gather3A_526 = tpu.dynamic_gather %mul3A_143[%gather3A_525] in [0] : vector<16xf32>, vector<16xi32> -> vector<16xf32>
            %add3A_527 = arith.constant 1 : i32
            %add3A_528 = arith.addi %mul3A_249, %add3A_527 : i32
            %get3A_529 = arith.index_cast %add3A_528 : i32 to index
            %get3A_530 = arith.constant 48 : index
            %get3A_531 = tpu.vector_load %arg16[%get3A_529, %get3A_530] {strides = array<i32>} : memref<128x128xf32, #tpu.memory_space<vmem>>, vector<16xf32>,
            %mul3A_532 = arith.mulf %gather3A_526, %get3A_531 : vector<16xf32>
            %add3A_533 = arith.addf %add3A_523, %mul3A_532 : vector<16xf32>
            %broadcast_in_dim3A_534 = vector.shape_cast %broadcast_in_dim3A_247 : vector<16xi32> to vector<16x1xi32>
            %gather3A_535 = vector.shape_cast %broadcast_in_dim3A_534 : vector<16x1xi32> to vector<16xi32>
            %gather3A_536 = tpu.dynamic_gather %mul3A_161[%gather3A_535] in [0] : vector<16xf32>, vector<16xi32> -> vector<16xf32>
            %add3A_537 = arith.constant 2 : i32
            %add3A_538 = arith.addi %mul3A_249, %add3A_537 : i32
            %get3A_539 = arith.index_cast %add3A_538 : i32 to index
            %get3A_540 = arith.constant 48 : index
            %get3A_541 = tpu.vector_load %arg16[%get3A_539, %get3A_540] {strides = array<i32>} : memref<128x128xf32, #tpu.memory_space<vmem>>, vector<16xf32>,
            %mul3A_542 = arith.mulf %gather3A_536, %get3A_541 : vector<16xf32>
            %add3A_543 = arith.addf %add3A_533, %mul3A_542 : vector<16xf32>
            %broadcast_in_dim3A_544 = vector.shape_cast %broadcast_in_dim3A_247 : vector<16xi32> to vector<16x1xi32>
            %gather3A_545 = vector.shape_cast %broadcast_in_dim3A_544 : vector<16x1xi32> to vector<16xi32>
            %gather3A_546 = tpu.dynamic_gather %mul3A_176[%gather3A_545] in [0] : vector<16xf32>, vector<16xi32> -> vector<16xf32>
            %add3A_547 = arith.constant 3 : i32
            %add3A_548 = arith.addi %mul3A_249, %add3A_547 : i32
            %get3A_549 = arith.index_cast %add3A_548 : i32 to index
            %get3A_550 = arith.constant 48 : index
            %get3A_551 = tpu.vector_load %arg16[%get3A_549, %get3A_550] {strides = array<i32>} : memref<128x128xf32, #tpu.memory_space<vmem>>, vector<16xf32>,
            %mul3A_552 = arith.mulf %gather3A_546, %get3A_551 : vector<16xf32>
            %add3A_553 = arith.addf %add3A_543, %mul3A_552 : vector<16xf32>
            %broadcast_in_dim3A_554 = vector.shape_cast %broadcast_in_dim3A_247 : vector<16xi32> to vector<16x1xi32>
            %gather3A_555 = vector.shape_cast %broadcast_in_dim3A_554 : vector<16x1xi32> to vector<16xi32>
            %gather3A_556 = tpu.dynamic_gather %mul3A_194[%gather3A_555] in [0] : vector<16xf32>, vector<16xi32> -> vector<16xf32>
            %add3A_557 = arith.constant 4 : i32
            %add3A_558 = arith.addi %mul3A_249, %add3A_557 : i32
            %get3A_559 = arith.index_cast %add3A_558 : i32 to index
            %get3A_560 = arith.constant 48 : index
            %get3A_561 = tpu.vector_load %arg16[%get3A_559, %get3A_560] {strides = array<i32>} : memref<128x128xf32, #tpu.memory_space<vmem>>, vector<16xf32>,
            %mul3A_562 = arith.mulf %gather3A_556, %get3A_561 : vector<16xf32>
            %add3A_563 = arith.addf %add3A_553, %mul3A_562 : vector<16xf32>
            %broadcast_in_dim3A_564 = vector.shape_cast %broadcast_in_dim3A_247 : vector<16xi32> to vector<16x1xi32>
            %gather3A_565 = vector.shape_cast %broadcast_in_dim3A_564 : vector<16x1xi32> to vector<16xi32>
            %gather3A_566 = tpu.dynamic_gather %mul3A_209[%gather3A_565] in [0] : vector<16xf32>, vector<16xi32> -> vector<16xf32>
            %add3A_567 = arith.constant 5 : i32
            %add3A_568 = arith.addi %mul3A_249, %add3A_567 : i32
            %get3A_569 = arith.index_cast %add3A_568 : i32 to index
            %get3A_570 = arith.constant 48 : index
            %get3A_571 = tpu.vector_load %arg16[%get3A_569, %get3A_570] {strides = array<i32>} : memref<128x128xf32, #tpu.memory_space<vmem>>, vector<16xf32>,
            %mul3A_572 = arith.mulf %gather3A_566, %get3A_571 : vector<16xf32>
            %add3A_573 = arith.addf %add3A_563, %mul3A_572 : vector<16xf32>
            %broadcast_in_dim3A_574 = vector.shape_cast %broadcast_in_dim3A_247 : vector<16xi32> to vector<16x1xi32>
            %gather3A_575 = vector.shape_cast %broadcast_in_dim3A_574 : vector<16x1xi32> to vector<16xi32>
            %gather3A_576 = tpu.dynamic_gather %mul3A_224[%gather3A_575] in [0] : vector<16xf32>, vector<16xi32> -> vector<16xf32>
            %add3A_577 = arith.constant 6 : i32
            %add3A_578 = arith.addi %mul3A_249, %add3A_577 : i32
            %get3A_579 = arith.index_cast %add3A_578 : i32 to index
            %get3A_580 = arith.constant 48 : index
            %get3A_581 = tpu.vector_load %arg16[%get3A_579, %get3A_580] {strides = array<i32>} : memref<128x128xf32, #tpu.memory_space<vmem>>, vector<16xf32>,
            %mul3A_582 = arith.mulf %gather3A_576, %get3A_581 : vector<16xf32>
            %add3A_583 = arith.addf %add3A_573, %mul3A_582 : vector<16xf32>
            %broadcast_in_dim3A_584 = vector.shape_cast %broadcast_in_dim3A_247 : vector<16xi32> to vector<16x1xi32>
            %gather3A_585 = vector.shape_cast %broadcast_in_dim3A_584 : vector<16x1xi32> to vector<16xi32>
            %gather3A_586 = tpu.dynamic_gather %mul3A_236[%gather3A_585] in [0] : vector<16xf32>, vector<16xi32> -> vector<16xf32>
            %add3A_587 = arith.constant 7 : i32
            %add3A_588 = arith.addi %mul3A_249, %add3A_587 : i32
            %get3A_589 = arith.index_cast %add3A_588 : i32 to index
            %get3A_590 = arith.constant 48 : index
            %get3A_591 = tpu.vector_load %arg16[%get3A_589, %get3A_590] {strides = array<i32>} : memref<128x128xf32, #tpu.memory_space<vmem>>, vector<16xf32>,
            %mul3A_592 = arith.mulf %gather3A_586, %get3A_591 : vector<16xf32>
            %add3A_593 = arith.addf %add3A_583, %mul3A_592 : vector<16xf32>
            %mul3A_594 = arith.constant 16 : i32
            %mul3A_595 = arith.muli %scan3A_44, %mul3A_594 : i32
            %add3A_596 = arith.addi %mul3A_595, %scan3A_245 : i32
            %swap3A_597 = arith.index_cast %add3A_596 : i32 to index
            %swap3A_598 = arith.constant 48 : index
            %swap3A_599 = tpu.vector_load %arg17[%swap3A_597, %swap3A_598] {strides = array<i32>} : memref<80x128xf32, #tpu.memory_space<vmem>>, vector<16xf32>,
            tpu.vector_store %arg17[%swap3A_597, %swap3A_598], %add3A_593 {strides = array<i32>} : memref<80x128xf32, #tpu.memory_space<vmem>>, vector<16xf32>,
            %broadcast_in_dim3A_600 = arith.constant 0.000000e+00 : f32
            %broadcast_in_dim3A_601 = vector.broadcast %broadcast_in_dim3A_600 : f32 to vector<16xf32>
            %broadcast_in_dim3A_602 = vector.shape_cast %broadcast_in_dim3A_247 : vector<16xi32> to vector<16x1xi32>
            %gather3A_603 = vector.shape_cast %broadcast_in_dim3A_602 : vector<16x1xi32> to vector<16xi32>
            %gather3A_604 = tpu.dynamic_gather %mul3A_125[%gather3A_603] in [0] : vector<16xf32>, vector<16xi32> -> vector<16xf32>
            %add3A_605 = arith.constant 0 : i32
            %add3A_606 = arith.addi %mul3A_249, %add3A_605 : i32
            %get3A_607 = arith.index_cast %add3A_606 : i32 to index
            %get3A_608 = arith.constant 64 : index
            %get3A_609 = tpu.vector_load %arg16[%get3A_607, %get3A_608] {strides = array<i32>} : memref<128x128xf32, #tpu.memory_space<vmem>>, vector<16xf32>,
            %mul3A_610 = arith.mulf %gather3A_604, %get3A_609 : vector<16xf32>
            %add3A_611 = arith.addf %broadcast_in_dim3A_601, %mul3A_610 : vector<16xf32>
            %broadcast_in_dim3A_612 = vector.shape_cast %broadcast_in_dim3A_247 : vector<16xi32> to vector<16x1xi32>
            %gather3A_613 = vector.shape_cast %broadcast_in_dim3A_612 : vector<16x1xi32> to vector<16xi32>
            %gather3A_614 = tpu.dynamic_gather %mul3A_143[%gather3A_613] in [0] : vector<16xf32>, vector<16xi32> -> vector<16xf32>
            %add3A_615 = arith.constant 1 : i32
            %add3A_616 = arith.addi %mul3A_249, %add3A_615 : i32
            %get3A_617 = arith.index_cast %add3A_616 : i32 to index
            %get3A_618 = arith.constant 64 : index
            %get3A_619 = tpu.vector_load %arg16[%get3A_617, %get3A_618] {strides = array<i32>} : memref<128x128xf32, #tpu.memory_space<vmem>>, vector<16xf32>,
            %mul3A_620 = arith.mulf %gather3A_614, %get3A_619 : vector<16xf32>
            %add3A_621 = arith.addf %add3A_611, %mul3A_620 : vector<16xf32>
            %broadcast_in_dim3A_622 = vector.shape_cast %broadcast_in_dim3A_247 : vector<16xi32> to vector<16x1xi32>
            %gather3A_623 = vector.shape_cast %broadcast_in_dim3A_622 : vector<16x1xi32> to vector<16xi32>
            %gather3A_624 = tpu.dynamic_gather %mul3A_161[%gather3A_623] in [0] : vector<16xf32>, vector<16xi32> -> vector<16xf32>
            %add3A_625 = arith.constant 2 : i32
            %add3A_626 = arith.addi %mul3A_249, %add3A_625 : i32
            %get3A_627 = arith.index_cast %add3A_626 : i32 to index
            %get3A_628 = arith.constant 64 : index
            %get3A_629 = tpu.vector_load %arg16[%get3A_627, %get3A_628] {strides = array<i32>} : memref<128x128xf32, #tpu.memory_space<vmem>>, vector<16xf32>,
            %mul3A_630 = arith.mulf %gather3A_624, %get3A_629 : vector<16xf32>
            %add3A_631 = arith.addf %add3A_621, %mul3A_630 : vector<16xf32>
            %broadcast_in_dim3A_632 = vector.shape_cast %broadcast_in_dim3A_247 : vector<16xi32> to vector<16x1xi32>
            %gather3A_633 = vector.shape_cast %broadcast_in_dim3A_632 : vector<16x1xi32> to vector<16xi32>
            %gather3A_634 = tpu.dynamic_gather %mul3A_176[%gather3A_633] in [0] : vector<16xf32>, vector<16xi32> -> vector<16xf32>
            %add3A_635 = arith.constant 3 : i32
            %add3A_636 = arith.addi %mul3A_249, %add3A_635 : i32
            %get3A_637 = arith.index_cast %add3A_636 : i32 to index
            %get3A_638 = arith.constant 64 : index
            %get3A_639 = tpu.vector_load %arg16[%get3A_637, %get3A_638] {strides = array<i32>} : memref<128x128xf32, #tpu.memory_space<vmem>>, vector<16xf32>,
            %mul3A_640 = arith.mulf %gather3A_634, %get3A_639 : vector<16xf32>
            %add3A_641 = arith.addf %add3A_631, %mul3A_640 : vector<16xf32>
            %broadcast_in_dim3A_642 = vector.shape_cast %broadcast_in_dim3A_247 : vector<16xi32> to vector<16x1xi32>
            %gather3A_643 = vector.shape_cast %broadcast_in_dim3A_642 : vector<16x1xi32> to vector<16xi32>
            %gather3A_644 = tpu.dynamic_gather %mul3A_194[%gather3A_643] in [0] : vector<16xf32>, vector<16xi32> -> vector<16xf32>
            %add3A_645 = arith.constant 4 : i32
            %add3A_646 = arith.addi %mul3A_249, %add3A_645 : i32
            %get3A_647 = arith.index_cast %add3A_646 : i32 to index
            %get3A_648 = arith.constant 64 : index
            %get3A_649 = tpu.vector_load %arg16[%get3A_647, %get3A_648] {strides = array<i32>} : memref<128x128xf32, #tpu.memory_space<vmem>>, vector<16xf32>,
            %mul3A_650 = arith.mulf %gather3A_644, %get3A_649 : vector<16xf32>
            %add3A_651 = arith.addf %add3A_641, %mul3A_650 : vector<16xf32>
            %broadcast_in_dim3A_652 = vector.shape_cast %broadcast_in_dim3A_247 : vector<16xi32> to vector<16x1xi32>
            %gather3A_653 = vector.shape_cast %broadcast_in_dim3A_652 : vector<16x1xi32> to vector<16xi32>
            %gather3A_654 = tpu.dynamic_gather %mul3A_209[%gather3A_653] in [0] : vector<16xf32>, vector<16xi32> -> vector<16xf32>
            %add3A_655 = arith.constant 5 : i32
            %add3A_656 = arith.addi %mul3A_249, %add3A_655 : i32
            %get3A_657 = arith.index_cast %add3A_656 : i32 to index
            %get3A_658 = arith.constant 64 : index
            %get3A_659 = tpu.vector_load %arg16[%get3A_657, %get3A_658] {strides = array<i32>} : memref<128x128xf32, #tpu.memory_space<vmem>>, vector<16xf32>,
            %mul3A_660 = arith.mulf %gather3A_654, %get3A_659 : vector<16xf32>
            %add3A_661 = arith.addf %add3A_651, %mul3A_660 : vector<16xf32>
            %broadcast_in_dim3A_662 = vector.shape_cast %broadcast_in_dim3A_247 : vector<16xi32> to vector<16x1xi32>
            %gather3A_663 = vector.shape_cast %broadcast_in_dim3A_662 : vector<16x1xi32> to vector<16xi32>
            %gather3A_664 = tpu.dynamic_gather %mul3A_224[%gather3A_663] in [0] : vector<16xf32>, vector<16xi32> -> vector<16xf32>
            %add3A_665 = arith.constant 6 : i32
            %add3A_666 = arith.addi %mul3A_249, %add3A_665 : i32
            %get3A_667 = arith.index_cast %add3A_666 : i32 to index
            %get3A_668 = arith.constant 64 : index
            %get3A_669 = tpu.vector_load %arg16[%get3A_667, %get3A_668] {strides = array<i32>} : memref<128x128xf32, #tpu.memory_space<vmem>>, vector<16xf32>,
            %mul3A_670 = arith.mulf %gather3A_664, %get3A_669 : vector<16xf32>
            %add3A_671 = arith.addf %add3A_661, %mul3A_670 : vector<16xf32>
            %broadcast_in_dim3A_672 = vector.shape_cast %broadcast_in_dim3A_247 : vector<16xi32> to vector<16x1xi32>
            %gather3A_673 = vector.shape_cast %broadcast_in_dim3A_672 : vector<16x1xi32> to vector<16xi32>
            %gather3A_674 = tpu.dynamic_gather %mul3A_236[%gather3A_673] in [0] : vector<16xf32>, vector<16xi32> -> vector<16xf32>
            %add3A_675 = arith.constant 7 : i32
            %add3A_676 = arith.addi %mul3A_249, %add3A_675 : i32
            %get3A_677 = arith.index_cast %add3A_676 : i32 to index
            %get3A_678 = arith.constant 64 : index
            %get3A_679 = tpu.vector_load %arg16[%get3A_677, %get3A_678] {strides = array<i32>} : memref<128x128xf32, #tpu.memory_space<vmem>>, vector<16xf32>,
            %mul3A_680 = arith.mulf %gather3A_674, %get3A_679 : vector<16xf32>
            %add3A_681 = arith.addf %add3A_671, %mul3A_680 : vector<16xf32>
            %mul3A_682 = arith.constant 16 : i32
            %mul3A_683 = arith.muli %scan3A_44, %mul3A_682 : i32
            %add3A_684 = arith.addi %mul3A_683, %scan3A_245 : i32
            %swap3A_685 = arith.index_cast %add3A_684 : i32 to index
            %swap3A_686 = arith.constant 64 : index
            %swap3A_687 = tpu.vector_load %arg17[%swap3A_685, %swap3A_686] {strides = array<i32>} : memref<80x128xf32, #tpu.memory_space<vmem>>, vector<16xf32>,
            tpu.vector_store %arg17[%swap3A_685, %swap3A_686], %add3A_681 {strides = array<i32>} : memref<80x128xf32, #tpu.memory_space<vmem>>, vector<16xf32>,
            %broadcast_in_dim3A_688 = arith.constant 0.000000e+00 : f32
            %broadcast_in_dim3A_689 = vector.broadcast %broadcast_in_dim3A_688 : f32 to vector<16xf32>
            %broadcast_in_dim3A_690 = vector.shape_cast %broadcast_in_dim3A_247 : vector<16xi32> to vector<16x1xi32>
            %gather3A_691 = vector.shape_cast %broadcast_in_dim3A_690 : vector<16x1xi32> to vector<16xi32>
            %gather3A_692 = tpu.dynamic_gather %mul3A_125[%gather3A_691] in [0] : vector<16xf32>, vector<16xi32> -> vector<16xf32>
            %add3A_693 = arith.constant 0 : i32
            %add3A_694 = arith.addi %mul3A_249, %add3A_693 : i32
            %get3A_695 = arith.index_cast %add3A_694 : i32 to index
            %get3A_696 = arith.constant 80 : index
            %get3A_697 = tpu.vector_load %arg16[%get3A_695, %get3A_696] {strides = array<i32>} : memref<128x128xf32, #tpu.memory_space<vmem>>, vector<16xf32>,
            %mul3A_698 = arith.mulf %gather3A_692, %get3A_697 : vector<16xf32>
            %add3A_699 = arith.addf %broadcast_in_dim3A_689, %mul3A_698 : vector<16xf32>
            %broadcast_in_dim3A_700 = vector.shape_cast %broadcast_in_dim3A_247 : vector<16xi32> to vector<16x1xi32>
            %gather3A_701 = vector.shape_cast %broadcast_in_dim3A_700 : vector<16x1xi32> to vector<16xi32>
            %gather3A_702 = tpu.dynamic_gather %mul3A_143[%gather3A_701] in [0] : vector<16xf32>, vector<16xi32> -> vector<16xf32>
            %add3A_703 = arith.constant 1 : i32
            %add3A_704 = arith.addi %mul3A_249, %add3A_703 : i32
            %get3A_705 = arith.index_cast %add3A_704 : i32 to index
            %get3A_706 = arith.constant 80 : index
            %get3A_707 = tpu.vector_load %arg16[%get3A_705, %get3A_706] {strides = array<i32>} : memref<128x128xf32, #tpu.memory_space<vmem>>, vector<16xf32>,
            %mul3A_708 = arith.mulf %gather3A_702, %get3A_707 : vector<16xf32>
            %add3A_709 = arith.addf %add3A_699, %mul3A_708 : vector<16xf32>
            %broadcast_in_dim3A_710 = vector.shape_cast %broadcast_in_dim3A_247 : vector<16xi32> to vector<16x1xi32>
            %gather3A_711 = vector.shape_cast %broadcast_in_dim3A_710 : vector<16x1xi32> to vector<16xi32>
            %gather3A_712 = tpu.dynamic_gather %mul3A_161[%gather3A_711] in [0] : vector<16xf32>, vector<16xi32> -> vector<16xf32>
            %add3A_713 = arith.constant 2 : i32
            %add3A_714 = arith.addi %mul3A_249, %add3A_713 : i32
            %get3A_715 = arith.index_cast %add3A_714 : i32 to index
            %get3A_716 = arith.constant 80 : index
            %get3A_717 = tpu.vector_load %arg16[%get3A_715, %get3A_716] {strides = array<i32>} : memref<128x128xf32, #tpu.memory_space<vmem>>, vector<16xf32>,
            %mul3A_718 = arith.mulf %gather3A_712, %get3A_717 : vector<16xf32>
            %add3A_719 = arith.addf %add3A_709, %mul3A_718 : vector<16xf32>
            %broadcast_in_dim3A_720 = vector.shape_cast %broadcast_in_dim3A_247 : vector<16xi32> to vector<16x1xi32>
            %gather3A_721 = vector.shape_cast %broadcast_in_dim3A_720 : vector<16x1xi32> to vector<16xi32>
            %gather3A_722 = tpu.dynamic_gather %mul3A_176[%gather3A_721] in [0] : vector<16xf32>, vector<16xi32> -> vector<16xf32>
            %add3A_723 = arith.constant 3 : i32
            %add3A_724 = arith.addi %mul3A_249, %add3A_723 : i32
            %get3A_725 = arith.index_cast %add3A_724 : i32 to index
            %get3A_726 = arith.constant 80 : index
            %get3A_727 = tpu.vector_load %arg16[%get3A_725, %get3A_726] {strides = array<i32>} : memref<128x128xf32, #tpu.memory_space<vmem>>, vector<16xf32>,
            %mul3A_728 = arith.mulf %gather3A_722, %get3A_727 : vector<16xf32>
            %add3A_729 = arith.addf %add3A_719, %mul3A_728 : vector<16xf32>
            %broadcast_in_dim3A_730 = vector.shape_cast %broadcast_in_dim3A_247 : vector<16xi32> to vector<16x1xi32>
            %gather3A_731 = vector.shape_cast %broadcast_in_dim3A_730 : vector<16x1xi32> to vector<16xi32>
            %gather3A_732 = tpu.dynamic_gather %mul3A_194[%gather3A_731] in [0] : vector<16xf32>, vector<16xi32> -> vector<16xf32>
            %add3A_733 = arith.constant 4 : i32
            %add3A_734 = arith.addi %mul3A_249, %add3A_733 : i32
            %get3A_735 = arith.index_cast %add3A_734 : i32 to index
            %get3A_736 = arith.constant 80 : index
            %get3A_737 = tpu.vector_load %arg16[%get3A_735, %get3A_736] {strides = array<i32>} : memref<128x128xf32, #tpu.memory_space<vmem>>, vector<16xf32>,
            %mul3A_738 = arith.mulf %gather3A_732, %get3A_737 : vector<16xf32>
            %add3A_739 = arith.addf %add3A_729, %mul3A_738 : vector<16xf32>
            %broadcast_in_dim3A_740 = vector.shape_cast %broadcast_in_dim3A_247 : vector<16xi32> to vector<16x1xi32>
            %gather3A_741 = vector.shape_cast %broadcast_in_dim3A_740 : vector<16x1xi32> to vector<16xi32>
            %gather3A_742 = tpu.dynamic_gather %mul3A_209[%gather3A_741] in [0] : vector<16xf32>, vector<16xi32> -> vector<16xf32>
            %add3A_743 = arith.constant 5 : i32
            %add3A_744 = arith.addi %mul3A_249, %add3A_743 : i32
            %get3A_745 = arith.index_cast %add3A_744 : i32 to index
            %get3A_746 = arith.constant 80 : index
            %get3A_747 = tpu.vector_load %arg16[%get3A_745, %get3A_746] {strides = array<i32>} : memref<128x128xf32, #tpu.memory_space<vmem>>, vector<16xf32>,
            %mul3A_748 = arith.mulf %gather3A_742, %get3A_747 : vector<16xf32>
            %add3A_749 = arith.addf %add3A_739, %mul3A_748 : vector<16xf32>
            %broadcast_in_dim3A_750 = vector.shape_cast %broadcast_in_dim3A_247 : vector<16xi32> to vector<16x1xi32>
            %gather3A_751 = vector.shape_cast %broadcast_in_dim3A_750 : vector<16x1xi32> to vector<16xi32>
            %gather3A_752 = tpu.dynamic_gather %mul3A_224[%gather3A_751] in [0] : vector<16xf32>, vector<16xi32> -> vector<16xf32>
            %add3A_753 = arith.constant 6 : i32
            %add3A_754 = arith.addi %mul3A_249, %add3A_753 : i32
            %get3A_755 = arith.index_cast %add3A_754 : i32 to index
            %get3A_756 = arith.constant 80 : index
            %get3A_757 = tpu.vector_load %arg16[%get3A_755, %get3A_756] {strides = array<i32>} : memref<128x128xf32, #tpu.memory_space<vmem>>, vector<16xf32>,
            %mul3A_758 = arith.mulf %gather3A_752, %get3A_757 : vector<16xf32>
            %add3A_759 = arith.addf %add3A_749, %mul3A_758 : vector<16xf32>
            %broadcast_in_dim3A_760 = vector.shape_cast %broadcast_in_dim3A_247 : vector<16xi32> to vector<16x1xi32>
            %gather3A_761 = vector.shape_cast %broadcast_in_dim3A_760 : vector<16x1xi32> to vector<16xi32>
            %gather3A_762 = tpu.dynamic_gather %mul3A_236[%gather3A_761] in [0] : vector<16xf32>, vector<16xi32> -> vector<16xf32>
            %add3A_763 = arith.constant 7 : i32
            %add3A_764 = arith.addi %mul3A_249, %add3A_763 : i32
            %get3A_765 = arith.index_cast %add3A_764 : i32 to index
            %get3A_766 = arith.constant 80 : index
            %get3A_767 = tpu.vector_load %arg16[%get3A_765, %get3A_766] {strides = array<i32>} : memref<128x128xf32, #tpu.memory_space<vmem>>, vector<16xf32>,
            %mul3A_768 = arith.mulf %gather3A_762, %get3A_767 : vector<16xf32>
            %add3A_769 = arith.addf %add3A_759, %mul3A_768 : vector<16xf32>
            %mul3A_770 = arith.constant 16 : i32
            %mul3A_771 = arith.muli %scan3A_44, %mul3A_770 : i32
            %add3A_772 = arith.addi %mul3A_771, %scan3A_245 : i32
            %swap3A_773 = arith.index_cast %add3A_772 : i32 to index
            %swap3A_774 = arith.constant 80 : index
            %swap3A_775 = tpu.vector_load %arg17[%swap3A_773, %swap3A_774] {strides = array<i32>} : memref<80x128xf32, #tpu.memory_space<vmem>>, vector<16xf32>,
            tpu.vector_store %arg17[%swap3A_773, %swap3A_774], %add3A_769 {strides = array<i32>} : memref<80x128xf32, #tpu.memory_space<vmem>>, vector<16xf32>,
            %broadcast_in_dim3A_776 = arith.constant 0.000000e+00 : f32
            %broadcast_in_dim3A_777 = vector.broadcast %broadcast_in_dim3A_776 : f32 to vector<16xf32>
            %broadcast_in_dim3A_778 = vector.shape_cast %broadcast_in_dim3A_247 : vector<16xi32> to vector<16x1xi32>
            %gather3A_779 = vector.shape_cast %broadcast_in_dim3A_778 : vector<16x1xi32> to vector<16xi32>
            %gather3A_780 = tpu.dynamic_gather %mul3A_125[%gather3A_779] in [0] : vector<16xf32>, vector<16xi32> -> vector<16xf32>
            %add3A_781 = arith.constant 0 : i32
            %add3A_782 = arith.addi %mul3A_249, %add3A_781 : i32
            %get3A_783 = arith.index_cast %add3A_782 : i32 to index
            %get3A_784 = arith.constant 96 : index
            %get3A_785 = tpu.vector_load %arg16[%get3A_783, %get3A_784] {strides = array<i32>} : memref<128x128xf32, #tpu.memory_space<vmem>>, vector<16xf32>,
            %mul3A_786 = arith.mulf %gather3A_780, %get3A_785 : vector<16xf32>
            %add3A_787 = arith.addf %broadcast_in_dim3A_777, %mul3A_786 : vector<16xf32>
            %broadcast_in_dim3A_788 = vector.shape_cast %broadcast_in_dim3A_247 : vector<16xi32> to vector<16x1xi32>
            %gather3A_789 = vector.shape_cast %broadcast_in_dim3A_788 : vector<16x1xi32> to vector<16xi32>
            %gather3A_790 = tpu.dynamic_gather %mul3A_143[%gather3A_789] in [0] : vector<16xf32>, vector<16xi32> -> vector<16xf32>
            %add3A_791 = arith.constant 1 : i32
            %add3A_792 = arith.addi %mul3A_249, %add3A_791 : i32
            %get3A_793 = arith.index_cast %add3A_792 : i32 to index
            %get3A_794 = arith.constant 96 : index
            %get3A_795 = tpu.vector_load %arg16[%get3A_793, %get3A_794] {strides = array<i32>} : memref<128x128xf32, #tpu.memory_space<vmem>>, vector<16xf32>,
            %mul3A_796 = arith.mulf %gather3A_790, %get3A_795 : vector<16xf32>
            %add3A_797 = arith.addf %add3A_787, %mul3A_796 : vector<16xf32>
            %broadcast_in_dim3A_798 = vector.shape_cast %broadcast_in_dim3A_247 : vector<16xi32> to vector<16x1xi32>
            %gather3A_799 = vector.shape_cast %broadcast_in_dim3A_798 : vector<16x1xi32> to vector<16xi32>
            %gather3A_800 = tpu.dynamic_gather %mul3A_161[%gather3A_799] in [0] : vector<16xf32>, vector<16xi32> -> vector<16xf32>
            %add3A_801 = arith.constant 2 : i32
            %add3A_802 = arith.addi %mul3A_249, %add3A_801 : i32
            %get3A_803 = arith.index_cast %add3A_802 : i32 to index
            %get3A_804 = arith.constant 96 : index
            %get3A_805 = tpu.vector_load %arg16[%get3A_803, %get3A_804] {strides = array<i32>} : memref<128x128xf32, #tpu.memory_space<vmem>>, vector<16xf32>,
            %mul3A_806 = arith.mulf %gather3A_800, %get3A_805 : vector<16xf32>
            %add3A_807 = arith.addf %add3A_797, %mul3A_806 : vector<16xf32>
            %broadcast_in_dim3A_808 = vector.shape_cast %broadcast_in_dim3A_247 : vector<16xi32> to vector<16x1xi32>
            %gather3A_809 = vector.shape_cast %broadcast_in_dim3A_808 : vector<16x1xi32> to vector<16xi32>
            %gather3A_810 = tpu.dynamic_gather %mul3A_176[%gather3A_809] in [0] : vector<16xf32>, vector<16xi32> -> vector<16xf32>
            %add3A_811 = arith.constant 3 : i32
            %add3A_812 = arith.addi %mul3A_249, %add3A_811 : i32
            %get3A_813 = arith.index_cast %add3A_812 : i32 to index
            %get3A_814 = arith.constant 96 : index
            %get3A_815 = tpu.vector_load %arg16[%get3A_813, %get3A_814] {strides = array<i32>} : memref<128x128xf32, #tpu.memory_space<vmem>>, vector<16xf32>,
            %mul3A_816 = arith.mulf %gather3A_810, %get3A_815 : vector<16xf32>
            %add3A_817 = arith.addf %add3A_807, %mul3A_816 : vector<16xf32>
            %broadcast_in_dim3A_818 = vector.shape_cast %broadcast_in_dim3A_247 : vector<16xi32> to vector<16x1xi32>
            %gather3A_819 = vector.shape_cast %broadcast_in_dim3A_818 : vector<16x1xi32> to vector<16xi32>
            %gather3A_820 = tpu.dynamic_gather %mul3A_194[%gather3A_819] in [0] : vector<16xf32>, vector<16xi32> -> vector<16xf32>
            %add3A_821 = arith.constant 4 : i32
            %add3A_822 = arith.addi %mul3A_249, %add3A_821 : i32
            %get3A_823 = arith.index_cast %add3A_822 : i32 to index
            %get3A_824 = arith.constant 96 : index
            %get3A_825 = tpu.vector_load %arg16[%get3A_823, %get3A_824] {strides = array<i32>} : memref<128x128xf32, #tpu.memory_space<vmem>>, vector<16xf32>,
            %mul3A_826 = arith.mulf %gather3A_820, %get3A_825 : vector<16xf32>
            %add3A_827 = arith.addf %add3A_817, %mul3A_826 : vector<16xf32>
            %broadcast_in_dim3A_828 = vector.shape_cast %broadcast_in_dim3A_247 : vector<16xi32> to vector<16x1xi32>
            %gather3A_829 = vector.shape_cast %broadcast_in_dim3A_828 : vector<16x1xi32> to vector<16xi32>
            %gather3A_830 = tpu.dynamic_gather %mul3A_209[%gather3A_829] in [0] : vector<16xf32>, vector<16xi32> -> vector<16xf32>
            %add3A_831 = arith.constant 5 : i32
            %add3A_832 = arith.addi %mul3A_249, %add3A_831 : i32
            %get3A_833 = arith.index_cast %add3A_832 : i32 to index
            %get3A_834 = arith.constant 96 : index
            %get3A_835 = tpu.vector_load %arg16[%get3A_833, %get3A_834] {strides = array<i32>} : memref<128x128xf32, #tpu.memory_space<vmem>>, vector<16xf32>,
            %mul3A_836 = arith.mulf %gather3A_830, %get3A_835 : vector<16xf32>
            %add3A_837 = arith.addf %add3A_827, %mul3A_836 : vector<16xf32>
            %broadcast_in_dim3A_838 = vector.shape_cast %broadcast_in_dim3A_247 : vector<16xi32> to vector<16x1xi32>
            %gather3A_839 = vector.shape_cast %broadcast_in_dim3A_838 : vector<16x1xi32> to vector<16xi32>
            %gather3A_840 = tpu.dynamic_gather %mul3A_224[%gather3A_839] in [0] : vector<16xf32>, vector<16xi32> -> vector<16xf32>
            %add3A_841 = arith.constant 6 : i32
            %add3A_842 = arith.addi %mul3A_249, %add3A_841 : i32
            %get3A_843 = arith.index_cast %add3A_842 : i32 to index
            %get3A_844 = arith.constant 96 : index
            %get3A_845 = tpu.vector_load %arg16[%get3A_843, %get3A_844] {strides = array<i32>} : memref<128x128xf32, #tpu.memory_space<vmem>>, vector<16xf32>,
            %mul3A_846 = arith.mulf %gather3A_840, %get3A_845 : vector<16xf32>
            %add3A_847 = arith.addf %add3A_837, %mul3A_846 : vector<16xf32>
            %broadcast_in_dim3A_848 = vector.shape_cast %broadcast_in_dim3A_247 : vector<16xi32> to vector<16x1xi32>
            %gather3A_849 = vector.shape_cast %broadcast_in_dim3A_848 : vector<16x1xi32> to vector<16xi32>
            %gather3A_850 = tpu.dynamic_gather %mul3A_236[%gather3A_849] in [0] : vector<16xf32>, vector<16xi32> -> vector<16xf32>
            %add3A_851 = arith.constant 7 : i32
            %add3A_852 = arith.addi %mul3A_249, %add3A_851 : i32
            %get3A_853 = arith.index_cast %add3A_852 : i32 to index
            %get3A_854 = arith.constant 96 : index
            %get3A_855 = tpu.vector_load %arg16[%get3A_853, %get3A_854] {strides = array<i32>} : memref<128x128xf32, #tpu.memory_space<vmem>>, vector<16xf32>,
            %mul3A_856 = arith.mulf %gather3A_850, %get3A_855 : vector<16xf32>
            %add3A_857 = arith.addf %add3A_847, %mul3A_856 : vector<16xf32>
            %mul3A_858 = arith.constant 16 : i32
            %mul3A_859 = arith.muli %scan3A_44, %mul3A_858 : i32
            %add3A_860 = arith.addi %mul3A_859, %scan3A_245 : i32
            %swap3A_861 = arith.index_cast %add3A_860 : i32 to index
            %swap3A_862 = arith.constant 96 : index
            %swap3A_863 = tpu.vector_load %arg17[%swap3A_861, %swap3A_862] {strides = array<i32>} : memref<80x128xf32, #tpu.memory_space<vmem>>, vector<16xf32>,
            tpu.vector_store %arg17[%swap3A_861, %swap3A_862], %add3A_857 {strides = array<i32>} : memref<80x128xf32, #tpu.memory_space<vmem>>, vector<16xf32>,
            %broadcast_in_dim3A_864 = arith.constant 0.000000e+00 : f32
            %broadcast_in_dim3A_865 = vector.broadcast %broadcast_in_dim3A_864 : f32 to vector<16xf32>
            %broadcast_in_dim3A_866 = vector.shape_cast %broadcast_in_dim3A_247 : vector<16xi32> to vector<16x1xi32>
            %gather3A_867 = vector.shape_cast %broadcast_in_dim3A_866 : vector<16x1xi32> to vector<16xi32>
            %gather3A_868 = tpu.dynamic_gather %mul3A_125[%gather3A_867] in [0] : vector<16xf32>, vector<16xi32> -> vector<16xf32>
            %add3A_869 = arith.constant 0 : i32
            %add3A_870 = arith.addi %mul3A_249, %add3A_869 : i32
            %get3A_871 = arith.index_cast %add3A_870 : i32 to index
            %get3A_872 = arith.constant 112 : index
            %get3A_873 = tpu.vector_load %arg16[%get3A_871, %get3A_872] {strides = array<i32>} : memref<128x128xf32, #tpu.memory_space<vmem>>, vector<16xf32>,
            %mul3A_874 = arith.mulf %gather3A_868, %get3A_873 : vector<16xf32>
            %add3A_875 = arith.addf %broadcast_in_dim3A_865, %mul3A_874 : vector<16xf32>
            %broadcast_in_dim3A_876 = vector.shape_cast %broadcast_in_dim3A_247 : vector<16xi32> to vector<16x1xi32>
            %gather3A_877 = vector.shape_cast %broadcast_in_dim3A_876 : vector<16x1xi32> to vector<16xi32>
            %gather3A_878 = tpu.dynamic_gather %mul3A_143[%gather3A_877] in [0] : vector<16xf32>, vector<16xi32> -> vector<16xf32>
            %add3A_879 = arith.constant 1 : i32
            %add3A_880 = arith.addi %mul3A_249, %add3A_879 : i32
            %get3A_881 = arith.index_cast %add3A_880 : i32 to index
            %get3A_882 = arith.constant 112 : index
            %get3A_883 = tpu.vector_load %arg16[%get3A_881, %get3A_882] {strides = array<i32>} : memref<128x128xf32, #tpu.memory_space<vmem>>, vector<16xf32>,
            %mul3A_884 = arith.mulf %gather3A_878, %get3A_883 : vector<16xf32>
            %add3A_885 = arith.addf %add3A_875, %mul3A_884 : vector<16xf32>
            %broadcast_in_dim3A_886 = vector.shape_cast %broadcast_in_dim3A_247 : vector<16xi32> to vector<16x1xi32>
            %gather3A_887 = vector.shape_cast %broadcast_in_dim3A_886 : vector<16x1xi32> to vector<16xi32>
            %gather3A_888 = tpu.dynamic_gather %mul3A_161[%gather3A_887] in [0] : vector<16xf32>, vector<16xi32> -> vector<16xf32>
            %add3A_889 = arith.constant 2 : i32
            %add3A_890 = arith.addi %mul3A_249, %add3A_889 : i32
            %get3A_891 = arith.index_cast %add3A_890 : i32 to index
            %get3A_892 = arith.constant 112 : index
            %get3A_893 = tpu.vector_load %arg16[%get3A_891, %get3A_892] {strides = array<i32>} : memref<128x128xf32, #tpu.memory_space<vmem>>, vector<16xf32>,
            %mul3A_894 = arith.mulf %gather3A_888, %get3A_893 : vector<16xf32>
            %add3A_895 = arith.addf %add3A_885, %mul3A_894 : vector<16xf32>
            %broadcast_in_dim3A_896 = vector.shape_cast %broadcast_in_dim3A_247 : vector<16xi32> to vector<16x1xi32>
            %gather3A_897 = vector.shape_cast %broadcast_in_dim3A_896 : vector<16x1xi32> to vector<16xi32>
            %gather3A_898 = tpu.dynamic_gather %mul3A_176[%gather3A_897] in [0] : vector<16xf32>, vector<16xi32> -> vector<16xf32>
            %add3A_899 = arith.constant 3 : i32
            %add3A_900 = arith.addi %mul3A_249, %add3A_899 : i32
            %get3A_901 = arith.index_cast %add3A_900 : i32 to index
            %get3A_902 = arith.constant 112 : index
            %get3A_903 = tpu.vector_load %arg16[%get3A_901, %get3A_902] {strides = array<i32>} : memref<128x128xf32, #tpu.memory_space<vmem>>, vector<16xf32>,
            %mul3A_904 = arith.mulf %gather3A_898, %get3A_903 : vector<16xf32>
            %add3A_905 = arith.addf %add3A_895, %mul3A_904 : vector<16xf32>
            %broadcast_in_dim3A_906 = vector.shape_cast %broadcast_in_dim3A_247 : vector<16xi32> to vector<16x1xi32>
            %gather3A_907 = vector.shape_cast %broadcast_in_dim3A_906 : vector<16x1xi32> to vector<16xi32>
            %gather3A_908 = tpu.dynamic_gather %mul3A_194[%gather3A_907] in [0] : vector<16xf32>, vector<16xi32> -> vector<16xf32>
            %add3A_909 = arith.constant 4 : i32
            %add3A_910 = arith.addi %mul3A_249, %add3A_909 : i32
            %get3A_911 = arith.index_cast %add3A_910 : i32 to index
            %get3A_912 = arith.constant 112 : index
            %get3A_913 = tpu.vector_load %arg16[%get3A_911, %get3A_912] {strides = array<i32>} : memref<128x128xf32, #tpu.memory_space<vmem>>, vector<16xf32>,
            %mul3A_914 = arith.mulf %gather3A_908, %get3A_913 : vector<16xf32>
            %add3A_915 = arith.addf %add3A_905, %mul3A_914 : vector<16xf32>
            %broadcast_in_dim3A_916 = vector.shape_cast %broadcast_in_dim3A_247 : vector<16xi32> to vector<16x1xi32>
            %gather3A_917 = vector.shape_cast %broadcast_in_dim3A_916 : vector<16x1xi32> to vector<16xi32>
            %gather3A_918 = tpu.dynamic_gather %mul3A_209[%gather3A_917] in [0] : vector<16xf32>, vector<16xi32> -> vector<16xf32>
            %add3A_919 = arith.constant 5 : i32
            %add3A_920 = arith.addi %mul3A_249, %add3A_919 : i32
            %get3A_921 = arith.index_cast %add3A_920 : i32 to index
            %get3A_922 = arith.constant 112 : index
            %get3A_923 = tpu.vector_load %arg16[%get3A_921, %get3A_922] {strides = array<i32>} : memref<128x128xf32, #tpu.memory_space<vmem>>, vector<16xf32>,
            %mul3A_924 = arith.mulf %gather3A_918, %get3A_923 : vector<16xf32>
            %add3A_925 = arith.addf %add3A_915, %mul3A_924 : vector<16xf32>
            %broadcast_in_dim3A_926 = vector.shape_cast %broadcast_in_dim3A_247 : vector<16xi32> to vector<16x1xi32>
            %gather3A_927 = vector.shape_cast %broadcast_in_dim3A_926 : vector<16x1xi32> to vector<16xi32>
            %gather3A_928 = tpu.dynamic_gather %mul3A_224[%gather3A_927] in [0] : vector<16xf32>, vector<16xi32> -> vector<16xf32>
            %add3A_929 = arith.constant 6 : i32
            %add3A_930 = arith.addi %mul3A_249, %add3A_929 : i32
            %get3A_931 = arith.index_cast %add3A_930 : i32 to index
            %get3A_932 = arith.constant 112 : index
            %get3A_933 = tpu.vector_load %arg16[%get3A_931, %get3A_932] {strides = array<i32>} : memref<128x128xf32, #tpu.memory_space<vmem>>, vector<16xf32>,
            %mul3A_934 = arith.mulf %gather3A_928, %get3A_933 : vector<16xf32>
            %add3A_935 = arith.addf %add3A_925, %mul3A_934 : vector<16xf32>
            %broadcast_in_dim3A_936 = vector.shape_cast %broadcast_in_dim3A_247 : vector<16xi32> to vector<16x1xi32>
            %gather3A_937 = vector.shape_cast %broadcast_in_dim3A_936 : vector<16x1xi32> to vector<16xi32>
            %gather3A_938 = tpu.dynamic_gather %mul3A_236[%gather3A_937] in [0] : vector<16xf32>, vector<16xi32> -> vector<16xf32>
            %add3A_939 = arith.constant 7 : i32
            %add3A_940 = arith.addi %mul3A_249, %add3A_939 : i32
            %get3A_941 = arith.index_cast %add3A_940 : i32 to index
            %get3A_942 = arith.constant 112 : index
            %get3A_943 = tpu.vector_load %arg16[%get3A_941, %get3A_942] {strides = array<i32>} : memref<128x128xf32, #tpu.memory_space<vmem>>, vector<16xf32>,
            %mul3A_944 = arith.mulf %gather3A_938, %get3A_943 : vector<16xf32>
            %add3A_945 = arith.addf %add3A_935, %mul3A_944 : vector<16xf32>
            %mul3A_946 = arith.constant 16 : i32
            %mul3A_947 = arith.muli %scan3A_44, %mul3A_946 : i32
            %add3A_948 = arith.addi %mul3A_947, %scan3A_245 : i32
            %swap3A_949 = arith.index_cast %add3A_948 : i32 to index
            %swap3A_950 = arith.constant 112 : index
            %swap3A_951 = tpu.vector_load %arg17[%swap3A_949, %swap3A_950] {strides = array<i32>} : memref<80x128xf32, #tpu.memory_space<vmem>>, vector<16xf32>,
            tpu.vector_store %arg17[%swap3A_949, %swap3A_950], %add3A_945 {strides = array<i32>} : memref<80x128xf32, #tpu.memory_space<vmem>>, vector<16xf32>,
            %scan3A_952 = arith.constant 0 : i32
            scf.yield %scan3A_952 : i32
          }
          %scan3A_243 = arith.constant 16 : i32
          %scan3A_244 = arith.constant 0 : i32
          scf.yield %scan3A_244 : i32
        }
        %scan3A_42 = arith.constant 5 : i32
        "tpu.region"() ({
          %run_scoped3A = tpu.sem_alloc : memref<!tpu.dma_semaphore, #tpu.memory_space<semaphore_mem>>
          %dma_start3A = arith.constant 0 : i32
          %dma_start3A_44 = tpu.memref_slice %arg14[%scan3A_34, %dma_start3A] : memref<5x80xi32, #tpu.memory_space<vmem>> -> memref<1x80xi32, #tpu.memory_space<vmem>>
          %dma_start3A_45 = tpu.memref_squeeze %dma_start3A_44 : memref<1x80xi32, #tpu.memory_space<vmem>> -> memref<80xi32, #tpu.memory_space<vmem>>
          %dma_start3A_46 = arith.constant 0 : i32
          %dma_start3A_47 = arith.constant 0 : i32
          %dma_start3A_48 = tpu.memref_slice %arg18[%dma_start3A_46, %dma_start3A_47] : memref<10240x128xf32, #tpu.memory_space<vmem_shared>> -> memref<10240x128xf32, #tpu.memory_space<vmem_shared>>
          tpu.enqueue_indirect_dma source(%arg17 : memref<80x128xf32, #tpu.memory_space<vmem>>) target(%dma_start3A_48 : memref<10240x128xf32, #tpu.memory_space<vmem_shared>>) offsets(%dma_start3A_45 : memref<80xi32, #tpu.memory_space<vmem>>) semaphore(%run_scoped3A : memref<!tpu.dma_semaphore, #tpu.memory_space<semaphore_mem>>) {add = true}
          %dma_wait3A = arith.constant 0 : i32
          %dma_wait3A_49 = tpu.memref_slice %arg14[%scan3A_34, %dma_wait3A] : memref<5x80xi32, #tpu.memory_space<vmem>> -> memref<1x80xi32, #tpu.memory_space<vmem>>
          %dma_wait3A_50 = tpu.memref_squeeze %dma_wait3A_49 : memref<1x80xi32, #tpu.memory_space<vmem>> -> memref<80xi32, #tpu.memory_space<vmem>>
          %dma_wait3A_51 = arith.constant 0 : i32
          %dma_wait3A_52 = arith.constant 0 : i32
          %dma_wait3A_53 = tpu.memref_slice %arg18[%dma_wait3A_51, %dma_wait3A_52] : memref<10240x128xf32, #tpu.memory_space<vmem_shared>> -> memref<10240x128xf32, #tpu.memory_space<vmem_shared>>
          tpu.wait_indirect_dma semaphore(%run_scoped3A : memref<!tpu.dma_semaphore, #tpu.memory_space<semaphore_mem>>) src(%arg17 : memref<80x128xf32, #tpu.memory_space<vmem>>) dst(%dma_wait3A_53 : memref<10240x128xf32, #tpu.memory_space<vmem_shared>>)
          tpu.yield
        }) : () -> ()
        %scan3A_43 = arith.constant 0 : i32
        scf.yield %scan3A_43 : i32
      }
      %scan3A_32 = arith.constant 5 : i32
      %scan3A_33 = arith.constant 0 : i32
      scf.yield %scan3A_33 : i32
    }
    %scan3A_10 = arith.constant 50 : i32
    %barrier3A_11 = arith.constant 0 : index
    tpu.barrier barrier_id(%barrier3A_11)
    %mul3A_12 = arith.constant 640 : i32
    %mul3A_13 = arith.muli %arg1, %mul3A_12 : i32
    %mul3A_14 = arith.constant 640 : i32
    %mul3A_15 = arith.muli %arg1, %mul3A_14 : i32
    "tpu.region"() ({
      %run_scoped3A = tpu.sem_alloc : memref<!tpu.dma_semaphore, #tpu.memory_space<semaphore_mem>>
      %dma_start3A = arith.constant 0 : i32
      %dma_start3A_16 = tpu.memref_slice %arg9[%arg0, %mul3A_15, %dma_start3A] : memref<2x10240x128xf32, #tpu.memory_space<hbm>> -> memref<1x640x128xf32, #tpu.memory_space<hbm>>
      %dma_start3A_17 = tpu.memref_squeeze %dma_start3A_16 : memref<1x640x128xf32, #tpu.memory_space<hbm>> -> memref<640x128xf32, #tpu.memory_space<hbm>>
      %dma_start3A_18 = arith.constant 0 : i32
      %dma_start3A_19 = tpu.memref_slice %arg18[%mul3A_13, %dma_start3A_18] : memref<10240x128xf32, #tpu.memory_space<vmem_shared>> -> memref<640x128xf32, #tpu.memory_space<vmem_shared>>
      tpu.enqueue_dma source(%dma_start3A_19 : memref<640x128xf32, #tpu.memory_space<vmem_shared>>) target(%dma_start3A_17 : memref<640x128xf32, #tpu.memory_space<hbm>>) target_semaphore(%run_scoped3A : memref<!tpu.dma_semaphore, #tpu.memory_space<semaphore_mem>>)
      %dma_wait3A = arith.constant 0 : i32
      %dma_wait3A_20 = tpu.memref_slice %arg9[%arg0, %mul3A_15, %dma_wait3A] : memref<2x10240x128xf32, #tpu.memory_space<hbm>> -> memref<1x640x128xf32, #tpu.memory_space<hbm>>
      %dma_wait3A_21 = tpu.memref_squeeze %dma_wait3A_20 : memref<1x640x128xf32, #tpu.memory_space<hbm>> -> memref<640x128xf32, #tpu.memory_space<hbm>>
      %dma_wait3A_22 = arith.constant 0 : i32
      %dma_wait3A_23 = tpu.memref_slice %arg18[%mul3A_13, %dma_wait3A_22] : memref<10240x128xf32, #tpu.memory_space<vmem_shared>> -> memref<640x128xf32, #tpu.memory_space<vmem_shared>>
      tpu.wait_dma2 semaphore(%run_scoped3A : memref<!tpu.dma_semaphore, #tpu.memory_space<semaphore_mem>>) src(%dma_wait3A_23 : memref<640x128xf32, #tpu.memory_space<vmem_shared>>) dst(%dma_wait3A_21 : memref<640x128xf32, #tpu.memory_space<hbm>>)
      tpu.yield
    }) : () -> ()
    return
  }
}

module attributes {stable_mosaic.version = 14 : i64} {
  func.func @_tc1_body(%arg0: memref<2x10240x128xf32, #tpu.memory_space<vmem>>, %arg1: memref<27x32xf32, #tpu.memory_space<vmem>>, %arg2: memref<1x32xf32, #tpu.memory_space<vmem>>, %arg3: memref<1x32xf32, #tpu.memory_space<vmem>>, %arg4: memref<10000x32xf32, #tpu.memory_space<vmem>>, %arg5: memref<10000x1xf32, #tpu.memory_space<vmem>>) attributes {dimension_semantics = [], scalar_prefetch = 0 : i64, scratch_operands = 0 : i64, tpu.core_type = #tpu.core_type<tc>} {
    %get3A = arith.constant 0 : index
    %get3A_0 = arith.constant 0 : index
    %get3A_1 = arith.constant 0 : index
    %get3A_2 = vector.load %arg0[%get3A, %get3A_0, %get3A_1] : memref<2x10240x128xf32, #tpu.memory_space<vmem>>, vector<1x10000x32xf32>
    %get3A_3 = vector.shape_cast %get3A_2 : vector<1x10000x32xf32> to vector<10000x32xf32>
    %get3A_4 = arith.constant 1 : index
    %get3A_5 = arith.constant 0 : index
    %get3A_6 = arith.constant 0 : index
    %get3A_7 = vector.load %arg0[%get3A_4, %get3A_5, %get3A_6] : memref<2x10240x128xf32, #tpu.memory_space<vmem>>, vector<1x10000x32xf32>
    %get3A_8 = vector.shape_cast %get3A_7 : vector<1x10000x32xf32> to vector<10000x32xf32>
    %add3A = arith.addf %get3A_3, %get3A_8 : vector<10000x32xf32>
    %slice3A = vector.extract_strided_slice %add3A {offsets = [0, 27], sizes = [10000, 1], strides = [1, 1]} : vector<10000x32xf32> to vector<10000x1xf32>
    %max3A = arith.constant 1.000000e+00 : f32
    %max3A_9 = vector.broadcast %max3A : f32 to vector<10000x1xf32>
    %max3A_10 = arith.maximumf %slice3A, %max3A_9 : vector<10000x1xf32>
    %slice3A_11 = vector.extract_strided_slice %add3A {offsets = [0, 0], sizes = [10000, 27], strides = [1, 1]} : vector<10000x32xf32> to vector<10000x27xf32>
    %get3A_12 = arith.constant 0 : index
    %get3A_13 = arith.constant 0 : index
    %get3A_14 = vector.load %arg1[%get3A_12, %get3A_13] : memref<27x32xf32, #tpu.memory_space<vmem>>, vector<27x32xf32>
    %dot_general3A = arith.constant dense<0.000000e+00> : vector<10000x32xf32>
    %dot_general3A_15 = tpu.matmul %slice3A_11, %get3A_14, %dot_general3A {dimension_numbers = #tpu.dot_dimension_numbers<[1], [0], [0], [1], [0, 0, 1, 1], [], []>, transpose_lhs_hint = false} : vector<10000x27xf32>, vector<27x32xf32>, vector<10000x32xf32> -> vector<10000x32xf32>
    %div3A = vector.broadcast %max3A_10 : vector<10000x1xf32> to vector<10000x32xf32>
    %div3A_16 = arith.divf %dot_general3A_15, %div3A : vector<10000x32xf32>
    %gt3A = arith.constant 0.000000e+00 : f32
    %gt3A_17 = vector.broadcast %gt3A : f32 to vector<10000x32xf32>
    %gt3A_18 = arith.cmpf ogt, %div3A_16, %gt3A_17 : vector<10000x32xf32>
    %exp3A = math.exp %div3A_16 : vector<10000x32xf32>
    %sub3A = arith.constant 1.000000e+00 : f32
    %sub3A_19 = vector.broadcast %sub3A : f32 to vector<10000x32xf32>
    %sub3A_20 = arith.subf %exp3A, %sub3A_19 : vector<10000x32xf32>
    %select_n3A = arith.select %gt3A_18, %div3A_16, %sub3A_20 : vector<10000x32xi1>, vector<10000x32xf32>
    %get3A_21 = arith.constant 0 : index
    %get3A_22 = arith.constant 0 : index
    %get3A_23 = vector.load %arg2[%get3A_21, %get3A_22] : memref<1x32xf32, #tpu.memory_space<vmem>>, vector<1x32xf32>
    %get3A_24 = arith.constant 0 : index
    %get3A_25 = arith.constant 0 : index
    %get3A_26 = vector.load %arg3[%get3A_24, %get3A_25] : memref<1x32xf32, #tpu.memory_space<vmem>>, vector<1x32xf32>
    %reduce_sum3A = arith.constant dense<0.000000e+00> : vector<32xf32>
    %reduce_sum3A_27 = vector.multi_reduction <add>, %select_n3A, %reduce_sum3A [0] : vector<10000x32xf32> to vector<32xf32>
    %broadcast_in_dim3A = vector.shape_cast %reduce_sum3A_27 : vector<32xf32> to vector<1x32xf32>
    %div3A_28 = arith.constant 1.000000e+04 : f32
    %div3A_29 = vector.broadcast %div3A_28 : f32 to vector<1x32xf32>
    %div3A_30 = arith.divf %broadcast_in_dim3A, %div3A_29 : vector<1x32xf32>
    %sub3A_31 = vector.broadcast %div3A_30 : vector<1x32xf32> to vector<10000x32xf32>
    %sub3A_32 = arith.subf %select_n3A, %sub3A_31 : vector<10000x32xf32>
    %sub3A_33 = vector.broadcast %div3A_30 : vector<1x32xf32> to vector<10000x32xf32>
    %sub3A_34 = arith.subf %select_n3A, %sub3A_33 : vector<10000x32xf32>
    %mul3A = arith.mulf %sub3A_32, %sub3A_34 : vector<10000x32xf32>
    %reduce_sum3A_35 = arith.constant dense<0.000000e+00> : vector<32xf32>
    %reduce_sum3A_36 = vector.multi_reduction <add>, %mul3A, %reduce_sum3A_35 [0] : vector<10000x32xf32> to vector<32xf32>
    %broadcast_in_dim3A_37 = vector.shape_cast %reduce_sum3A_36 : vector<32xf32> to vector<1x32xf32>
    %div3A_38 = arith.constant 1.000000e+04 : f32
    %div3A_39 = vector.broadcast %div3A_38 : f32 to vector<1x32xf32>
    %div3A_40 = arith.divf %broadcast_in_dim3A_37, %div3A_39 : vector<1x32xf32>
    %sub3A_41 = vector.broadcast %div3A_30 : vector<1x32xf32> to vector<10000x32xf32>
    %sub3A_42 = arith.subf %select_n3A, %sub3A_41 : vector<10000x32xf32>
    %add3A_43 = arith.constant 9.99999974E-6 : f32
    %add3A_44 = vector.broadcast %add3A_43 : f32 to vector<1x32xf32>
    %add3A_45 = arith.addf %div3A_40, %add3A_44 : vector<1x32xf32>
    %rsqrt3A = math.rsqrt %add3A_45 : vector<1x32xf32>
    %mul3A_46 = vector.broadcast %rsqrt3A : vector<1x32xf32> to vector<10000x32xf32>
    %mul3A_47 = arith.mulf %sub3A_42, %mul3A_46 : vector<10000x32xf32>
    %mul3A_48 = vector.broadcast %get3A_23 : vector<1x32xf32> to vector<10000x32xf32>
    %mul3A_49 = arith.mulf %mul3A_47, %mul3A_48 : vector<10000x32xf32>
    %add3A_50 = vector.broadcast %get3A_26 : vector<1x32xf32> to vector<10000x32xf32>
    %add3A_51 = arith.addf %mul3A_49, %add3A_50 : vector<10000x32xf32>
    %swap3A = arith.constant 0 : index
    %swap3A_52 = arith.constant 0 : index
    %swap3A_53 = vector.load %arg4[%swap3A, %swap3A_52] : memref<10000x32xf32, #tpu.memory_space<vmem>>, vector<10000x32xf32>
    tpu.vector_store %arg4[%swap3A, %swap3A_52], %add3A_51 {strides = array<i32>} : memref<10000x32xf32, #tpu.memory_space<vmem>>, vector<10000x32xf32>,
    %swap3A_54 = arith.constant 0 : index
    %swap3A_55 = arith.constant 0 : index
    %swap3A_56 = vector.load %arg5[%swap3A_54, %swap3A_55] : memref<10000x1xf32, #tpu.memory_space<vmem>>, vector<10000x1xf32>
    tpu.vector_store %arg5[%swap3A_54, %swap3A_55], %max3A_10 {strides = array<i32>} : memref<10000x1xf32, #tpu.memory_space<vmem>>, vector<10000x1xf32>,
    return
  }
}

module attributes {stable_mosaic.version = 14 : i64} {
  func.func @_tc_table_body(%arg0: i32, %arg1: memref<400x32xf32, #tpu.memory_space<vmem>>, %arg2: memref<32x3456xf32, #tpu.memory_space<vmem>>, %arg3: memref<400x3456xf32, #tpu.memory_space<vmem>>) attributes {dimension_semantics = [#tpu.dimension_semantics<arbitrary>], iteration_bounds = array<i64: 25>, scalar_prefetch = 0 : i64, scratch_operands = 0 : i64, tpu.core_type = #tpu.core_type<tc>, window_params = [{transform_indices = @transform_0, window_bounds = array<i64: 400, 32>}, {pipeline_mode = #tpu.pipeline_mode<synchronous>, transform_indices = @transform_1, window_bounds = array<i64: 32, 3456>}, {transform_indices = @transform_2, window_bounds = array<i64: 400, 3456>}]} {
    %get3A = arith.constant 0 : index
    %get3A_0 = arith.constant 0 : index
    %get3A_1 = vector.load %arg1[%get3A, %get3A_0] : memref<400x32xf32, #tpu.memory_space<vmem>>, vector<400x32xf32>
    %get3A_2 = arith.constant 0 : index
    %get3A_3 = arith.constant 0 : index
    %get3A_4 = vector.load %arg2[%get3A_2, %get3A_3] : memref<32x3456xf32, #tpu.memory_space<vmem>>, vector<32x3456xf32>
    %dot_general3A = arith.constant dense<0.000000e+00> : vector<400x3456xf32>
    %dot_general3A_5 = tpu.matmul %get3A_1, %get3A_4, %dot_general3A {dimension_numbers = #tpu.dot_dimension_numbers<[1], [0], [0], [1], [0, 0, 1, 1], [], []>, transpose_lhs_hint = false} : vector<400x32xf32>, vector<32x3456xf32>, vector<400x3456xf32> -> vector<400x3456xf32>
    %swap3A = arith.constant 0 : index
    %swap3A_6 = arith.constant 0 : index
    %swap3A_7 = vector.load %arg3[%swap3A, %swap3A_6] : memref<400x3456xf32, #tpu.memory_space<vmem>>, vector<400x3456xf32>
    tpu.vector_store %arg3[%swap3A, %swap3A_6], %dot_general3A_5 {strides = array<i32>} : memref<400x3456xf32, #tpu.memory_space<vmem>>, vector<400x3456xf32>,
    return
  }
  func.func @transform_0(%arg0: i32) -> (i32, i32) {
    %c0_i32 = arith.constant 0 : i32
    %c0_i32_0 = arith.constant 0 : i32
    return %arg0, %c0_i32 : i32, i32
  }
  func.func @transform_1(%arg0: i32) -> (i32, i32) {
    %c0_i32 = arith.constant 0 : i32
    %c0_i32_0 = arith.constant 0 : i32
    %c0_i32_1 = arith.constant 0 : i32
    return %c0_i32, %c0_i32_0 : i32, i32
  }
  func.func @transform_2(%arg0: i32) -> (i32, i32) {
    %c0_i32 = arith.constant 0 : i32
    %c0_i32_0 = arith.constant 0 : i32
    return %arg0, %c0_i32 : i32, i32
  }
}

module attributes {stable_mosaic.version = 14 : i64} {
  func.func @_tc2_body(%arg0: memref<2x10240x128xf32, #tpu.memory_space<vmem>>, %arg1: memref<10000x1xf32, #tpu.memory_space<vmem>>, %arg2: memref<1x128xf32, #tpu.memory_space<vmem>>, %arg3: memref<1x128xf32, #tpu.memory_space<vmem>>, %arg4: memref<10000x128xf32, #tpu.memory_space<vmem>>) attributes {dimension_semantics = [], scalar_prefetch = 0 : i64, scratch_operands = 0 : i64, tpu.core_type = #tpu.core_type<tc>} {
    %get3A = arith.constant 0 : index
    %get3A_0 = arith.constant 0 : index
    %get3A_1 = arith.constant 0 : index
    %get3A_2 = vector.load %arg0[%get3A, %get3A_0, %get3A_1] : memref<2x10240x128xf32, #tpu.memory_space<vmem>>, vector<1x10000x128xf32>
    %get3A_3 = vector.shape_cast %get3A_2 : vector<1x10000x128xf32> to vector<10000x128xf32>
    %get3A_4 = arith.constant 1 : index
    %get3A_5 = arith.constant 0 : index
    %get3A_6 = arith.constant 0 : index
    %get3A_7 = vector.load %arg0[%get3A_4, %get3A_5, %get3A_6] : memref<2x10240x128xf32, #tpu.memory_space<vmem>>, vector<1x10000x128xf32>
    %get3A_8 = vector.shape_cast %get3A_7 : vector<1x10000x128xf32> to vector<10000x128xf32>
    %add3A = arith.addf %get3A_3, %get3A_8 : vector<10000x128xf32>
    %get3A_9 = arith.constant 0 : index
    %get3A_10 = arith.constant 0 : index
    %get3A_11 = vector.load %arg1[%get3A_9, %get3A_10] : memref<10000x1xf32, #tpu.memory_space<vmem>>, vector<10000x1xf32>
    %div3A = vector.broadcast %get3A_11 : vector<10000x1xf32> to vector<10000x128xf32>
    %div3A_12 = arith.divf %add3A, %div3A : vector<10000x128xf32>
    %gt3A = arith.constant 0.000000e+00 : f32
    %gt3A_13 = vector.broadcast %gt3A : f32 to vector<10000x128xf32>
    %gt3A_14 = arith.cmpf ogt, %div3A_12, %gt3A_13 : vector<10000x128xf32>
    %exp3A = math.exp %div3A_12 : vector<10000x128xf32>
    %sub3A = arith.constant 1.000000e+00 : f32
    %sub3A_15 = vector.broadcast %sub3A : f32 to vector<10000x128xf32>
    %sub3A_16 = arith.subf %exp3A, %sub3A_15 : vector<10000x128xf32>
    %select_n3A = arith.select %gt3A_14, %div3A_12, %sub3A_16 : vector<10000x128xi1>, vector<10000x128xf32>
    %get3A_17 = arith.constant 0 : index
    %get3A_18 = arith.constant 0 : index
    %get3A_19 = vector.load %arg2[%get3A_17, %get3A_18] : memref<1x128xf32, #tpu.memory_space<vmem>>, vector<1x128xf32>
    %get3A_20 = arith.constant 0 : index
    %get3A_21 = arith.constant 0 : index
    %get3A_22 = vector.load %arg3[%get3A_20, %get3A_21] : memref<1x128xf32, #tpu.memory_space<vmem>>, vector<1x128xf32>
    %reduce_sum3A = arith.constant dense<0.000000e+00> : vector<128xf32>
    %reduce_sum3A_23 = vector.multi_reduction <add>, %select_n3A, %reduce_sum3A [0] : vector<10000x128xf32> to vector<128xf32>
    %broadcast_in_dim3A = vector.shape_cast %reduce_sum3A_23 : vector<128xf32> to vector<1x128xf32>
    %div3A_24 = arith.constant 1.000000e+04 : f32
    %div3A_25 = vector.broadcast %div3A_24 : f32 to vector<1x128xf32>
    %div3A_26 = arith.divf %broadcast_in_dim3A, %div3A_25 : vector<1x128xf32>
    %sub3A_27 = vector.broadcast %div3A_26 : vector<1x128xf32> to vector<10000x128xf32>
    %sub3A_28 = arith.subf %select_n3A, %sub3A_27 : vector<10000x128xf32>
    %sub3A_29 = vector.broadcast %div3A_26 : vector<1x128xf32> to vector<10000x128xf32>
    %sub3A_30 = arith.subf %select_n3A, %sub3A_29 : vector<10000x128xf32>
    %mul3A = arith.mulf %sub3A_28, %sub3A_30 : vector<10000x128xf32>
    %reduce_sum3A_31 = arith.constant dense<0.000000e+00> : vector<128xf32>
    %reduce_sum3A_32 = vector.multi_reduction <add>, %mul3A, %reduce_sum3A_31 [0] : vector<10000x128xf32> to vector<128xf32>
    %broadcast_in_dim3A_33 = vector.shape_cast %reduce_sum3A_32 : vector<128xf32> to vector<1x128xf32>
    %div3A_34 = arith.constant 1.000000e+04 : f32
    %div3A_35 = vector.broadcast %div3A_34 : f32 to vector<1x128xf32>
    %div3A_36 = arith.divf %broadcast_in_dim3A_33, %div3A_35 : vector<1x128xf32>
    %sub3A_37 = vector.broadcast %div3A_26 : vector<1x128xf32> to vector<10000x128xf32>
    %sub3A_38 = arith.subf %select_n3A, %sub3A_37 : vector<10000x128xf32>
    %add3A_39 = arith.constant 9.99999974E-6 : f32
    %add3A_40 = vector.broadcast %add3A_39 : f32 to vector<1x128xf32>
    %add3A_41 = arith.addf %div3A_36, %add3A_40 : vector<1x128xf32>
    %rsqrt3A = math.rsqrt %add3A_41 : vector<1x128xf32>
    %mul3A_42 = vector.broadcast %rsqrt3A : vector<1x128xf32> to vector<10000x128xf32>
    %mul3A_43 = arith.mulf %sub3A_38, %mul3A_42 : vector<10000x128xf32>
    %mul3A_44 = vector.broadcast %get3A_19 : vector<1x128xf32> to vector<10000x128xf32>
    %mul3A_45 = arith.mulf %mul3A_43, %mul3A_44 : vector<10000x128xf32>
    %add3A_46 = vector.broadcast %get3A_22 : vector<1x128xf32> to vector<10000x128xf32>
    %add3A_47 = arith.addf %mul3A_45, %add3A_46 : vector<10000x128xf32>
    %swap3A = arith.constant 0 : index
    %swap3A_48 = arith.constant 0 : index
    %swap3A_49 = vector.load %arg4[%swap3A, %swap3A_48] : memref<10000x128xf32, #tpu.memory_space<vmem>>, vector<10000x128xf32>
    tpu.vector_store %arg4[%swap3A, %swap3A_48], %add3A_47 {strides = array<i32>} : memref<10000x128xf32, #tpu.memory_space<vmem>>, vector<10000x128xf32>,
    return
  }
}

module attributes {stable_mosaic.version = 14 : i64} {
  func.func @_tc_pool_body(%arg0: memref<10000x128xf32, #tpu.memory_space<vmem>>, %arg1: memref<10000x3xf32, #tpu.memory_space<vmem>>, %arg2: memref<10000x1xi32, #tpu.memory_space<vmem>>, %arg3: memref<256x128xf32, #tpu.memory_space<vmem>>) attributes {dimension_semantics = [], scalar_prefetch = 0 : i64, scratch_operands = 0 : i64, tpu.core_type = #tpu.core_type<tc>} {
    %get3A = arith.constant 0 : index
    %get3A_0 = arith.constant 0 : index
    %get3A_1 = vector.load %arg1[%get3A, %get3A_0] : memref<10000x3xf32, #tpu.memory_space<vmem>>, vector<10000x1xf32>
    %mul3A = arith.constant 4.000000e+00 : f32
    %mul3A_2 = vector.broadcast %mul3A : f32 to vector<10000x1xf32>
    %mul3A_3 = arith.mulf %get3A_1, %mul3A_2 : vector<10000x1xf32>
    %convert_element_type3A = arith.fptosi %mul3A_3 : vector<10000x1xf32> to vector<10000x1xi32>
    %jit3A = arith.constant 0 : i32
    %jit3A_4 = arith.constant 3 : i32
    %max3A = vector.broadcast %jit3A : i32 to vector<10000x1xi32>
    %max3A_5 = arith.maxsi %max3A, %convert_element_type3A : vector<10000x1xi32>
    %min3A = vector.broadcast %jit3A_4 : i32 to vector<10000x1xi32>
    %min3A_6 = arith.minsi %min3A, %max3A_5 : vector<10000x1xi32>
    %get3A_7 = arith.constant 0 : index
    %get3A_8 = arith.constant 1 : index
    %get3A_9 = vector.load %arg1[%get3A_7, %get3A_8] : memref<10000x3xf32, #tpu.memory_space<vmem>>, vector<10000x1xf32>
    %mul3A_10 = arith.constant 4.000000e+00 : f32
    %mul3A_11 = vector.broadcast %mul3A_10 : f32 to vector<10000x1xf32>
    %mul3A_12 = arith.mulf %get3A_9, %mul3A_11 : vector<10000x1xf32>
    %convert_element_type3A_13 = arith.fptosi %mul3A_12 : vector<10000x1xf32> to vector<10000x1xi32>
    %jit3A_14 = arith.constant 0 : i32
    %jit3A_15 = arith.constant 3 : i32
    %max3A_16 = vector.broadcast %jit3A_14 : i32 to vector<10000x1xi32>
    %max3A_17 = arith.maxsi %max3A_16, %convert_element_type3A_13 : vector<10000x1xi32>
    %min3A_18 = vector.broadcast %jit3A_15 : i32 to vector<10000x1xi32>
    %min3A_19 = arith.minsi %min3A_18, %max3A_17 : vector<10000x1xi32>
    %get3A_20 = arith.constant 0 : index
    %get3A_21 = arith.constant 0 : index
    %get3A_22 = vector.load %arg2[%get3A_20, %get3A_21] : memref<10000x1xi32, #tpu.memory_space<vmem>>, vector<10000x1xi32>
    %mul3A_23 = arith.constant 16 : i32
    %mul3A_24 = vector.broadcast %mul3A_23 : i32 to vector<10000x1xi32>
    %mul3A_25 = arith.muli %get3A_22, %mul3A_24 : vector<10000x1xi32>
    %add3A = arith.addi %mul3A_25, %min3A_6 : vector<10000x1xi32>
    %mul3A_26 = arith.constant 4 : i32
    %mul3A_27 = vector.broadcast %mul3A_26 : i32 to vector<10000x1xi32>
    %mul3A_28 = arith.muli %mul3A_27, %min3A_19 : vector<10000x1xi32>
    %add3A_29 = arith.addi %add3A, %mul3A_28 : vector<10000x1xi32>
    %get3A_30 = arith.constant 0 : index
    %get3A_31 = arith.constant 0 : index
    %get3A_32 = vector.load %arg0[%get3A_30, %get3A_31] : memref<10000x128xf32, #tpu.memory_space<vmem>>, vector<10000x128xf32>
    %scan3A = arith.constant 0xFF800000 : f32
    %scan3A_33 = arith.constant 0 : i32
    %scan3A_34 = arith.constant 32 : i32
    %scan3A_35 = arith.addi %scan3A_33, %scan3A_34 : i32
    %scan3A_36 = arith.constant 1 : i32
    scf.for %scan3A_38 = %scan3A_33 to %scan3A_35 step %scan3A_36  : i32 {
      %mul3A_39 = arith.constant 8 : i32
      %mul3A_40 = arith.muli %scan3A_38, %mul3A_39 : i32
      %add3A_41 = arith.constant 0 : i32
      %add3A_42 = arith.addi %mul3A_40, %add3A_41 : i32
      %eq3A = vector.broadcast %add3A_42 : i32 to vector<10000x1xi32>
      %eq3A_43 = arith.cmpi eq, %add3A_29, %eq3A : vector<10000x1xi32>
      %broadcast_in_dim3A = vector.shape_cast %eq3A_43 : vector<10000x1xi1> to vector<10000x1xi1>
      %broadcast_in_dim3A_44 = vector.broadcast %broadcast_in_dim3A : vector<10000x1xi1> to vector<10000x128xi1>
      %broadcast_in_dim3A_45 = vector.broadcast %scan3A : f32 to vector<10000x128xf32>
      %select_n3A = arith.select %broadcast_in_dim3A_44, %get3A_32, %broadcast_in_dim3A_45 : vector<10000x128xi1>, vector<10000x128xf32>
      %reduce_max3A = arith.constant dense<0xFF800000> : vector<128xf32>
      %reduce_max3A_46 = vector.multi_reduction <maximumf>, %select_n3A, %reduce_max3A [0] : vector<10000x128xf32> to vector<128xf32>
      %broadcast_in_dim3A_47 = vector.shape_cast %reduce_max3A_46 : vector<128xf32> to vector<1x128xf32>
      %mul3A_48 = arith.constant 8 : i32
      %mul3A_49 = arith.muli %scan3A_38, %mul3A_48 : i32
      %add3A_50 = arith.constant 1 : i32
      %add3A_51 = arith.addi %mul3A_49, %add3A_50 : i32
      %eq3A_52 = vector.broadcast %add3A_51 : i32 to vector<10000x1xi32>
      %eq3A_53 = arith.cmpi eq, %add3A_29, %eq3A_52 : vector<10000x1xi32>
      %broadcast_in_dim3A_54 = vector.shape_cast %eq3A_53 : vector<10000x1xi1> to vector<10000x1xi1>
      %broadcast_in_dim3A_55 = vector.broadcast %broadcast_in_dim3A_54 : vector<10000x1xi1> to vector<10000x128xi1>
      %broadcast_in_dim3A_56 = vector.broadcast %scan3A : f32 to vector<10000x128xf32>
      %select_n3A_57 = arith.select %broadcast_in_dim3A_55, %get3A_32, %broadcast_in_dim3A_56 : vector<10000x128xi1>, vector<10000x128xf32>
      %reduce_max3A_58 = arith.constant dense<0xFF800000> : vector<128xf32>
      %reduce_max3A_59 = vector.multi_reduction <maximumf>, %select_n3A_57, %reduce_max3A_58 [0] : vector<10000x128xf32> to vector<128xf32>
      %broadcast_in_dim3A_60 = vector.shape_cast %reduce_max3A_59 : vector<128xf32> to vector<1x128xf32>
      %mul3A_61 = arith.constant 8 : i32
      %mul3A_62 = arith.muli %scan3A_38, %mul3A_61 : i32
      %add3A_63 = arith.constant 2 : i32
      %add3A_64 = arith.addi %mul3A_62, %add3A_63 : i32
      %eq3A_65 = vector.broadcast %add3A_64 : i32 to vector<10000x1xi32>
      %eq3A_66 = arith.cmpi eq, %add3A_29, %eq3A_65 : vector<10000x1xi32>
      %broadcast_in_dim3A_67 = vector.shape_cast %eq3A_66 : vector<10000x1xi1> to vector<10000x1xi1>
      %broadcast_in_dim3A_68 = vector.broadcast %broadcast_in_dim3A_67 : vector<10000x1xi1> to vector<10000x128xi1>
      %broadcast_in_dim3A_69 = vector.broadcast %scan3A : f32 to vector<10000x128xf32>
      %select_n3A_70 = arith.select %broadcast_in_dim3A_68, %get3A_32, %broadcast_in_dim3A_69 : vector<10000x128xi1>, vector<10000x128xf32>
      %reduce_max3A_71 = arith.constant dense<0xFF800000> : vector<128xf32>
      %reduce_max3A_72 = vector.multi_reduction <maximumf>, %select_n3A_70, %reduce_max3A_71 [0] : vector<10000x128xf32> to vector<128xf32>
      %broadcast_in_dim3A_73 = vector.shape_cast %reduce_max3A_72 : vector<128xf32> to vector<1x128xf32>
      %mul3A_74 = arith.constant 8 : i32
      %mul3A_75 = arith.muli %scan3A_38, %mul3A_74 : i32
      %add3A_76 = arith.constant 3 : i32
      %add3A_77 = arith.addi %mul3A_75, %add3A_76 : i32
      %eq3A_78 = vector.broadcast %add3A_77 : i32 to vector<10000x1xi32>
      %eq3A_79 = arith.cmpi eq, %add3A_29, %eq3A_78 : vector<10000x1xi32>
      %broadcast_in_dim3A_80 = vector.shape_cast %eq3A_79 : vector<10000x1xi1> to vector<10000x1xi1>
      %broadcast_in_dim3A_81 = vector.broadcast %broadcast_in_dim3A_80 : vector<10000x1xi1> to vector<10000x128xi1>
      %broadcast_in_dim3A_82 = vector.broadcast %scan3A : f32 to vector<10000x128xf32>
      %select_n3A_83 = arith.select %broadcast_in_dim3A_81, %get3A_32, %broadcast_in_dim3A_82 : vector<10000x128xi1>, vector<10000x128xf32>
      %reduce_max3A_84 = arith.constant dense<0xFF800000> : vector<128xf32>
      %reduce_max3A_85 = vector.multi_reduction <maximumf>, %select_n3A_83, %reduce_max3A_84 [0] : vector<10000x128xf32> to vector<128xf32>
      %broadcast_in_dim3A_86 = vector.shape_cast %reduce_max3A_85 : vector<128xf32> to vector<1x128xf32>
      %mul3A_87 = arith.constant 8 : i32
      %mul3A_88 = arith.muli %scan3A_38, %mul3A_87 : i32
      %add3A_89 = arith.constant 4 : i32
      %add3A_90 = arith.addi %mul3A_88, %add3A_89 : i32
      %eq3A_91 = vector.broadcast %add3A_90 : i32 to vector<10000x1xi32>
      %eq3A_92 = arith.cmpi eq, %add3A_29, %eq3A_91 : vector<10000x1xi32>
      %broadcast_in_dim3A_93 = vector.shape_cast %eq3A_92 : vector<10000x1xi1> to vector<10000x1xi1>
      %broadcast_in_dim3A_94 = vector.broadcast %broadcast_in_dim3A_93 : vector<10000x1xi1> to vector<10000x128xi1>
      %broadcast_in_dim3A_95 = vector.broadcast %scan3A : f32 to vector<10000x128xf32>
      %select_n3A_96 = arith.select %broadcast_in_dim3A_94, %get3A_32, %broadcast_in_dim3A_95 : vector<10000x128xi1>, vector<10000x128xf32>
      %reduce_max3A_97 = arith.constant dense<0xFF800000> : vector<128xf32>
      %reduce_max3A_98 = vector.multi_reduction <maximumf>, %select_n3A_96, %reduce_max3A_97 [0] : vector<10000x128xf32> to vector<128xf32>
      %broadcast_in_dim3A_99 = vector.shape_cast %reduce_max3A_98 : vector<128xf32> to vector<1x128xf32>
      %mul3A_100 = arith.constant 8 : i32
      %mul3A_101 = arith.muli %scan3A_38, %mul3A_100 : i32
      %add3A_102 = arith.constant 5 : i32
      %add3A_103 = arith.addi %mul3A_101, %add3A_102 : i32
      %eq3A_104 = vector.broadcast %add3A_103 : i32 to vector<10000x1xi32>
      %eq3A_105 = arith.cmpi eq, %add3A_29, %eq3A_104 : vector<10000x1xi32>
      %broadcast_in_dim3A_106 = vector.shape_cast %eq3A_105 : vector<10000x1xi1> to vector<10000x1xi1>
      %broadcast_in_dim3A_107 = vector.broadcast %broadcast_in_dim3A_106 : vector<10000x1xi1> to vector<10000x128xi1>
      %broadcast_in_dim3A_108 = vector.broadcast %scan3A : f32 to vector<10000x128xf32>
      %select_n3A_109 = arith.select %broadcast_in_dim3A_107, %get3A_32, %broadcast_in_dim3A_108 : vector<10000x128xi1>, vector<10000x128xf32>
      %reduce_max3A_110 = arith.constant dense<0xFF800000> : vector<128xf32>
      %reduce_max3A_111 = vector.multi_reduction <maximumf>, %select_n3A_109, %reduce_max3A_110 [0] : vector<10000x128xf32> to vector<128xf32>
      %broadcast_in_dim3A_112 = vector.shape_cast %reduce_max3A_111 : vector<128xf32> to vector<1x128xf32>
      %mul3A_113 = arith.constant 8 : i32
      %mul3A_114 = arith.muli %scan3A_38, %mul3A_113 : i32
      %add3A_115 = arith.constant 6 : i32
      %add3A_116 = arith.addi %mul3A_114, %add3A_115 : i32
      %eq3A_117 = vector.broadcast %add3A_116 : i32 to vector<10000x1xi32>
      %eq3A_118 = arith.cmpi eq, %add3A_29, %eq3A_117 : vector<10000x1xi32>
      %broadcast_in_dim3A_119 = vector.shape_cast %eq3A_118 : vector<10000x1xi1> to vector<10000x1xi1>
      %broadcast_in_dim3A_120 = vector.broadcast %broadcast_in_dim3A_119 : vector<10000x1xi1> to vector<10000x128xi1>
      %broadcast_in_dim3A_121 = vector.broadcast %scan3A : f32 to vector<10000x128xf32>
      %select_n3A_122 = arith.select %broadcast_in_dim3A_120, %get3A_32, %broadcast_in_dim3A_121 : vector<10000x128xi1>, vector<10000x128xf32>
      %reduce_max3A_123 = arith.constant dense<0xFF800000> : vector<128xf32>
      %reduce_max3A_124 = vector.multi_reduction <maximumf>, %select_n3A_122, %reduce_max3A_123 [0] : vector<10000x128xf32> to vector<128xf32>
      %broadcast_in_dim3A_125 = vector.shape_cast %reduce_max3A_124 : vector<128xf32> to vector<1x128xf32>
      %mul3A_126 = arith.constant 8 : i32
      %mul3A_127 = arith.muli %scan3A_38, %mul3A_126 : i32
      %add3A_128 = arith.constant 7 : i32
      %add3A_129 = arith.addi %mul3A_127, %add3A_128 : i32
      %eq3A_130 = vector.broadcast %add3A_129 : i32 to vector<10000x1xi32>
      %eq3A_131 = arith.cmpi eq, %add3A_29, %eq3A_130 : vector<10000x1xi32>
      %broadcast_in_dim3A_132 = vector.shape_cast %eq3A_131 : vector<10000x1xi1> to vector<10000x1xi1>
      %broadcast_in_dim3A_133 = vector.broadcast %broadcast_in_dim3A_132 : vector<10000x1xi1> to vector<10000x128xi1>
      %broadcast_in_dim3A_134 = vector.broadcast %scan3A : f32 to vector<10000x128xf32>
      %select_n3A_135 = arith.select %broadcast_in_dim3A_133, %get3A_32, %broadcast_in_dim3A_134 : vector<10000x128xi1>, vector<10000x128xf32>
      %reduce_max3A_136 = arith.constant dense<0xFF800000> : vector<128xf32>
      %reduce_max3A_137 = vector.multi_reduction <maximumf>, %select_n3A_135, %reduce_max3A_136 [0] : vector<10000x128xf32> to vector<128xf32>
      %broadcast_in_dim3A_138 = vector.shape_cast %reduce_max3A_137 : vector<128xf32> to vector<1x128xf32>
      %concatenate3A = tpu.concatenate %broadcast_in_dim3A_47, %broadcast_in_dim3A_60, %broadcast_in_dim3A_73, %broadcast_in_dim3A_86, %broadcast_in_dim3A_99, %broadcast_in_dim3A_112, %broadcast_in_dim3A_125, %broadcast_in_dim3A_138 in 0 : vector<1x128xf32>, vector<1x128xf32>, vector<1x128xf32>, vector<1x128xf32>, vector<1x128xf32>, vector<1x128xf32>, vector<1x128xf32>, vector<1x128xf32> -> vector<8x128xf32>
      %is_finite3A = tpu.weird %concatenate3A : vector<8x128xf32> -> vector<8x128xi1>
      %is_finite3A_139 = arith.constant dense<true> : vector<8x128xi1>
      %is_finite3A_140 = arith.xori %is_finite3A, %is_finite3A_139 : vector<8x128xi1>
      %jit3A_141 = arith.constant 0.000000e+00 : f32
      %broadcast_in_dim3A_142 = vector.broadcast %jit3A_141 : f32 to vector<8x128xf32>
      %select_n3A_143 = arith.select %is_finite3A_140, %concatenate3A, %broadcast_in_dim3A_142 : vector<8x128xi1>, vector<8x128xf32>
      %mul3A_144 = arith.constant 8 : i32
      %mul3A_145 = arith.muli %scan3A_38, %mul3A_144 : i32
      %multiple_of3A = tpu.assume_multiple %mul3A_145, 8 : i32
      %swap3A = arith.index_cast %multiple_of3A : i32 to index
      %swap3A_146 = arith.constant 0 : index
      %swap3A_147 = vector.load %arg3[%swap3A, %swap3A_146] : memref<256x128xf32, #tpu.memory_space<vmem>>, vector<8x128xf32>
      tpu.vector_store %arg3[%swap3A, %swap3A_146], %select_n3A_143 {strides = array<i32>} : memref<256x128xf32, #tpu.memory_space<vmem>>, vector<8x128xf32>,
    }
    %scan3A_37 = arith.constant 32 : i32
    return
  }
}

module attributes {stable_mosaic.version = 14 : i64} {
  func.func @_tc_fc_body(%arg0: memref<16x2048xf32, #tpu.memory_space<vmem>>, %arg1: memref<2048x101xf32, #tpu.memory_space<vmem>>, %arg2: memref<16x101xf32, #tpu.memory_space<vmem>>) attributes {dimension_semantics = [], scalar_prefetch = 0 : i64, scratch_operands = 0 : i64, tpu.core_type = #tpu.core_type<tc>} {
    %get3A = arith.constant 0 : index
    %get3A_0 = arith.constant 0 : index
    %get3A_1 = vector.load %arg0[%get3A, %get3A_0] : memref<16x2048xf32, #tpu.memory_space<vmem>>, vector<16x2048xf32>
    %get3A_2 = arith.constant 0 : index
    %get3A_3 = arith.constant 0 : index
    %get3A_4 = vector.load %arg1[%get3A_2, %get3A_3] : memref<2048x101xf32, #tpu.memory_space<vmem>>, vector<2048x101xf32>
    %dot_general3A = arith.constant dense<0.000000e+00> : vector<16x101xf32>
    %dot_general3A_5 = tpu.matmul %get3A_1, %get3A_4, %dot_general3A {dimension_numbers = #tpu.dot_dimension_numbers<[1], [0], [0], [1], [0, 0, 1, 1], [], []>, transpose_lhs_hint = false} : vector<16x2048xf32>, vector<2048x101xf32>, vector<16x101xf32> -> vector<16x101xf32>
    %swap3A = arith.constant 0 : index
    %swap3A_6 = arith.constant 0 : index
    %swap3A_7 = vector.load %arg2[%swap3A, %swap3A_6] : memref<16x101xf32, #tpu.memory_space<vmem>>, vector<16x101xf32>
    tpu.vector_store %arg2[%swap3A, %swap3A_6], %dot_general3A_5 {strides = array<i32>} : memref<16x101xf32, #tpu.memory_space<vmem>>, vector<16x101xf32>,
    return
  }
}

</mosaic_0001>

<sc_bundles>
// kernel: kernel.12.cloned.1.call-start
scs
__scs_entry_jumppad:
0x0: {  	(pc) =	sbr.rel $0x88, $3  }
0x1: {  	(tag) =	ssettag $0x0;
	lr =	simm.s32 $0x1  }
0x2: {  	[smem:$0x3F95] =	sst lr;
	_ =	strace $0xD0000000  }
0x3: {  	_ = 	snop  }
0x4: {  	_ = 	snop  }
0x5: {  	_ = 	snop  }
0x6: {  	_ = 	snop  }
0x7: {  	_ = 	snop  }
__scs_overlays_trampoline_lowered:
0x8: {  	[smem:$0x3FA4] =	sst s0  }
0x9: {  	[smem:$0x3FA5] =	sst s1  }
0xa: {  	[smem:$0x3FA6] =	sst s2  }
0xb: {  	[smem:$0x3FA7] =	sst s3  }
0xc: {  	[smem:$0x3FA8] =	sst s4  }
0xd: {  	[smem:$0x3FA9] =	sst s5  }
0xe: {  	[smem:$0x3FAA] =	sst s6  }
0xf: {  	[smem:$0x3FAB] =	sst s7  }
0x10: {  	[smem:$0x3FAC] =	sst s8  }
0x11: {  	[smem:$0x3FAD] =	sst s9;
	s0 =	simm.s32 @!p0 $0x0  }
0x12: {  	s1 =	sld [smem:$0x3F93];
	s0 =	simm.s32 @p0 $0x1  }
0x13: {  	[smem:$0x3FAE] =	sst s0;
	s0 =	simm.s32 @!p1 $0x0  }
0x14: {  	s2 =	sld [smem:$0x3F92];
	s0 =	simm.s32 @p1 $0x1  }
0x15: {  	[smem:$0x3FAF] =	sst s0;
	s0 =	simm.s32 @!p2 $0x0  }
0x16: {  	s3 =	sld [smem:$0x3FDB];
	s0 =	simm.s32 @p2 $0x1  }
0x17: {  	s4 =	simm.s32 $0x1BF5;
	[smem:$0x3FB1] =	sst s0  }
0x18: {  	s0 =	sld [smem:$0x3F94];
	_ =	swait.ge [sflag:s4], $0x0  }
0x19: {  	s7 =	sld [smem:$0x3F95]  }
0x1a: {  	s8 =	sadd.s32 $0xFFFFE003, lr  }
0x1b: {  	s9 =	sadd.s32 $0xFFFFFEF7, lr;
	s5 =	simm.s32 $0xFFFFFFFF;
	p2 =	slt.u32 s8, $0xFFFFF086  }
0x1c: {  	p1 =	slt.u32 s9, $0xF7A;
	s5 =	simm.s32 @!p2 $0x0  }
0x1d: {  	s5 =	simm.s32 @p1 $0x1;
	p0 =	seq.s32 s7, s2  }
0x1e: {  	s7 =	smul.u32 @!p0 $0xF7A, s2;
	p2 =	seq.s32 @!p0 s5, $0x0  }
0x1f: {  	s9 =	smul.u32 $0xF7A, s1;
	s8 =	simm.s32 @!p0 $0x1BF5;
	p2 =	por !p2, p0  }
0x20: {  	[sflag:s8] =	ssyncset.s32 @!p0 $0xFFFFF086;
	s6 =	sadd.s32 @!p0 s3, s7;
	s7 =	simm.s32 @!p0 $0x108  }
0x21: {  	s3 =	sadd.s32 s3, s9;
	s6 =	sadd.s32 @!p0 $0x88, s6;
	s7 =	simm.s32 @p2 $0x1082  }
0x22: {  	[simem:s7], [sflag:s8] =	dma.local @!p0 [hbm:s6], $0xF7A  }
0x23: {  	s9 =	sor.u32 $0xD0000000, s2;
	s6 =	simm.s32 $0x108;
	_ =	swait.ge @!p0 [sflag:s8], $0x0  }
0x24: {  	s3 =	sadd.s32 $0x88, s3;
	s6 =	simm.s32 @!p1 $0x1082;
	[sflag:s4] =	ssyncset.s32 $0xFFFFF086  }
0x25: {  	[simem:s6], [sflag:s4] =	dma.local [hbm:s3], $0xF7A  }
0x26: {  	[smem:$0x3F95] =	sst s1;
	(tag) =	ssettag s2;
	_ =	strace s9  }
0x27: {  	s1 =	sld [smem:$0x3FA5]  }
0x28: {  	s2 =	sld [smem:$0x3FA6]  }
0x29: {  	s4 =	sld [smem:$0x3FA8]  }
0x2a: {  	p0 =	seq.s32 s5, $0x0;
	s5 =	sld [smem:$0x3FA9]  }
0x2b: {  	s6 =	sld [smem:$0x3FAA]  }
0x2c: {  	s7 =	sld [smem:$0x3FAB]  }
0x2d: {  	s3 =	simm.s32 $0x108;
	s8 =	sld [smem:$0x3FAC]  }
0x2e: {  	s3 =	simm.s32 @!p0 $0x1082;
	s9 =	sld [smem:$0x3FAD]  }
0x2f: {  	lr =	sadd.s32 s0, s3;
	s0 =	sld [smem:$0x3FA4]  }
0x30: {  	s3 =	sld [smem:$0x3FA7]  }
0x31: {  	[smem:$0x3FB0] =	sst s10  }
0x32: {  	s10 =	sld [smem:$0x3FAE];
	_ =	sdelay $0x3  }
0x33: {  	p0 =	seq.s32 s10, $0x1;
	s10 =	sld [smem:$0x3FB0];
	_ =	sdelay $0x3  }
0x34: {  	[smem:$0x3FB0] =	sst s10  }
0x35: {  	s10 =	sld [smem:$0x3FAF];
	_ =	sdelay $0x3  }
0x36: {  	p1 =	seq.s32 s10, $0x1;
	s10 =	sld [smem:$0x3FB0];
	_ =	sdelay $0x3  }
0x37: {  	[smem:$0x3FB0] =	sst s10  }
0x38: {  	s10 =	sld [smem:$0x3FB1]  }
0x39: {  	_ = 	snop;
	(pc) =	sbr.ind lr, $3  }
0x3a: {  	_ = 	snop  }
0x3b: {  	_ = 	snop  }
0x3c: {  	p2 =	seq.s32 s10, $0x1;
	s10 =	sld [smem:$0x3FB0]  }
0x3d: {  	_ =	shalt  }
0x3e: {  	_ =	shalt  }
0x3f: {  	_ =	shalt  }
0x40: {  	_ =	shalt  }
0x41: {  	_ =	shalt  }
0x42: {  	_ =	shalt  }
0x43: {  	_ =	shalt  }
0x44: {  	_ =	shalt  }
0x45: {  	_ =	shalt  }
0x46: {  	_ =	shalt  }
0x47: {  	_ =	shalt  }
0x48: {  	_ =	shalt  }
0x49: {  	_ =	shalt  }
0x4a: {  	_ =	shalt  }
0x4b: {  	_ =	shalt  }
0x4c: {  	_ =	shalt  }
0x4d: {  	_ =	shalt  }
0x4e: {  	_ =	shalt  }
0x4f: {  	_ =	shalt  }
0x50: {  	_ =	shalt  }
0x51: {  	_ =	shalt  }
0x52: {  	_ =	shalt  }
0x53: {  	_ =	shalt  }
0x54: {  	_ =	shalt  }
0x55: {  	_ =	shalt  }
0x56: {  	_ =	shalt  }
0x57: {  	_ =	shalt  }
0x58: {  	_ =	shalt  }
0x59: {  	_ =	shalt  }
0x5a: {  	_ =	shalt  }
0x5b: {  	_ =	shalt  }
0x5c: {  	_ =	shalt  }
0x5d: {  	_ =	shalt  }
0x5e: {  	_ =	shalt  }
0x5f: {  	_ =	shalt  }
0x60: {  	_ =	shalt  }
0x61: {  	_ =	shalt  }
0x62: {  	_ =	shalt  }
0x63: {  	_ =	shalt  }
0x64: {  	_ =	shalt  }
0x65: {  	_ =	shalt  }
0x66: {  	_ =	shalt  }
0x67: {  	_ =	shalt  }
0x68: {  	_ =	shalt  }
0x69: {  	_ =	shalt  }
0x6a: {  	_ =	shalt  }
0x6b: {  	_ =	shalt  }
0x6c: {  	_ =	shalt  }
0x6d: {  	_ =	shalt  }
0x6e: {  	_ =	shalt  }
0x6f: {  	_ =	shalt  }
0x70: {  	_ =	shalt  }
0x71: {  	_ =	shalt  }
0x72: {  	_ =	shalt  }
0x73: {  	_ =	shalt  }
0x74: {  	_ =	shalt  }
0x75: {  	_ =	shalt  }
0x76: {  	_ =	shalt  }
0x77: {  	_ =	shalt  }
0x78: {  	_ =	shalt  }
0x79: {  	_ =	shalt  }
0x7a: {  	_ =	shalt  }
0x7b: {  	_ =	shalt  }
0x7c: {  	_ =	shalt  }
0x7d: {  	_ =	shalt  }
0x7e: {  	_ =	shalt  }
0x7f: {  	_ =	shalt  }
0x80: {  	_ =	shalt  }
0x81: {  	_ =	shalt  }
0x82: {  	_ =	shalt  }
0x83: {  	_ =	shalt  }
0x84: {  	_ =	shalt  }
0x85: {  	_ =	shalt  }
0x86: {  	_ =	shalt  }
0x87: {  	_ =	shalt  }
.Lfunc_end0:
.L_simem_size_0:
called_computation.1_lowered:
.L_overlay_start_0:
0x88: {  	s2 =	sld [smem:$0x3FD9]  }
0x89: {  	s3 =	sld [smem:$0x3FFE];
	_ =	sdelay $0x1  }
0x8a: {  	s1 =	srdreg.scid  }
0x8b: {  	s0 =	sand.u32 $0x1, s1  }
0x8c: {  	s16 =	sshll.u32 s0, $0xA;
	s2 =	sadd.s32 s3, s2  }
0x8d: {  	s2 =	sadd.s32 s2, s16  }
0x8e: {  	[smem:$0x3FBC] =	sst s2  }
0x8f: {  	_ = 	snop  }
0x90: {  	(tm) =	ssettm $0x1  }
0x91: {  	s17 =	sld [smem:$0x3FFB];
	_ =	sdelay $0x3  }
0x92: {  	_ =	strace s17  }
0x93: {  	s2 =	sld [smem:$0x3FFC];
	_ =	sdelay $0x3  }
0x94: {  	_ =	strace s2  }
0x95: {  	s2 =	sld [smem:$0x3FFD];
	_ =	sdelay $0x3  }
0x96: {  	_ =	strace s2  }
0x97: {  	_ =	strace $0x8FFFFFFF  }
0x98: {  	s18 =	sld [smem:$0x3FDB];
	_ =	sdelay $0x1  }
0x99: {  	s19 =	simm.s32 $_scs_section_size  }
0x9a: {  	s4 =	simm.s32 $_size__tile_overlayer_lowered;
	s5 =	simm.s32 $_tile_overlayer_lowered  }
0x9b: {  	s22 =	simm.s32 $0x1BFF;
	s21 =	sshll.u32 s5, $0x1;
	s2 =	sadd.s32 s19, s18  }
0x9c: {  	s6 =	simm.s32 $0x0;
	s20 =	sshll.u32 s4, $0x1;
	s4 =	sadd.s32 s21, s2  }
0x9d: {  	[timem:s6], [sflag:s22] =	dma.local [hbm:s4], s20  }
0x9e: {  	_ =	swait.ge [sflag:s22], s20  }
0x9f: {  	s3 =	ssub.s32 $0x0, s20;
	[sflag:s22] =	ssyncset.done $0x0  }
0xa0: {  	[sflag:s22] =	ssyncadd.s32 s3;
	_ =	sdelay $0x1  }
0xa1: {  	s23 =	simm.s32 $0x1B8B  }
0xa2: {  	_ =	swait.ge [sflag:s23], $0x1  }
0xa3: {  	[sflag:s23] =	ssyncset.done $0x0  }
0xa4: {  	s25 =	simm.s32 $0x1B8E;
	s24 =	sld [smem:$0x3FFE];
	[sflag:s23] =	ssyncadd.s32 $0xFFFFFFFF  }
0xa5: {  	s26 =	simm.s32 $execute0_lowered;
	[smem:$0x3FD2] =	sst s25  }
0xa6: {  	s4 =	sshll.u32 s26, $0x1;
	_ =	strace $0x80000049;
	[dreg:$0x1] =	wrdreg $0xFFFFFFFF  }
0xa7: {  	s28 =	simm.s32 $_size_execute0_lowered;
	s2 =	sadd.s32 s2, s4;
	[dreg:$0x0] =	wrdreg $0x0  }
0xa8: {  	s4 =	sshll.u32 s28, $0x1;
	[dreg:$0x2] =	wrdreg s2  }
0xa9: {  	[dreg:$0x3] =	wrdreg s4  }
0xaa: {  	[dreg:$0x4] =	wrdreg $0xC0  }
0xab: {  	_ =	task [dreg:s6], $0x5FFFF  }
0xac: {  	[dreg:$0x1] =	wrdreg $0xFFFFFFFF  }
0xad: {  	[dreg:$0x0] =	wrdreg $0x60  }
0xae: {  	[dreg:$0x2] =	wrdreg s24  }
0xaf: {  	[dreg:$0x3] =	wrdreg $0x74800  }
0xb0: {  	[dreg:$0x4] =	wrdreg $0x9  }
0xb1: {  	_ =	task.clear_ibuf [dreg:s6], $0x5FFFF;
	_ =	strace $0x90000049  }
0xb2: {  	s29 =	simm.s32 $0x9;
	_ =	strace $0x8000004B  }
0xb3: {  	_ =	swait.ge [sflag:s29], $0x1  }
0xb4: {  	[sflag:s29] =	ssyncadd.s32 $0xFFFFFFFF  }
0xb5: {  	_ =	strace $0x9000004B  }
0xb6: {  	_ =	sfence  }
0xb7: {  	s30 =	sld [smem:$0x0];
	_ =	sdelay $0x2  }
0xb8: {  	s31 =	sshll.u32 s1, $0xD;
	s1 =	sshrl.u32 s1, $0x2  }
0xb9: {  	s3 =	sand.u32 $0x4000, s31;
	s1 =	sadd.s32 s1, s30  }
0xba: {  	s0 =	sor.u32 s3, s0;
	s1 =	sshll.u32 s1, $0x11  }
0xbb: {  	s0 =	sor.u32 s1, s0  }
0xbc: {  	s0 =	sadd.s32 $0x8F2B, s0  }
0xbd: {  	[sflag:s0] =	ssyncadd.remote.s32 $0x1  }
0xbe: {  	_ =	sfence.sel $0xFFFF  }
0xbf: {  	[dreg:$0x0] =	wrdreg $0xFFFFFFFF;
	(pc) =	sbr.abs _section_cstart, $3  }
0xc0: {  	[dreg:$0x1] =	wrdreg $0xFFFFFFFF  }
0xc1: {  	_ =	task.clear_ibuf [dreg:s6], $0x2FFFF;
	_ =	strace $0x9FFFFFFF  }
0xc2: {  	(tm) =	ssettm $0x7FFFFFFF  }
0xc3: {  	_ =	shalt  }
tec
execute0_lowered:
.L_overlay_start_1:
0x0: {  	(tag) =	ssettag $0x1  }
0x1: {  	s0 =	rddreg [dreg:$0x0]  }
0x2: {  	s2 =	rddreg [dreg:$0x1];
	s3 =	simm.s32 $0x0;
	s14 =	stileid.u32  }
0x3: {  	s1 =	srdreg.scid;
	s17 =	simm.s32 $0x1;
	s18 =	simm.s32 $0x200  }
0x4: {  	s19 =	simm.s32 $0x400;
	s20 =	simm.s32 $0x600;
	s21 =	simm.s32 $0x800  }
0x5: {  	s22 =	simm.s32 $0xC00;
	s23 =	simm.s32 $0x80;
	s24 =	simm.s32 $0xC80  }
0x6: {  	s25 =	simm.s32 $0x50;
	s26 =	simm.s32 $0x4C80;
	[smem:$0x7FF] =	sst s3  }
0x7: {  	s10 =	smul.u32 $0x14000, s14;
	s1 =	sand.u32 $0x1, s1;
	s4 =	sadd.s32 $0x2E00, s0  }
0x8: {  	s5 =	sadd.s32 $0x16800, s0;
	s6 =	sadd.s32 $0x6FC00, s0;
	s7 =	sadd.s32 $0x5C200, s0  }
0x9: {  	s8 =	sadd.s32 $0x48800, s0;
	s9 =	sadd.s32 $0x523400, s0;
	s12 =	smul.u32 $0x50000, s14  }
0xa: {  	s31 =	sshll.u32 s14, $0x6;
	s11 =	smul.u32 $0x140000, s1;
	s30 =	ssub.s32 $0x2, s1  }
0xb: {  	_ =	strace $0x8000004A;
	s1 =	sshll.u32 s1, $0x4;
	s13 =	sshrl.u32 s30, $0x1  }
0xc: {  	v0 =	vlaneseq.u32;
	s12 =	sshrl.u32 s12, $0x2;
	s1 =	sor.u32 s14, s1;
	s11 =	sadd.s32 s10, s11  }
0xd: {  	v0 =	vmul.u32 $0x8, v0;
	s10 =	sshrl.u32 s10, $0x3;
	s15 =	ssub.s32 s30, s13;
	s16 =	sadd.s32 s12, s2  }
0xe: {  	s12 =	sor.u32 $0x1C01, s31;
	s11 =	sshrl.u32 s11, $0x3;
	s10 =	sadd.s32 s10, s0  }
0xf: {  	v1 =	vimm.f32 $0.0e+00;
	v2 =	vor.u32 $0x1, v0;
	s13 =	smul.u32 $0x32, s1;
	s0 =	sadd.s32 s11, s0;
	s10 =	sadd.s32 $0xDC800, s10  }
0x10: {  	v3 =	vor.u32 $0x2, v0;
	v4 =	vor.u32 $0x3, v0;
	v5 =	vor.u32 $0x4, v0;
	s15 =	smax.u32 s15, $0x1;
	[dreg:$0x3] =	wrdreg s10;
	s0 =	sadd.s32 $0x104800, s0  }
0x11: {  	v6 =	vor.u32 $0x5, v0;
	v7 =	vor.u32 $0x6, v0;
	v8 =	vor.u32 $0x7, v0;
	s16 =	sshrl.u32 s16, $0x3;
	s11 =	smul.u32 $0x4E20, s1;
	[dreg:$0x4] =	wrdreg s0  }
.LBB2_1:
0x12: {  	s0 =	rddreg [dreg:$0x3]  }
0x13: {  	[spmem:s16], [sflag:s12] =	dma.local [hbm:s0], $0x2800  }
0x14: {  	_ =	swait.ge [sflag:s17], $0x2800  }
0x15: {  	[sflag:s17] =	ssyncset.done $0x0  }
0x16: {  	[sflag:s17] =	ssyncadd.s32 $0xFFFFD800  }
0x17: {  	s28 =	simm.s32 $0x0;
	[bflag:$0x0] =	sbarrier.arrive $0xFFFF  }
.LBB2_2:
0x18: {  	s0 =	smul.u32 $0x190, s28;
	_ =	sdelay $0x1  }
0x19: {  	s0 =	sadd.s32 s11, s0  }
0x1a: {  	s0 =	sshrl.u32 s0, $0x3  }
0x1b: {  	s29 =	simm.s32 $0x0;
	s1 =	sadd.s32 s4, s0  }
0x1c: {  	[tilespmem:s29], [sflag:$0x1] =	stream.linear.gather [hbm4b:s1+s29], $0x190, $0x38;
	[tilespmem:$0x1B480] =	vst v63  }
0x1d: {  	_ =	swait.ge [sflag:s17], $0x190  }
0x1e: {  	[sflag:s17] =	ssyncset.done $0x0  }
0x1f: {  	s14 =	sadd.s32 s6, s0;
	[sflag:s17] =	ssyncadd.s32 $0xFFFFFE70  }
0x20: {  	[tilespmem:s18], [sflag:$0x1] =	stream.linear.gather [hbm4b:s14+s29], $0x190, $0x38;
	[tilespmem:$0x1B480] =	vst v63  }
0x21: {  	_ =	swait.ge [sflag:s17], $0x190  }
0x22: {  	[sflag:s17] =	ssyncset.done $0x0  }
0x23: {  	s30 =	sadd.s32 s7, s0;
	[sflag:s17] =	ssyncadd.s32 $0xFFFFFE70  }
0x24: {  	[tilespmem:s19], [sflag:$0x1] =	stream.linear.gather [hbm4b:s30+s29], $0x190, $0x38;
	[tilespmem:$0x1B480] =	vst v63  }
0x25: {  	_ =	swait.ge [sflag:s17], $0x190  }
0x26: {  	[sflag:s17] =	ssyncset.done $0x0  }
0x27: {  	s0 =	sadd.s32 s8, s0;
	[sflag:s17] =	ssyncadd.s32 $0xFFFFFE70  }
0x28: {  	[tilespmem:s20], [sflag:$0x1] =	stream.linear.gather [hbm4b:s0+s29], $0x190, $0x38;
	[tilespmem:$0x1B480] =	vst v63  }
0x29: {  	s31 =	sadd.s32 s13, s28;
	_ =	swait.ge [sflag:s17], $0x190  }
0x2a: {  	s0 =	sshll.u32 s31, $0x7;
	[sflag:s17] =	ssyncset.done $0x0  }
0x2b: {  	s0 =	sadd.s32 s5, s0;
	[sflag:s17] =	ssyncadd.s32 $0xFFFFFE70  }
0x2c: {  	[tilespmem:s21], [sflag:$0x1] =	stream.linear.gather [hbm4b:s0+s29], $0x280, $0x38;
	[tilespmem:$0x1B480] =	vst v63  }
0x2d: {  	_ =	swait.ge [sflag:s17], $0x280  }
0x2e: {  	[sflag:s17] =	ssyncset.done $0x0  }
0x2f: {  	[sflag:s17] =	ssyncadd.s32 $0xFFFFFD80  }
.LBB2_3:
0x30: {  	s0 =	smul.u32 $0x50, s29;
	_ =	sdelay $0x1  }
0x31: {  	s1 =	simm.s32 $0x4CC0;
	s31 =	simm.s32 $0x0;
	v9 =	vmov s0  }
.LBB2_4:
0x32: {  	_ =	sdelay $0x2  }
0x33: {  	s0 =	sshll.u32 s31, $0x4  }
0x34: {  	v10 =	vld.idx.msk [tilespmem:v9+s0+$0x200 ss:$0x1], $0xffff  }
0x35: {  	v11 =	vld.idx.msk [tilespmem:v9+s0+$0x400 ss:$0x1], $0xffff  }
0x36: {  	v12 =	vld.idx.msk [tilespmem:v9+s0+$0x600 ss:$0x1], $0xffff;
	_ =	sdelay $0x3  }
0x37: {  	v10 =	vadd.f32 v10, v10;
	v11 =	vadd.f32 v11, v11  }
0x38: {  	v13 =	vld.idx.msk [tilespmem:v9+s0+$0x0 ss:$0x1], $0xffff;
	v12 =	vadd.f32 v12, v12  }
0x39: {  	vm0 =	vge.f32 v10, $1.000000000e+00;
	vm1 =	vge.f32 v11, $1.000000000e+00  }
0x3a: {  	vm15 =	vge.f32 v12, $1.000000000e+00;
	v14 =	vsel vm0, $0x3F800000, v1;
	v15 =	vsel vm1, $0x3F800000, v1  }
0x3b: {  	v18 =	vsel vm15, $0x3F800000, v1;
	v16 =	vtrunc.f32 v14;
	v17 =	vtrunc.f32 v15  }
0x3c: {  	v19 =	vtrunc.f32 v18;
	v17 =	vcvt.f32.s32 v17  }
0x3d: {  	v13 =	vmul.u32 $0x1B, v13;
	v16 =	vcvt.f32.s32 v16;
	v19 =	vcvt.f32.s32 v19  }
0x3e: {  	v17 =	vmul.u32 $0x3, v17  }
0x3f: {  	v19 =	vmul.u32 $0x9, v19;
	v13 =	vadd.s32 v16, v13  }
0x40: {  	v13 =	vadd.s32 v17, v13  }
0x41: {  	v13 =	vadd.s32 v19, v13  }
0x42: {  	[tilespmem:v0+s22+$0x0] =	vst.idx.msk $0xffff, v13;
	v16 =	vadd.s32 $0x1, v13  }
0x43: {  	[tilespmem:v2+s22+$0x0] =	vst.idx.msk $0xffff, v16;
	v16 =	vadd.s32 $0x3, v13  }
0x44: {  	[tilespmem:v3+s22+$0x0] =	vst.idx.msk $0xffff, v16;
	v16 =	vadd.s32 $0x4, v13  }
0x45: {  	[tilespmem:v4+s22+$0x0] =	vst.idx.msk $0xffff, v16;
	v16 =	vadd.s32 $0x9, v13  }
0x46: {  	[tilespmem:v5+s22+$0x0] =	vst.idx.msk $0xffff, v16;
	v16 =	vadd.s32 $0xA, v13  }
0x47: {  	[tilespmem:v6+s22+$0x0] =	vst.idx.msk $0xffff, v16;
	v16 =	vadd.s32 $0xC, v13  }
0x48: {  	v14 =	vsub.f32 v10, v14;
	v13 =	vadd.s32 $0xD, v13;
	[tilespmem:v7+s22+$0x0] =	vst.idx.msk $0xffff, v16  }
0x49: {  	v15 =	vsub.f32 v11, v15;
	[tilespmem:v8+s22+$0x0] =	vst.idx.msk $0xffff, v13  }
0x4a: {  	v11 =	vsub.f32 $1.000000000e+00, v14;
	[tilespmem:s24], [sflag:$0x1] =	stream.indirect.gather [hbm4b:s9+s23], $0x80, s22, s23, $0xb8;
	[tilespmem:$0x1B480] =	vst v63  }
0x4b: {  	v17 =	vsub.f32 v12, v18;
	v12 =	vsub.f32 $1.000000000e+00, v15;
	_ =	swait.ge [sflag:s17], $0x4000  }
0x4c: {  	[sflag:s17] =	ssyncset.done $0x0  }
0x4d: {  	s0 =	simm.s32 $0xE80;
	v16 =	vmul.f32 v12, v11;
	v13 =	vsub.f32 $1.000000000e+00, v17;
	[sflag:s17] =	ssyncadd.s32 $0xFFFFC000  }
0x4e: {  	v19 =	vld [tilespmem:s0+$0xFFFFFE00]  }
0x4f: {  	s10 =	simm.s32 $0x0;
	v22 =	vmul.f32 v12, v14;
	v10 =	vmul.f32 v13, v16  }
0x50: {  	v25 =	vmov s10;
	v23 =	vmul.f32 v15, v11;
	v20 =	vld [tilespmem:s0+$0xFFFFFE80]  }
0x51: {  	v11 =	vmul.f32 v13, v22;
	v18 =	vperm.xlane v10, v25  }
0x52: {  	v24 =	vmul.f32 v15, v14;
	v12 =	vmul.f32 v13, v23;
	v15 =	vld [tilespmem:s0+$0xFFFFFF00]  }
0x53: {  	v14 =	vmul.f32 v19, v18;
	v19 =	vperm.xlane v11, v25  }
0x54: {  	v13 =	vmul.f32 v13, v24;
	v26 =	vld [tilespmem:s0+$0xFFFFFF80]  }
0x55: {  	v21 =	vadd.f32 $0.0e+00, v14;
	v27 =	vmul.f32 v20, v19;
	v20 =	vperm.xlane v12, v25  }
0x56: {  	v28 =	vld [tilespmem:s0+$0x0];
	v14 =	vmul.f32 v16, v17  }
0x57: {  	v16 =	vadd.f32 v27, v21;
	v48 =	vmul.f32 v15, v20;
	v21 =	vperm.xlane v13, v25  }
0x58: {  	v29 =	vld [tilespmem:s0+$0x80];
	v15 =	vmul.f32 v22, v17  }
0x59: {  	v22 =	vperm.xlane v14, v25;
	v27 =	vadd.f32 v48, v16;
	v26 =	vmul.f32 v26, v21  }
0x5a: {  	v30 =	vld [tilespmem:s0+$0x100];
	v16 =	vmul.f32 v17, v23  }
0x5b: {  	v49 =	vmul.f32 v28, v22;
	v23 =	vperm.xlane v15, v25;
	v26 =	vadd.f32 v26, v27  }
0x5c: {  	v50 =	vld [tilespmem:s0+$0x180];
	v17 =	vmul.f32 v17, v24  }
0x5d: {  	v51 =	vmul.f32 v29, v23;
	v24 =	vperm.xlane v16, v25;
	v26 =	vadd.f32 v49, v26;
	_ =	sdelay $0x1  }
0x5e: {  	v25 =	vperm.xlane v17, v25;
	v52 =	vmul.f32 v30, v24;
	v26 =	vadd.f32 v51, v26;
	_ =	sdelay $0x1  }
0x5f: {  	v53 =	vmul.f32 v50, v25;
	v26 =	vadd.f32 v52, v26;
	_ =	sdelay $0x1  }
0x60: {  	v26 =	vadd.f32 v53, v26;
	_ =	sdelay $0x1  }
0x61: {  	[tilespmem:s1+$0xFFFFFFC0] =	vst v26  }
0x62: {  	v26 =	vld [tilespmem:s0+$0xFFFFFE10];
	_ =	sdelay $0x1  }
0x63: {  	v54 =	vld [tilespmem:s0+$0xFFFFFE90];
	_ =	sdelay $0x1  }
0x64: {  	v55 =	vld [tilespmem:s0+$0xFFFFFF10]  }
0x65: {  	v26 =	vmul.f32 v26, v18  }
0x66: {  	v56 =	vld [tilespmem:s0+$0xFFFFFF90]  }
0x67: {  	v27 =	vmul.f32 v54, v19;
	v26 =	vadd.f32 $0.0e+00, v26  }
0x68: {  	v57 =	vld [tilespmem:s0+$0x10]  }
0x69: {  	v58 =	vmul.f32 v55, v20;
	v26 =	vadd.f32 v27, v26  }
0x6a: {  	v59 =	vld [tilespmem:s0+$0x90]  }
0x6b: {  	v60 =	vmul.f32 v56, v21;
	v26 =	vadd.f32 v58, v26  }
0x6c: {  	v61 =	vld [tilespmem:s0+$0x110]  }
0x6d: {  	v62 =	vmul.f32 v57, v22;
	v26 =	vadd.f32 v60, v26  }
0x6e: {  	v63 =	vld [tilespmem:s0+$0x190]  }
0x6f: {  	v32 =	vmul.f32 v59, v23;
	v26 =	vadd.f32 v62, v26;
	_ =	sdelay $0x1  }
0x70: {  	v33 =	vmul.f32 v61, v24;
	v26 =	vadd.f32 v32, v26;
	_ =	sdelay $0x1  }
0x71: {  	v34 =	vmul.f32 v63, v25;
	v26 =	vadd.f32 v33, v26;
	_ =	sdelay $0x1  }
0x72: {  	v26 =	vadd.f32 v34, v26;
	_ =	sdelay $0x1  }
0x73: {  	[tilespmem:s1+$0xFFFFFFD0] =	vst v26  }
0x74: {  	v26 =	vld [tilespmem:s0+$0xFFFFFE20];
	_ =	sdelay $0x1  }
0x75: {  	v35 =	vld [tilespmem:s0+$0xFFFFFEA0];
	_ =	sdelay $0x1  }
0x76: {  	v36 =	vld [tilespmem:s0+$0xFFFFFF20]  }
0x77: {  	v26 =	vmul.f32 v26, v18  }
0x78: {  	v37 =	vld [tilespmem:s0+$0xFFFFFFA0]  }
0x79: {  	v27 =	vmul.f32 v35, v19;
	v26 =	vadd.f32 $0.0e+00, v26  }
0x7a: {  	v38 =	vld [tilespmem:s0+$0x20]  }
0x7b: {  	v39 =	vmul.f32 v36, v20;
	v26 =	vadd.f32 v27, v26  }
0x7c: {  	v40 =	vld [tilespmem:s0+$0xA0]  }
0x7d: {  	v41 =	vmul.f32 v37, v21;
	v26 =	vadd.f32 v39, v26  }
0x7e: {  	v42 =	vld [tilespmem:s0+$0x120]  }
0x7f: {  	v43 =	vmul.f32 v38, v22;
	v26 =	vadd.f32 v41, v26  }
0x80: {  	v44 =	vld [tilespmem:s0+$0x1A0]  }
0x81: {  	v45 =	vmul.f32 v40, v23;
	v26 =	vadd.f32 v43, v26;
	_ =	sdelay $0x1  }
0x82: {  	v46 =	vmul.f32 v42, v24;
	v26 =	vadd.f32 v45, v26;
	_ =	sdelay $0x1  }
0x83: {  	v47 =	vmul.f32 v44, v25;
	v26 =	vadd.f32 v46, v26;
	_ =	sdelay $0x1  }
0x84: {  	v26 =	vadd.f32 v47, v26;
	_ =	sdelay $0x1  }
0x85: {  	[tilespmem:s1+$0xFFFFFFE0] =	vst v26  }
0x86: {  	v26 =	vld [tilespmem:s0+$0xFFFFFE30];
	_ =	sdelay $0x1  }
0x87: {  	v48 =	vld [tilespmem:s0+$0xFFFFFEB0];
	_ =	sdelay $0x1  }
0x88: {  	v49 =	vld [tilespmem:s0+$0xFFFFFF30]  }
0x89: {  	v26 =	vmul.f32 v26, v18  }
0x8a: {  	v50 =	vld [tilespmem:s0+$0xFFFFFFB0]  }
0x8b: {  	v27 =	vmul.f32 v48, v19;
	v26 =	vadd.f32 $0.0e+00, v26  }
0x8c: {  	v51 =	vld [tilespmem:s0+$0x30]  }
0x8d: {  	v52 =	vmul.f32 v49, v20;
	v26 =	vadd.f32 v27, v26  }
0x8e: {  	v53 =	vld [tilespmem:s0+$0xB0]  }
0x8f: {  	v54 =	vmul.f32 v50, v21;
	v26 =	vadd.f32 v52, v26  }
0x90: {  	v55 =	vld [tilespmem:s0+$0x130]  }
0x91: {  	v56 =	vmul.f32 v51, v22;
	v26 =	vadd.f32 v54, v26  }
0x92: {  	v57 =	vld [tilespmem:s0+$0x1B0]  }
0x93: {  	v58 =	vmul.f32 v53, v23;
	v26 =	vadd.f32 v56, v26;
	_ =	sdelay $0x1  }
0x94: {  	v59 =	vmul.f32 v55, v24;
	v26 =	vadd.f32 v58, v26;
	_ =	sdelay $0x1  }
0x95: {  	v60 =	vmul.f32 v57, v25;
	v26 =	vadd.f32 v59, v26;
	_ =	sdelay $0x1  }
0x96: {  	v26 =	vadd.f32 v60, v26;
	_ =	sdelay $0x1  }
0x97: {  	[tilespmem:s1+$0xFFFFFFF0] =	vst v26  }
0x98: {  	v26 =	vld [tilespmem:s0+$0xFFFFFE40];
	_ =	sdelay $0x1  }
0x99: {  	v61 =	vld [tilespmem:s0+$0xFFFFFEC0];
	_ =	sdelay $0x1  }
0x9a: {  	v62 =	vld [tilespmem:s0+$0xFFFFFF40]  }
0x9b: {  	v26 =	vmul.f32 v26, v18  }
0x9c: {  	v63 =	vld [tilespmem:s0+$0xFFFFFFC0]  }
0x9d: {  	v27 =	vmul.f32 v61, v19;
	v26 =	vadd.f32 $0.0e+00, v26  }
0x9e: {  	v33 =	vld [tilespmem:s0+$0x40]  }
0x9f: {  	v34 =	vmul.f32 v62, v20;
	v26 =	vadd.f32 v27, v26  }
0xa0: {  	v35 =	vld [tilespmem:s0+$0xC0]  }
0xa1: {  	v36 =	vmul.f32 v63, v21;
	v26 =	vadd.f32 v34, v26  }
0xa2: {  	v37 =	vld [tilespmem:s0+$0x140]  }
0xa3: {  	v38 =	vmul.f32 v33, v22;
	v26 =	vadd.f32 v36, v26  }
0xa4: {  	v39 =	vld [tilespmem:s0+$0x1C0]  }
0xa5: {  	v40 =	vmul.f32 v35, v23;
	v26 =	vadd.f32 v38, v26;
	_ =	sdelay $0x1  }
0xa6: {  	v41 =	vmul.f32 v37, v24;
	v26 =	vadd.f32 v40, v26;
	_ =	sdelay $0x1  }
0xa7: {  	v42 =	vmul.f32 v39, v25;
	v26 =	vadd.f32 v41, v26;
	_ =	sdelay $0x1  }
0xa8: {  	v26 =	vadd.f32 v42, v26;
	_ =	sdelay $0x1  }
0xa9: {  	[tilespmem:s1+$0x0] =	vst v26  }
0xaa: {  	v26 =	vld [tilespmem:s0+$0xFFFFFE50];
	_ =	sdelay $0x1  }
0xab: {  	v43 =	vld [tilespmem:s0+$0xFFFFFED0];
	_ =	sdelay $0x1  }
0xac: {  	v44 =	vld [tilespmem:s0+$0xFFFFFF50]  }
0xad: {  	v26 =	vmul.f32 v26, v18  }
0xae: {  	v45 =	vld [tilespmem:s0+$0xFFFFFFD0]  }
0xaf: {  	v27 =	vmul.f32 v43, v19;
	v26 =	vadd.f32 $0.0e+00, v26  }
0xb0: {  	v46 =	vld [tilespmem:s0+$0x50]  }
0xb1: {  	v28 =	vmul.f32 v44, v20;
	v26 =	vadd.f32 v27, v26  }
0xb2: {  	v47 =	vld [tilespmem:s0+$0xD0]  }
0xb3: {  	v29 =	vmul.f32 v45, v21;
	v26 =	vadd.f32 v28, v26  }
0xb4: {  	v48 =	vld [tilespmem:s0+$0x150]  }
0xb5: {  	v30 =	vmul.f32 v46, v22;
	v26 =	vadd.f32 v29, v26  }
0xb6: {  	v49 =	vld [tilespmem:s0+$0x1D0]  }
0xb7: {  	v27 =	vmul.f32 v47, v23;
	v26 =	vadd.f32 v30, v26;
	_ =	sdelay $0x1  }
0xb8: {  	v28 =	vmul.f32 v48, v24;
	v26 =	vadd.f32 v27, v26;
	_ =	sdelay $0x1  }
0xb9: {  	v50 =	vmul.f32 v49, v25;
	v26 =	vadd.f32 v28, v26;
	_ =	sdelay $0x1  }
0xba: {  	v26 =	vadd.f32 v50, v26;
	_ =	sdelay $0x1  }
0xbb: {  	[tilespmem:s1+$0x10] =	vst v26  }
0xbc: {  	v26 =	vld [tilespmem:s0+$0xFFFFFE60];
	_ =	sdelay $0x1  }
0xbd: {  	v51 =	vld [tilespmem:s0+$0xFFFFFEE0];
	_ =	sdelay $0x1  }
0xbe: {  	v52 =	vld [tilespmem:s0+$0xFFFFFF60]  }
0xbf: {  	v26 =	vmul.f32 v26, v18  }
0xc0: {  	v53 =	vld [tilespmem:s0+$0xFFFFFFE0]  }
0xc1: {  	v27 =	vmul.f32 v51, v19;
	v26 =	vadd.f32 $0.0e+00, v26  }
0xc2: {  	v54 =	vld [tilespmem:s0+$0x60]  }
0xc3: {  	v28 =	vmul.f32 v52, v20;
	v26 =	vadd.f32 v27, v26  }
0xc4: {  	v55 =	vld [tilespmem:s0+$0xE0]  }
0xc5: {  	v29 =	vmul.f32 v53, v21;
	v26 =	vadd.f32 v28, v26  }
0xc6: {  	v56 =	vld [tilespmem:s0+$0x160]  }
0xc7: {  	v30 =	vmul.f32 v54, v22;
	v26 =	vadd.f32 v29, v26  }
0xc8: {  	v57 =	vld [tilespmem:s0+$0x1E0]  }
0xc9: {  	v27 =	vmul.f32 v55, v23;
	v26 =	vadd.f32 v30, v26;
	_ =	sdelay $0x1  }
0xca: {  	v28 =	vmul.f32 v56, v24;
	v26 =	vadd.f32 v27, v26;
	_ =	sdelay $0x1  }
0xcb: {  	v58 =	vmul.f32 v57, v25;
	v26 =	vadd.f32 v28, v26;
	_ =	sdelay $0x1  }
0xcc: {  	v26 =	vadd.f32 v58, v26;
	_ =	sdelay $0x1  }
0xcd: {  	[tilespmem:s1+$0x20] =	vst v26  }
0xce: {  	v26 =	vld [tilespmem:s0+$0xFFFFFE70];
	_ =	sdelay $0x1  }
0xcf: {  	v59 =	vld [tilespmem:s0+$0xFFFFFEF0];
	_ =	sdelay $0x1  }
0xd0: {  	v60 =	vld [tilespmem:s0+$0xFFFFFF70]  }
0xd1: {  	v18 =	vmul.f32 v26, v18  }
0xd2: {  	v61 =	vld [tilespmem:s0+$0xFFFFFFF0]  }
0xd3: {  	v19 =	vmul.f32 v59, v19;
	v18 =	vadd.f32 $0.0e+00, v18  }
0xd4: {  	v62 =	vld [tilespmem:s0+$0x70]  }
0xd5: {  	v20 =	vmul.f32 v60, v20;
	v18 =	vadd.f32 v19, v18  }
0xd6: {  	v19 =	vld [tilespmem:s0+$0xF0]  }
0xd7: {  	v21 =	vmul.f32 v61, v21;
	v18 =	vadd.f32 v20, v18  }
0xd8: {  	v20 =	vld [tilespmem:s0+$0x170]  }
0xd9: {  	v22 =	vmul.f32 v62, v22;
	v18 =	vadd.f32 v21, v18  }
0xda: {  	v63 =	vld [tilespmem:s0+$0x1F0]  }
0xdb: {  	v19 =	vmul.f32 v19, v23;
	v18 =	vadd.f32 v22, v18;
	_ =	sdelay $0x1  }
0xdc: {  	v20 =	vmul.f32 v20, v24;
	v18 =	vadd.f32 v19, v18;
	_ =	sdelay $0x1  }
0xdd: {  	v19 =	vmul.f32 v63, v25;
	v18 =	vadd.f32 v20, v18;
	_ =	sdelay $0x1  }
0xde: {  	s30 =	smov.u32 s1;
	s10 =	simm.s32 $0x1;
	v18 =	vadd.f32 v19, v18  }
.LBB2_5:
0xdf: {  	_ = 	snop  }
0xe0: {  	p0 =	sne.s32 s10, $0xF;
	s0 =	sadd.s32 $0x400, s0;
	[tilespmem:s30+$0x30] =	vst v18;
	s30 =	sadd.s32 $0x80, s30  }
0xe1: {  	s14 =	smov.u32 s10;
	s10 =	sadd.s32 $0x1, s10;
	v18 =	vld [tilespmem:s0+$0xFFFFFE00];
	_ =	sdelay $0x1  }
0xe2: {  	v25 =	vmov s14;
	v20 =	vld [tilespmem:s0+$0xFFFFFE80]  }
0xe3: {  	v19 =	vperm.xlane v10, v25  }
0xe4: {  	v21 =	vld [tilespmem:s0+$0xFFFFFF00]  }
0xe5: {  	v22 =	vmul.f32 v18, v19;
	v18 =	vperm.xlane v11, v25  }
0xe6: {  	v23 =	vld [tilespmem:s0+$0xFFFFFF80]  }
0xe7: {  	v22 =	vadd.f32 $0.0e+00, v22;
	v24 =	vmul.f32 v20, v18;
	v20 =	vperm.xlane v12, v25  }
0xe8: {  	v26 =	vld [tilespmem:s0+$0x0]  }
0xe9: {  	v22 =	vadd.f32 v24, v22;
	v24 =	vmul.f32 v21, v20;
	v21 =	vperm.xlane v13, v25  }
0xea: {  	v27 =	vld [tilespmem:s0+$0x80]  }
0xeb: {  	v24 =	vadd.f32 v24, v22;
	v23 =	vmul.f32 v23, v21;
	v22 =	vperm.xlane v14, v25  }
0xec: {  	v28 =	vld [tilespmem:s0+$0x100]  }
0xed: {  	v24 =	vadd.f32 v23, v24;
	v26 =	vmul.f32 v26, v22;
	v23 =	vperm.xlane v15, v25  }
0xee: {  	v29 =	vld [tilespmem:s0+$0x180]  }
0xef: {  	v26 =	vadd.f32 v26, v24;
	v27 =	vmul.f32 v27, v23;
	v24 =	vperm.xlane v16, v25;
	_ =	sdelay $0x1  }
0xf0: {  	v25 =	vperm.xlane v17, v25;
	v26 =	vadd.f32 v27, v26;
	v27 =	vmul.f32 v28, v24;
	_ =	sdelay $0x1  }
0xf1: {  	v26 =	vadd.f32 v27, v26;
	v27 =	vmul.f32 v29, v25;
	_ =	sdelay $0x1  }
0xf2: {  	v26 =	vadd.f32 v27, v26;
	_ =	sdelay $0x1  }
0xf3: {  	[tilespmem:s30+$0xFFFFFFC0] =	vst v26  }
0xf4: {  	v26 =	vld [tilespmem:s0+$0xFFFFFE10];
	_ =	sdelay $0x1  }
0xf5: {  	v27 =	vld [tilespmem:s0+$0xFFFFFE90];
	_ =	sdelay $0x1  }
0xf6: {  	v28 =	vld [tilespmem:s0+$0xFFFFFF10]  }
0xf7: {  	v26 =	vmul.f32 v26, v19  }
0xf8: {  	v29 =	vld [tilespmem:s0+$0xFFFFFF90]  }
0xf9: {  	v26 =	vadd.f32 $0.0e+00, v26;
	v27 =	vmul.f32 v27, v18  }
0xfa: {  	v30 =	vld [tilespmem:s0+$0x10]  }
0xfb: {  	v26 =	vadd.f32 v27, v26;
	v27 =	vmul.f32 v28, v20  }
0xfc: {  	v28 =	vld [tilespmem:s0+$0x90]  }
0xfd: {  	v26 =	vadd.f32 v27, v26;
	v27 =	vmul.f32 v29, v21  }
0xfe: {  	v29 =	vld [tilespmem:s0+$0x110]  }
0xff: {  	v26 =	vadd.f32 v27, v26;
	v27 =	vmul.f32 v30, v22  }
0x100: {  	v30 =	vld [tilespmem:s0+$0x190]  }
0x101: {  	v26 =	vadd.f32 v27, v26;
	v27 =	vmul.f32 v28, v23;
	_ =	sdelay $0x1  }
0x102: {  	v26 =	vadd.f32 v27, v26;
	v27 =	vmul.f32 v29, v24;
	_ =	sdelay $0x1  }
0x103: {  	v26 =	vadd.f32 v27, v26;
	v27 =	vmul.f32 v30, v25;
	_ =	sdelay $0x1  }
0x104: {  	v26 =	vadd.f32 v27, v26;
	_ =	sdelay $0x1  }
0x105: {  	[tilespmem:s30+$0xFFFFFFD0] =	vst v26  }
0x106: {  	v26 =	vld [tilespmem:s0+$0xFFFFFE20];
	_ =	sdelay $0x1  }
0x107: {  	v27 =	vld [tilespmem:s0+$0xFFFFFEA0];
	_ =	sdelay $0x1  }
0x108: {  	v28 =	vld [tilespmem:s0+$0xFFFFFF20]  }
0x109: {  	v26 =	vmul.f32 v26, v19  }
0x10a: {  	v29 =	vld [tilespmem:s0+$0xFFFFFFA0]  }
0x10b: {  	v26 =	vadd.f32 $0.0e+00, v26;
	v27 =	vmul.f32 v27, v18  }
0x10c: {  	v30 =	vld [tilespmem:s0+$0x20]  }
0x10d: {  	v26 =	vadd.f32 v27, v26;
	v27 =	vmul.f32 v28, v20  }
0x10e: {  	v28 =	vld [tilespmem:s0+$0xA0]  }
0x10f: {  	v26 =	vadd.f32 v27, v26;
	v27 =	vmul.f32 v29, v21  }
0x110: {  	v29 =	vld [tilespmem:s0+$0x120]  }
0x111: {  	v26 =	vadd.f32 v27, v26;
	v27 =	vmul.f32 v30, v22  }
0x112: {  	v30 =	vld [tilespmem:s0+$0x1A0]  }
0x113: {  	v26 =	vadd.f32 v27, v26;
	v27 =	vmul.f32 v28, v23;
	_ =	sdelay $0x1  }
0x114: {  	v26 =	vadd.f32 v27, v26;
	v27 =	vmul.f32 v29, v24;
	_ =	sdelay $0x1  }
0x115: {  	v26 =	vadd.f32 v27, v26;
	v27 =	vmul.f32 v30, v25;
	_ =	sdelay $0x1  }
0x116: {  	v26 =	vadd.f32 v27, v26;
	_ =	sdelay $0x1  }
0x117: {  	[tilespmem:s30+$0xFFFFFFE0] =	vst v26  }
0x118: {  	v26 =	vld [tilespmem:s0+$0xFFFFFE30];
	_ =	sdelay $0x1  }
0x119: {  	v27 =	vld [tilespmem:s0+$0xFFFFFEB0];
	_ =	sdelay $0x1  }
0x11a: {  	v28 =	vld [tilespmem:s0+$0xFFFFFF30]  }
0x11b: {  	v26 =	vmul.f32 v26, v19  }
0x11c: {  	v29 =	vld [tilespmem:s0+$0xFFFFFFB0]  }
0x11d: {  	v26 =	vadd.f32 $0.0e+00, v26;
	v27 =	vmul.f32 v27, v18  }
0x11e: {  	v30 =	vld [tilespmem:s0+$0x30]  }
0x11f: {  	v26 =	vadd.f32 v27, v26;
	v27 =	vmul.f32 v28, v20  }
0x120: {  	v28 =	vld [tilespmem:s0+$0xB0]  }
0x121: {  	v26 =	vadd.f32 v27, v26;
	v27 =	vmul.f32 v29, v21  }
0x122: {  	v29 =	vld [tilespmem:s0+$0x130]  }
0x123: {  	v26 =	vadd.f32 v27, v26;
	v27 =	vmul.f32 v30, v22  }
0x124: {  	v30 =	vld [tilespmem:s0+$0x1B0]  }
0x125: {  	v26 =	vadd.f32 v27, v26;
	v27 =	vmul.f32 v28, v23;
	_ =	sdelay $0x1  }
0x126: {  	v26 =	vadd.f32 v27, v26;
	v27 =	vmul.f32 v29, v24;
	_ =	sdelay $0x1  }
0x127: {  	v26 =	vadd.f32 v27, v26;
	v27 =	vmul.f32 v30, v25;
	_ =	sdelay $0x1  }
0x128: {  	v26 =	vadd.f32 v27, v26;
	_ =	sdelay $0x1  }
0x129: {  	[tilespmem:s30+$0xFFFFFFF0] =	vst v26  }
0x12a: {  	v26 =	vld [tilespmem:s0+$0xFFFFFE40];
	_ =	sdelay $0x1  }
0x12b: {  	v27 =	vld [tilespmem:s0+$0xFFFFFEC0];
	_ =	sdelay $0x1  }
0x12c: {  	v28 =	vld [tilespmem:s0+$0xFFFFFF40]  }
0x12d: {  	v26 =	vmul.f32 v26, v19  }
0x12e: {  	v29 =	vld [tilespmem:s0+$0xFFFFFFC0]  }
0x12f: {  	v26 =	vadd.f32 $0.0e+00, v26;
	v27 =	vmul.f32 v27, v18  }
0x130: {  	v30 =	vld [tilespmem:s0+$0x40]  }
0x131: {  	v26 =	vadd.f32 v27, v26;
	v27 =	vmul.f32 v28, v20  }
0x132: {  	v28 =	vld [tilespmem:s0+$0xC0]  }
0x133: {  	v26 =	vadd.f32 v27, v26;
	v27 =	vmul.f32 v29, v21  }
0x134: {  	v29 =	vld [tilespmem:s0+$0x140]  }
0x135: {  	v26 =	vadd.f32 v27, v26;
	v27 =	vmul.f32 v30, v22  }
0x136: {  	v30 =	vld [tilespmem:s0+$0x1C0]  }
0x137: {  	v26 =	vadd.f32 v27, v26;
	v27 =	vmul.f32 v28, v23;
	_ =	sdelay $0x1  }
0x138: {  	v26 =	vadd.f32 v27, v26;
	v27 =	vmul.f32 v29, v24;
	_ =	sdelay $0x1  }
0x139: {  	v26 =	vadd.f32 v27, v26;
	v27 =	vmul.f32 v30, v25;
	_ =	sdelay $0x1  }
0x13a: {  	v26 =	vadd.f32 v27, v26;
	_ =	sdelay $0x1  }
0x13b: {  	[tilespmem:s30+$0x0] =	vst v26  }
0x13c: {  	v26 =	vld [tilespmem:s0+$0xFFFFFE50]  }
0x13d: {  	v27 =	vld [tilespmem:s0+$0xFFFFFED0]  }
0x13e: {  	v28 =	vld [tilespmem:s0+$0xFFFFFF50]  }
0x13f: {  	v29 =	vld [tilespmem:s0+$0xFFFFFFD0]  }
0x140: {  	v30 =	vld [tilespmem:s0+$0x50]  }
0x141: {  	v26 =	vmul.f32 v26, v19;
	v31 =	vld [tilespmem:s0+$0xD0]  }
0x142: {  	v32 =	vld [tilespmem:s0+$0x150]  }
0x143: {  	v27 =	vmul.f32 v27, v18;
	v26 =	vadd.f32 $0.0e+00, v26;
	v28 =	vmul.f32 v28, v20;
	v33 =	vld [tilespmem:s0+$0x1D0]  }
0x144: {  	v29 =	vmul.f32 v29, v21  }
0x145: {  	v26 =	vadd.f32 v27, v26;
	v27 =	vmul.f32 v30, v22  }
0x146: {  	v30 =	vmul.f32 v31, v23  }
0x147: {  	v26 =	vadd.f32 v28, v26;
	v28 =	vmul.f32 v32, v24  }
0x148: {  	v31 =	vmul.f32 v33, v25  }
0x149: {  	v26 =	vadd.f32 v29, v26;
	_ =	sdelay $0x1  }
0x14a: {  	v26 =	vadd.f32 v27, v26;
	_ =	sdelay $0x1  }
0x14b: {  	v26 =	vadd.f32 v30, v26;
	_ =	sdelay $0x1  }
0x14c: {  	v26 =	vadd.f32 v28, v26;
	_ =	sdelay $0x1  }
0x14d: {  	v26 =	vadd.f32 v31, v26;
	_ =	sdelay $0x1  }
0x14e: {  	[tilespmem:s30+$0x10] =	vst v26  }
0x14f: {  	v26 =	vld [tilespmem:s0+$0xFFFFFE60]  }
0x150: {  	v27 =	vld [tilespmem:s0+$0xFFFFFEE0]  }
0x151: {  	v28 =	vld [tilespmem:s0+$0xFFFFFF60]  }
0x152: {  	v29 =	vld [tilespmem:s0+$0xFFFFFFE0]  }
0x153: {  	v30 =	vld [tilespmem:s0+$0x60]  }
0x154: {  	v26 =	vmul.f32 v26, v19;
	v31 =	vld [tilespmem:s0+$0xE0]  }
0x155: {  	v32 =	vld [tilespmem:s0+$0x160]  }
0x156: {  	v27 =	vmul.f32 v27, v18;
	v26 =	vadd.f32 $0.0e+00, v26;
	v28 =	vmul.f32 v28, v20;
	v33 =	vld [tilespmem:s0+$0x1E0]  }
0x157: {  	v29 =	vmul.f32 v29, v21  }
0x158: {  	v26 =	vadd.f32 v27, v26;
	v27 =	vmul.f32 v30, v22  }
0x159: {  	v30 =	vmul.f32 v31, v23  }
0x15a: {  	v26 =	vadd.f32 v28, v26;
	v28 =	vmul.f32 v32, v24  }
0x15b: {  	v31 =	vmul.f32 v33, v25  }
0x15c: {  	v26 =	vadd.f32 v29, v26;
	_ =	sdelay $0x1  }
0x15d: {  	v26 =	vadd.f32 v27, v26;
	_ =	sdelay $0x1  }
0x15e: {  	v26 =	vadd.f32 v30, v26;
	_ =	sdelay $0x1  }
0x15f: {  	v26 =	vadd.f32 v28, v26;
	_ =	sdelay $0x1  }
0x160: {  	v26 =	vadd.f32 v31, v26;
	_ =	sdelay $0x1  }
0x161: {  	[tilespmem:s30+$0x20] =	vst v26  }
0x162: {  	v26 =	vld [tilespmem:s0+$0xFFFFFE70]  }
0x163: {  	v27 =	vld [tilespmem:s0+$0xFFFFFEF0]  }
0x164: {  	v28 =	vld [tilespmem:s0+$0xFFFFFF70]  }
0x165: {  	v29 =	vld [tilespmem:s0+$0xFFFFFFF0]  }
0x166: {  	v30 =	vld [tilespmem:s0+$0x70]  }
0x167: {  	v19 =	vmul.f32 v26, v19;
	v26 =	vld [tilespmem:s0+$0xF0]  }
0x168: {  	v31 =	vld [tilespmem:s0+$0x170]  }
0x169: {  	v18 =	vmul.f32 v27, v18;
	v19 =	vadd.f32 $0.0e+00, v19;
	v20 =	vmul.f32 v28, v20;
	v27 =	vld [tilespmem:s0+$0x1F0]  }
0x16a: {  	v21 =	vmul.f32 v29, v21  }
0x16b: {  	v18 =	vadd.f32 v18, v19;
	v19 =	vmul.f32 v30, v22  }
0x16c: {  	v22 =	vmul.f32 v26, v23  }
0x16d: {  	v18 =	vadd.f32 v20, v18;
	v20 =	vmul.f32 v31, v24  }
0x16e: {  	v23 =	vmul.f32 v27, v25  }
0x16f: {  	v18 =	vadd.f32 v21, v18;
	_ =	sdelay $0x1  }
0x170: {  	v18 =	vadd.f32 v19, v18;
	_ =	sdelay $0x1  }
.Ltmp0:
0x171: {  	v18 =	vadd.f32 v22, v18;
	(pc) =	sbr.rel @p0 .LBB2_5-.Ltmp0, $3  }
0x172: {  	_ = 	snop  }
0x173: {  	v18 =	vadd.f32 v20, v18;
	_ =	sdelay $0x1  }
0x174: {  	v18 =	vadd.f32 v23, v18  }
0x175: {  	s31 =	sadd.s32 $0x1, s31  }
0x176: {  	p0 =	sne.s32 s31, $0x5  }
.Ltmp1:
0x177: {  	_ = 	snop;
	(pc) =	sbr.rel @p0 .LBB2_4-.Ltmp1, $2  }
0x178: {  	_ =	sdelay $0x2  }
0x179: {  	s1 =	sadd.s32 $0x800, s1;
	[tilespmem:s30+$0x30] =	vst v18  }
0x17a: {  	s0 =	sshll.u32 s29, $0x7;
	s29 =	sadd.s32 $0x1, s29  }
0x17b: {  	s0 =	sand.u32 $0x3FFFFF80, s0;
	p0 =	sne.s32 s29, $0x5  }
.Ltmp2:
0x17c: {  	s0 =	sadd.s32 $0x800, s0;
	(pc) =	sbr.rel @p0 .LBB2_3-.Ltmp2, $4  }
0x17d: {  	[spmem:s2] =	stream.indirect.scatter.add.f32 [tilespmem:s26], [sflag:$0x1], $0x80, s0, s25, $0xb8;
	[tilespmem:$0x1B480] =	vst v63  }
0x17e: {  	_ =	swait.ge [sflag:s17], $0x2800  }
0x17f: {  	[sflag:s17] =	ssyncset.done $0x0  }
0x180: {  	[sflag:s17] =	ssyncadd.s32 $0xFFFFD800  }
0x181: {  	s28 =	sadd.s32 $0x1, s28  }
0x182: {  	p0 =	sne.s32 s28, $0x32  }
.Ltmp3:
0x183: {  	_ = 	snop;
	(pc) =	sbr.rel @p0 .LBB2_2-.Ltmp3, $1  }
0x184: {  	_ =	sdelay $0x3  }
0x185: {  	s3 =	sadd.s32 $0x1, s3  }
0x186: {  	[bflag:$0x0] =	sbarrier.arrive $0xFFFF;
	p0 =	sne.s32 s3, s15  }
.Ltmp4:
0x187: {  	s0 =	rddreg [dreg:$0x4];
	(pc) =	sbr.rel @p0 .LBB2_1-.Ltmp4, $4  }
0x188: {  	[hbm:s0], [sflag:s12] =	dma.local [spmem:s16], $0x2800  }
0x189: {  	_ =	swait.ge [sflag:s17], $0x2800  }
0x18a: {  	[sflag:s17] =	ssyncset.done $0x0  }
0x18b: {  	[sflag:s17] =	ssyncadd.s32 $0xFFFFD800  }
0x18c: {  	_ =	sfence.sel $0x180000  }
0x18d: {  	[bflag:$0x0] =	sbarrier.arrive $0xFFFF  }
0x18e: {  	_ =	strace $0x9000004A  }
0x18f: {  	s0 =	stileid.u32;
	[bflag:$0x2] =	sbarrier.arrive $0xFFFF  }
0x190: {  	p0 =	sne.s32 s0, $0x0;
	s0 =	rddreg [dreg:$0x2]  }
0x191: {  	s0 =	sadd.s32 @!p0 $0x100000, s0  }
0x192: {  	[sflag:s0] =	ssyncadd.tile.s32 @!p0 $0x1;
	_ =	shalt  }
.Lfunc_end2:
_tile_overlayer_lowered:
.L_overlay_start_2:
0x193: {  	(tag) =	ssettag $0x2  }
0x194: {  	s0 =	rddreg [dreg:$0x0];
	s2 =	stileid.u32  }
0x195: {  	s1 =	rddreg [dreg:$0x1];
	p0 =	sne.s32 s2, $0x0  }
0x196: {  	s3 =	rddreg [dreg:$0x2];
	[bflag:$0x3] =	sbarrier.arrive $0xFFFF;
	s2 =	simm.s32 @!p0 $0x1C01  }
0x197: {  	[timem:s3], [sflag:s2] =	dma.local @!p0 [hbm:s0], s1  }
0x198: {  	s0 =	simm.s32 @!p0 $0x1  }
0x199: {  	_ =	swait.ge @!p0 [sflag:s0], s1  }
0x19a: {  	s1 =	ssub.s32 @!p0 $0x0, s1;
	[sflag:s0] =	ssyncset.done @!p0 $0x0  }
0x19b: {  	[sflag:s0] =	ssyncadd.s32 @!p0 s1  }
0x19c: {  	[bflag:$0x3] =	sbarrier.arrive $0xFFFF  }
0x19d: {  	_ =	shalt  }

// kernel: kernel.9.cloned.1.call-start
scs
__scs_entry_jumppad:
0x0: {  	(pc) =	sbr.rel $0x88, $3  }
0x1: {  	(tag) =	ssettag $0x0;
	lr =	simm.s32 $0x1  }
0x2: {  	[smem:$0x3F95] =	sst lr;
	_ =	strace $0xD0000000  }
0x3: {  	_ = 	snop  }
0x4: {  	_ = 	snop  }
0x5: {  	_ = 	snop  }
0x6: {  	_ = 	snop  }
0x7: {  	_ = 	snop  }
__scs_overlays_trampoline_lowered:
0x8: {  	[smem:$0x3FA4] =	sst s0  }
0x9: {  	[smem:$0x3FA5] =	sst s1  }
0xa: {  	[smem:$0x3FA6] =	sst s2  }
0xb: {  	[smem:$0x3FA7] =	sst s3  }
0xc: {  	[smem:$0x3FA8] =	sst s4  }
0xd: {  	[smem:$0x3FA9] =	sst s5  }
0xe: {  	[smem:$0x3FAA] =	sst s6  }
0xf: {  	[smem:$0x3FAB] =	sst s7  }
0x10: {  	[smem:$0x3FAC] =	sst s8  }
0x11: {  	[smem:$0x3FAD] =	sst s9;
	s0 =	simm.s32 @!p0 $0x0  }
0x12: {  	s1 =	sld [smem:$0x3F93];
	s0 =	simm.s32 @p0 $0x1  }
0x13: {  	[smem:$0x3FAE] =	sst s0;
	s0 =	simm.s32 @!p1 $0x0  }
0x14: {  	s2 =	sld [smem:$0x3F92];
	s0 =	simm.s32 @p1 $0x1  }
0x15: {  	[smem:$0x3FAF] =	sst s0;
	s0 =	simm.s32 @!p2 $0x0  }
0x16: {  	s3 =	sld [smem:$0x3FDB];
	s0 =	simm.s32 @p2 $0x1  }
0x17: {  	s4 =	simm.s32 $0x1BF5;
	[smem:$0x3FB1] =	sst s0  }
0x18: {  	s0 =	sld [smem:$0x3F94];
	_ =	swait.ge [sflag:s4], $0x0  }
0x19: {  	s7 =	sld [smem:$0x3F95]  }
0x1a: {  	s8 =	sadd.s32 $0xFFFFE003, lr  }
0x1b: {  	s9 =	sadd.s32 $0xFFFFFEF7, lr;
	s5 =	simm.s32 $0xFFFFFFFF;
	p2 =	slt.u32 s8, $0xFFFFF086  }
0x1c: {  	p1 =	slt.u32 s9, $0xF7A;
	s5 =	simm.s32 @!p2 $0x0  }
0x1d: {  	s5 =	simm.s32 @p1 $0x1;
	p0 =	seq.s32 s7, s2  }
0x1e: {  	s7 =	smul.u32 @!p0 $0xF7A, s2;
	p2 =	seq.s32 @!p0 s5, $0x0  }
0x1f: {  	s9 =	smul.u32 $0xF7A, s1;
	s8 =	simm.s32 @!p0 $0x1BF5;
	p2 =	por !p2, p0  }
0x20: {  	[sflag:s8] =	ssyncset.s32 @!p0 $0xFFFFF086;
	s6 =	sadd.s32 @!p0 s3, s7;
	s7 =	simm.s32 @!p0 $0x108  }
0x21: {  	s3 =	sadd.s32 s3, s9;
	s6 =	sadd.s32 @!p0 $0x88, s6;
	s7 =	simm.s32 @p2 $0x1082  }
0x22: {  	[simem:s7], [sflag:s8] =	dma.local @!p0 [hbm:s6], $0xF7A  }
0x23: {  	s9 =	sor.u32 $0xD0000000, s2;
	s6 =	simm.s32 $0x108;
	_ =	swait.ge @!p0 [sflag:s8], $0x0  }
0x24: {  	s3 =	sadd.s32 $0x88, s3;
	s6 =	simm.s32 @!p1 $0x1082;
	[sflag:s4] =	ssyncset.s32 $0xFFFFF086  }
0x25: {  	[simem:s6], [sflag:s4] =	dma.local [hbm:s3], $0xF7A  }
0x26: {  	[smem:$0x3F95] =	sst s1;
	(tag) =	ssettag s2;
	_ =	strace s9  }
0x27: {  	s1 =	sld [smem:$0x3FA5]  }
0x28: {  	s2 =	sld [smem:$0x3FA6]  }
0x29: {  	s4 =	sld [smem:$0x3FA8]  }
0x2a: {  	p0 =	seq.s32 s5, $0x0;
	s5 =	sld [smem:$0x3FA9]  }
0x2b: {  	s6 =	sld [smem:$0x3FAA]  }
0x2c: {  	s7 =	sld [smem:$0x3FAB]  }
0x2d: {  	s3 =	simm.s32 $0x108;
	s8 =	sld [smem:$0x3FAC]  }
0x2e: {  	s3 =	simm.s32 @!p0 $0x1082;
	s9 =	sld [smem:$0x3FAD]  }
0x2f: {  	lr =	sadd.s32 s0, s3;
	s0 =	sld [smem:$0x3FA4]  }
0x30: {  	s3 =	sld [smem:$0x3FA7]  }
0x31: {  	[smem:$0x3FB0] =	sst s10  }
0x32: {  	s10 =	sld [smem:$0x3FAE];
	_ =	sdelay $0x3  }
0x33: {  	p0 =	seq.s32 s10, $0x1;
	s10 =	sld [smem:$0x3FB0];
	_ =	sdelay $0x3  }
0x34: {  	[smem:$0x3FB0] =	sst s10  }
0x35: {  	s10 =	sld [smem:$0x3FAF];
	_ =	sdelay $0x3  }
0x36: {  	p1 =	seq.s32 s10, $0x1;
	s10 =	sld [smem:$0x3FB0];
	_ =	sdelay $0x3  }
0x37: {  	[smem:$0x3FB0] =	sst s10  }
0x38: {  	s10 =	sld [smem:$0x3FB1]  }
0x39: {  	_ = 	snop;
	(pc) =	sbr.ind lr, $3  }
0x3a: {  	_ = 	snop  }
0x3b: {  	_ = 	snop  }
0x3c: {  	p2 =	seq.s32 s10, $0x1;
	s10 =	sld [smem:$0x3FB0]  }
0x3d: {  	_ =	shalt  }
0x3e: {  	_ =	shalt  }
0x3f: {  	_ =	shalt  }
0x40: {  	_ =	shalt  }
0x41: {  	_ =	shalt  }
0x42: {  	_ =	shalt  }
0x43: {  	_ =	shalt  }
0x44: {  	_ =	shalt  }
0x45: {  	_ =	shalt  }
0x46: {  	_ =	shalt  }
0x47: {  	_ =	shalt  }
0x48: {  	_ =	shalt  }
0x49: {  	_ =	shalt  }
0x4a: {  	_ =	shalt  }
0x4b: {  	_ =	shalt  }
0x4c: {  	_ =	shalt  }
0x4d: {  	_ =	shalt  }
0x4e: {  	_ =	shalt  }
0x4f: {  	_ =	shalt  }
0x50: {  	_ =	shalt  }
0x51: {  	_ =	shalt  }
0x52: {  	_ =	shalt  }
0x53: {  	_ =	shalt  }
0x54: {  	_ =	shalt  }
0x55: {  	_ =	shalt  }
0x56: {  	_ =	shalt  }
0x57: {  	_ =	shalt  }
0x58: {  	_ =	shalt  }
0x59: {  	_ =	shalt  }
0x5a: {  	_ =	shalt  }
0x5b: {  	_ =	shalt  }
0x5c: {  	_ =	shalt  }
0x5d: {  	_ =	shalt  }
0x5e: {  	_ =	shalt  }
0x5f: {  	_ =	shalt  }
0x60: {  	_ =	shalt  }
0x61: {  	_ =	shalt  }
0x62: {  	_ =	shalt  }
0x63: {  	_ =	shalt  }
0x64: {  	_ =	shalt  }
0x65: {  	_ =	shalt  }
0x66: {  	_ =	shalt  }
0x67: {  	_ =	shalt  }
0x68: {  	_ =	shalt  }
0x69: {  	_ =	shalt  }
0x6a: {  	_ =	shalt  }
0x6b: {  	_ =	shalt  }
0x6c: {  	_ =	shalt  }
0x6d: {  	_ =	shalt  }
0x6e: {  	_ =	shalt  }
0x6f: {  	_ =	shalt  }
0x70: {  	_ =	shalt  }
0x71: {  	_ =	shalt  }
0x72: {  	_ =	shalt  }
0x73: {  	_ =	shalt  }
0x74: {  	_ =	shalt  }
0x75: {  	_ =	shalt  }
0x76: {  	_ =	shalt  }
0x77: {  	_ =	shalt  }
0x78: {  	_ =	shalt  }
0x79: {  	_ =	shalt  }
0x7a: {  	_ =	shalt  }
0x7b: {  	_ =	shalt  }
0x7c: {  	_ =	shalt  }
0x7d: {  	_ =	shalt  }
0x7e: {  	_ =	shalt  }
0x7f: {  	_ =	shalt  }
0x80: {  	_ =	shalt  }
0x81: {  	_ =	shalt  }
0x82: {  	_ =	shalt  }
0x83: {  	_ =	shalt  }
0x84: {  	_ =	shalt  }
0x85: {  	_ =	shalt  }
0x86: {  	_ =	shalt  }
0x87: {  	_ =	shalt  }
.Lfunc_end0:
.L_simem_size_0:
called_computation_lowered:
.L_overlay_start_0:
0x88: {  	s2 =	sld [smem:$0x3FD9]  }
0x89: {  	s3 =	sld [smem:$0x3FFE];
	_ =	sdelay $0x1  }
0x8a: {  	s1 =	srdreg.scid  }
0x8b: {  	s0 =	sand.u32 $0x1, s1  }
0x8c: {  	s16 =	sshll.u32 s0, $0xA;
	s2 =	sadd.s32 s3, s2  }
0x8d: {  	s2 =	sadd.s32 s2, s16  }
0x8e: {  	[smem:$0x3FBC] =	sst s2  }
0x8f: {  	_ = 	snop  }
0x90: {  	(tm) =	ssettm $0x1  }
0x91: {  	s17 =	sld [smem:$0x3FFB];
	_ =	sdelay $0x3  }
0x92: {  	_ =	strace s17  }
0x93: {  	s2 =	sld [smem:$0x3FFC];
	_ =	sdelay $0x3  }
0x94: {  	_ =	strace s2  }
0x95: {  	s2 =	sld [smem:$0x3FFD];
	_ =	sdelay $0x3  }
0x96: {  	_ =	strace s2  }
0x97: {  	_ =	strace $0x8FFFFFFF  }
0x98: {  	s18 =	sld [smem:$0x3FDB];
	_ =	sdelay $0x1  }
0x99: {  	s19 =	simm.s32 $_scs_section_size  }
0x9a: {  	s4 =	simm.s32 $_size__tile_overlayer_lowered;
	s5 =	simm.s32 $_tile_overlayer_lowered  }
0x9b: {  	s22 =	simm.s32 $0x1BFF;
	s21 =	sshll.u32 s5, $0x1;
	s2 =	sadd.s32 s19, s18  }
0x9c: {  	s6 =	simm.s32 $0x0;
	s20 =	sshll.u32 s4, $0x1;
	s4 =	sadd.s32 s21, s2  }
0x9d: {  	[timem:s6], [sflag:s22] =	dma.local [hbm:s4], s20  }
0x9e: {  	_ =	swait.ge [sflag:s22], s20  }
0x9f: {  	s3 =	ssub.s32 $0x0, s20;
	[sflag:s22] =	ssyncset.done $0x0  }
0xa0: {  	[sflag:s22] =	ssyncadd.s32 s3;
	_ =	sdelay $0x1  }
0xa1: {  	s23 =	simm.s32 $0x1B8B  }
0xa2: {  	_ =	swait.ge [sflag:s23], $0x1  }
0xa3: {  	[sflag:s23] =	ssyncset.done $0x0  }
0xa4: {  	s25 =	simm.s32 $0x1B8E;
	s24 =	sld [smem:$0x3FFE];
	[sflag:s23] =	ssyncadd.s32 $0xFFFFFFFF  }
0xa5: {  	s26 =	simm.s32 $execute0_lowered;
	[smem:$0x3FD2] =	sst s25  }
0xa6: {  	s4 =	sshll.u32 s26, $0x1;
	_ =	strace $0x80000046;
	[dreg:$0x1] =	wrdreg $0xFFFFFFFF  }
0xa7: {  	s28 =	simm.s32 $_size_execute0_lowered;
	s2 =	sadd.s32 s2, s4;
	[dreg:$0x0] =	wrdreg $0x0  }
0xa8: {  	s4 =	sshll.u32 s28, $0x1;
	[dreg:$0x2] =	wrdreg s2  }
0xa9: {  	[dreg:$0x3] =	wrdreg s4  }
0xaa: {  	[dreg:$0x4] =	wrdreg $0xC0  }
0xab: {  	_ =	task [dreg:s6], $0x5FFFF  }
0xac: {  	[dreg:$0x1] =	wrdreg $0xFFFFFFFF  }
0xad: {  	[dreg:$0x0] =	wrdreg $0x60  }
0xae: {  	[dreg:$0x2] =	wrdreg s24  }
0xaf: {  	[dreg:$0x3] =	wrdreg $0x5E000  }
0xb0: {  	[dreg:$0x4] =	wrdreg $0x9  }
0xb1: {  	_ =	task.clear_ibuf [dreg:s6], $0x5FFFF;
	_ =	strace $0x90000046  }
0xb2: {  	s29 =	simm.s32 $0x9;
	_ =	strace $0x80000048  }
0xb3: {  	_ =	swait.ge [sflag:s29], $0x1  }
0xb4: {  	[sflag:s29] =	ssyncadd.s32 $0xFFFFFFFF  }
0xb5: {  	_ =	strace $0x90000048  }
0xb6: {  	_ =	sfence  }
0xb7: {  	s30 =	sld [smem:$0x0];
	_ =	sdelay $0x2  }
0xb8: {  	s31 =	sshll.u32 s1, $0xD;
	s1 =	sshrl.u32 s1, $0x2  }
0xb9: {  	s3 =	sand.u32 $0x4000, s31;
	s1 =	sadd.s32 s1, s30  }
0xba: {  	s0 =	sor.u32 s3, s0;
	s1 =	sshll.u32 s1, $0x11  }
0xbb: {  	s0 =	sor.u32 s1, s0  }
0xbc: {  	s0 =	sadd.s32 $0x8F2B, s0  }
0xbd: {  	[sflag:s0] =	ssyncadd.remote.s32 $0x1  }
0xbe: {  	_ =	sfence.sel $0xFFFF  }
0xbf: {  	[dreg:$0x0] =	wrdreg $0xFFFFFFFF;
	(pc) =	sbr.abs _section_cstart, $3  }
0xc0: {  	[dreg:$0x1] =	wrdreg $0xFFFFFFFF  }
0xc1: {  	_ =	task.clear_ibuf [dreg:s6], $0x2FFFF;
	_ =	strace $0x9FFFFFFF  }
0xc2: {  	(tm) =	ssettm $0x7FFFFFFF  }
0xc3: {  	_ =	shalt  }
tec
execute0_lowered:
.L_overlay_start_1:
0x0: {  	(tag) =	ssettag $0x1  }
0x1: {  	s0 =	rddreg [dreg:$0x0]  }
0x2: {  	s1 =	rddreg [dreg:$0x1];
	v0 =	vimm.f32 $0.0e+00;
	s2 =	simm.s32 $0x0;
	s13 =	stileid.u32  }
0x3: {  	v1 =	vimm.f32 $1.500000000e+01;
	vm0 =	vcmask $0x300;
	v2 =	vimm.f32 $3.100000000e+01;
	s24 =	srdreg.scid;
	s17 =	simm.s32 $0x1;
	s18 =	simm.s32 $0x2C00  }
0x4: {  	vm1 =	vcmask $0x704;
	s19 =	simm.s32 $0x2E00;
	s20 =	simm.s32 $0x3000;
	s21 =	simm.s32 $0x3200;
	v1 =	vsel vm0, $0x0, v1;
	v2 =	vsel vm0, $0x41800000, v2  }
0x5: {  	vm4 =	vcmask $0xB08;
	s22 =	simm.s32 $0x50;
	s23 =	simm.s32 $0x3600;
	[smem:$0x7FF] =	sst s2;
	v1 =	vsel vm1, $0x3F800000, v1;
	v2 =	vsel vm1, $0x41880000, v2  }
0x6: {  	vm5 =	vcmask $0xF0C;
	s3 =	smul.u32 $0x14000, s13;
	s2 =	sand.u32 $0x1, s24;
	s4 =	sadd.s32 $0x83600, s0;
	v1 =	vsel vm4, $0x40000000, v1;
	v2 =	vsel vm4, $0x41900000, v2  }
0x7: {  	vm6 =	vcmask $0x1310;
	s5 =	sadd.s32 $0x16800, s0;
	s6 =	sadd.s32 $0x6FC00, s0;
	s7 =	sadd.s32 $0x5C200, s0;
	v1 =	vsel vm5, $0x40400000, v1;
	v2 =	vsel vm5, $0x41980000, v2  }
0x8: {  	vm7 =	vcmask $0x1714;
	s8 =	sadd.s32 $0x48800, s0;
	s9 =	sadd.s32 $0xB5600, s0;
	s12 =	smul.u32 $0x50000, s13;
	v1 =	vsel vm6, $0x40800000, v1;
	v2 =	vsel vm6, $0x41A00000, v2  }
0x9: {  	vm8 =	vcmask $0x1B18;
	s29 =	sshll.u32 s13, $0x6;
	_ =	strace $0x80000047;
	s10 =	smul.u32 $0x140000, s2;
	v1 =	vsel vm7, $0x40A00000, v1;
	v2 =	vsel vm7, $0x41A80000, v2  }
0xa: {  	vm9 =	vcmask $0x1F1C;
	s25 =	ssub.s32 $0x2, s2;
	s2 =	sshll.u32 s2, $0x4;
	s11 =	sshrl.u32 s3, $0x3;
	v1 =	vsel vm8, $0x40C00000, v1;
	v2 =	vsel vm8, $0x41B00000, v2  }
0xb: {  	vm10 =	vcmask $0x2320;
	s26 =	sshrl.u32 s25, $0x1;
	s28 =	sshrl.u32 s12, $0x2;
	s2 =	sor.u32 s13, s2;
	v1 =	vsel vm9, $0x40E00000, v1;
	v2 =	vsel vm9, $0x41B80000, v2  }
0xc: {  	vm11 =	vcmask $0x2724;
	s3 =	sadd.s32 s3, s10;
	s11 =	sadd.s32 s11, s0;
	s12 =	smul.u32 $0x4E20, s2;
	v1 =	vsel vm10, $0x41000000, v1;
	v2 =	vsel vm10, $0x41C00000, v2  }
0xd: {  	vm12 =	vcmask $0x2B28;
	s10 =	sadd.s32 s28, s1;
	s13 =	smul.u32 $0x32, s2;
	s11 =	sadd.s32 $0xDC800, s11;
	v1 =	vsel vm11, $0x41100000, v1;
	v2 =	vsel vm11, $0x41C80000, v2  }
0xe: {  	vm13 =	vcmask $0x2F2C;
	s3 =	sshrl.u32 s3, $0x3;
	s2 =	sshrl.u32 s10, $0x3;
	[dreg:$0x3] =	wrdreg s11;
	v1 =	vsel vm12, $0x41200000, v1;
	v2 =	vsel vm12, $0x41D00000, v2  }
0xf: {  	vm14 =	vcmask $0x3330;
	s0 =	sadd.s32 s3, s0;
	s11 =	sor.u32 $0x1C01, s29;
	[dreg:$0x7] =	wrdreg s2;
	v1 =	vsel vm13, $0x41300000, v1;
	v2 =	vsel vm13, $0x41D80000, v2  }
0x10: {  	vm2 =	vcmask $0x3734;
	s3 =	ssub.s32 s25, s26;
	s0 =	sadd.s32 $0x104800, s0;
	[dreg:$0x4] =	wrdreg s11;
	v1 =	vsel vm14, $0x41400000, v1;
	v2 =	vsel vm14, $0x41E00000, v2  }
0x11: {  	vm15 =	vcmask $0x3B38;
	s31 =	simm.s32 $0x0;
	s30 =	smax.u32 s3, $0x1;
	[dreg:$0x5] =	wrdreg s0;
	v1 =	vsel vm2, $0x41500000, v1;
	v2 =	vsel vm2, $0x41E80000, v2  }
0x12: {  	v3 =	vsel vm13, $0x3F800000, v0;
	s24 =	simm.s32 $0x0;
	s25 =	simm.s32 $0x0;
	[dreg:$0x6] =	wrdreg s30;
	v1 =	vsel vm15, $0x41600000, v1;
	v2 =	vsel vm15, $0x41F00000, v2  }
.LBB2_1:
0x13: {  	s0 =	rddreg [dreg:$0x3];
	s29 =	simm.s32 $0x0  }
0x14: {  	[spmem:s2], [sflag:s11] =	dma.local [hbm:s0], $0x2800  }
0x15: {  	s30 =	sand.u32 $0xFE00, s29;
	s2 =	sand.u32 $0x70, s29;
	_ =	swait.ge [sflag:s17], $0x2800  }
0x16: {  	s0 =	simm.s32 $0x40;
	s3 =	sshrl.u32 s30, $0x2;
	[sflag:s17] =	ssyncset.done $0x0  }
0x17: {  	s3 =	sor.u32 s2, s3;
	s2 =	simm.s32 $0x0;
	[sflag:s17] =	ssyncadd.s32 $0xFFFFD800  }
.LBB2_2:
0x18: {  	p0 =	sne.s32 s0, $0x9FC0  }
0x19: {  	[tilespmem:s3+$0x3600] =	vst v0;
	s2 =	sadd.s32 $0x10, s2;
	s3 =	smov.u32 s0;
	s0 =	sadd.s32 $0x40, s0  }
.Ltmp0:
0x1a: {  	(pc) =	sbr.rel @p0 .LBB2_2-.Ltmp0, $4  }
0x1b: {  	_ = 	snop  }
0x1c: {  	s3 =	sand.u32 $0xFE00, s3  }
0x1d: {  	s10 =	sand.u32 $0x70, s2;
	s3 =	sshrl.u32 s3, $0x2  }
0x1e: {  	s3 =	sor.u32 s10, s3  }
0x1f: {  	[tilespmem:s3+$0x3600] =	vst v0  }
0x20: {  	s26 =	simm.s32 $0x0;
	[bflag:$0x0] =	sbarrier.arrive $0xFFFF  }
.LBB2_4:
0x21: {  	s0 =	smul.u32 $0x190, s26;
	_ =	sdelay $0x1  }
0x22: {  	s0 =	sadd.s32 s12, s0  }
0x23: {  	s0 =	sshrl.u32 s0, $0x3  }
0x24: {  	s2 =	sadd.s32 s6, s0  }
0x25: {  	[tilespmem:s18], [sflag:$0x1] =	stream.linear.gather [hbm4b:s2+s25], $0x190, $0x38;
	[tilespmem:$0x19E00] =	vst v63  }
0x26: {  	_ =	swait.ge [sflag:s17], $0x190  }
0x27: {  	[sflag:s17] =	ssyncset.done $0x0  }
0x28: {  	s16 =	sadd.s32 s7, s0;
	[sflag:s17] =	ssyncadd.s32 $0xFFFFFE70  }
0x29: {  	[tilespmem:s19], [sflag:$0x1] =	stream.linear.gather [hbm4b:s16+s25], $0x190, $0x38;
	[tilespmem:$0x19E00] =	vst v63  }
0x2a: {  	_ =	swait.ge [sflag:s17], $0x190  }
0x2b: {  	[sflag:s17] =	ssyncset.done $0x0  }
0x2c: {  	s0 =	sadd.s32 s8, s0;
	[sflag:s17] =	ssyncadd.s32 $0xFFFFFE70  }
0x2d: {  	[tilespmem:s20], [sflag:$0x1] =	stream.linear.gather [hbm4b:s0+s25], $0x190, $0x38;
	[tilespmem:$0x19E00] =	vst v63  }
0x2e: {  	s29 =	sadd.s32 s13, s26;
	_ =	swait.ge [sflag:s17], $0x190  }
0x2f: {  	s0 =	sshll.u32 s29, $0x7;
	[sflag:s17] =	ssyncset.done $0x0  }
0x30: {  	s30 =	sadd.s32 s4, s0;
	[sflag:s17] =	ssyncadd.s32 $0xFFFFFE70  }
0x31: {  	[tilespmem:s25], [sflag:$0x1] =	stream.linear.gather [hbm4b:s30+s25], $0x280, $0x38;
	[tilespmem:$0x19E00] =	vst v63  }
0x32: {  	_ =	swait.ge [sflag:s17], $0x280  }
0x33: {  	[sflag:s17] =	ssyncset.done $0x0  }
0x34: {  	s0 =	sadd.s32 s5, s0;
	[sflag:s17] =	ssyncadd.s32 $0xFFFFFD80  }
0x35: {  	[tilespmem:s21], [sflag:$0x1] =	stream.linear.gather [hbm4b:s0+s25], $0x280, $0x38;
	[tilespmem:$0x19E00] =	vst v63  }
0x36: {  	_ =	swait.ge [sflag:s17], $0x280  }
0x37: {  	[sflag:s17] =	ssyncset.done $0x0  }
0x38: {  	s28 =	simm.s32 $0x0;
	[sflag:s17] =	ssyncadd.s32 $0xFFFFFD80  }
.LBB2_5:
0x39: {  	s29 =	sshll.u32 s28, $0x7;
	s10 =	simm.s32 $0x400  }
0x3a: {  	[tilespmem:s10], [sflag:$0x1] =	stream.indirect.gather [hbm4b:s9+s22], $0x80, s29, s22, $0xb8;
	[tilespmem:$0x19E00] =	vst v63  }
0x3b: {  	s0 =	smul.u32 $0x50, s28;
	_ =	swait.ge [sflag:s17], $0x2800  }
0x3c: {  	[sflag:s17] =	ssyncset.done $0x0  }
0x3d: {  	s14 =	simm.s32 $0x3610;
	s3 =	simm.s32 $0x0;
	v4 =	vmov s0;
	[sflag:s17] =	ssyncadd.s32 $0xFFFFD800  }
.LBB2_6:
0x3e: {  	_ =	sdelay $0x2  }
0x3f: {  	s0 =	sshll.u32 s3, $0x4  }
0x40: {  	v5 =	vld.idx.msk [tilespmem:v4+s0+$0x2C00 ss:$0x1], $0xffff  }
0x41: {  	v6 =	vld.idx.msk [tilespmem:v4+s0+$0x2E00 ss:$0x1], $0xffff  }
0x42: {  	v7 =	vld.idx.msk [tilespmem:v4+s0+$0x3000 ss:$0x1], $0xffff;
	_ =	sdelay $0x2  }
0x43: {  	v5 =	vadd.f32 v5, v5  }
0x44: {  	v6 =	vadd.f32 v6, v6  }
0x45: {  	v7 =	vadd.f32 v7, v7;
	vm0 =	vge.f32 v5, $1.000000000e+00  }
0x46: {  	v8 =	vsel vm0, $0x3F800000, v0;
	vm0 =	vge.f32 v6, $1.000000000e+00  }
0x47: {  	v5 =	vsub.f32 v5, v8;
	v9 =	vsel vm0, $0x3F800000, v0;
	vm0 =	vge.f32 v7, $1.000000000e+00  }
0x48: {  	v8 =	vtrunc.f32 v8;
	v6 =	vsub.f32 v6, v9;
	v10 =	vsel vm0, $0x3F800000, v0  }
0x49: {  	v8 =	vcvt.f32.s32 v8;
	v11 =	vsub.f32 v7, v10;
	v7 =	vtrunc.f32 v9  }
0x4a: {  	v9 =	vsub.f32 $1.000000000e+00, v5;
	v10 =	vtrunc.f32 v10;
	v12 =	vsub.f32 $1.000000000e+00, v6  }
0x4b: {  	v7 =	vcvt.f32.s32 v7;
	v10 =	vcvt.f32.s32 v10  }
0x4c: {  	v17 =	vsub.f32 $1.000000000e+00, v11;
	v19 =	vmul.f32 v6, v9;
	v15 =	vmul.f32 v12, v9  }
0x4d: {  	v21 =	vmov s31;
	v12 =	vmul.f32 v12, v5;
	v5 =	vmul.f32 v6, v5  }
0x4e: {  	v7 =	vmul.u32 $0x3, v7;
	v13 =	vmul.f32 v17, v19;
	v16 =	vmul.f32 v17, v15  }
0x4f: {  	v6 =	vmul.u32 $0x9, v10;
	v14 =	vmul.f32 v17, v12;
	v18 =	vmul.f32 v17, v5  }
0x50: {  	v8 =	vadd.s32 v8, v7;
	v7 =	vmul.f32 v15, v11;
	v9 =	vmul.f32 v12, v11  }
0x51: {  	v5 =	vmul.f32 v11, v5;
	v8 =	vadd.s32 v6, v8;
	v6 =	vmul.f32 v11, v19  }
0x52: {  	v27 =	vperm.xlane v13, v21;
	v20 =	vcvt.s32.f32 v8  }
0x53: {  	v10 =	vadd.s32 $0x1, v8;
	v22 =	vperm.xlane v16, v21;
	v24 =	vperm.xlane v18, v21  }
0x54: {  	v11 =	vadd.s32 $0x4, v8;
	v25 =	vperm.xlane v14, v21;
	v61 =	vperm.xlane v9, v21  }
0x55: {  	v31 =	vperm.xlane v7, v21;
	v15 =	vcvt.s32.f32 v10;
	v10 =	vadd.s32 $0x3, v8  }
0x56: {  	v17 =	vcvt.s32.f32 v11;
	v19 =	vcvt.s32.f32 v10  }
0x57: {  	v10 =	vadd.s32 $0x9, v8;
	v23 =	vperm.xlane v20, v21;
	v22 =	vadd.f32 $0.0e+00, v22  }
0x58: {  	v12 =	vcvt.s32.f32 v10;
	v10 =	vadd.s32 $0xA, v8;
	v28 =	vperm.xlane v17, v21  }
0x59: {  	v29 =	vperm.xlane v15, v21;
	v11 =	vcvt.s32.f32 v10;
	v10 =	vadd.s32 $0xC, v8  }
0x5a: {  	v8 =	vadd.s32 $0xD, v8;
	vm0 =	veq.f32 v23, v2;
	v26 =	vperm.xlane v19, v21  }
0x5b: {  	vm1 =	veq.f32 v23, v1;
	v10 =	vcvt.s32.f32 v10;
	v23 =	vnsel vm0, $0x0, v22  }
0x5c: {  	v22 =	vnsel vm1, $0x0, v22;
	vm0 =	veq.f32 v26, v1;
	vm1 =	veq.f32 v26, v2  }
0x5d: {  	v26 =	vnsel vm0, $0x0, v27;
	v27 =	vnsel vm1, $0x0, v27;
	vm1 =	veq.f32 v29, v2  }
0x5e: {  	v8 =	vcvt.s32.f32 v8;
	vm2 =	veq.f32 v29, v1;
	v30 =	vnsel vm1, $0x0, v25  }
0x5f: {  	v62 =	vperm.xlane v12, v21;
	vm0 =	veq.f32 v28, v2;
	v23 =	vadd.f32 v30, v23  }
0x60: {  	v32 =	vperm.xlane v11, v21;
	v63 =	vperm.xlane v8, v21;
	v60 =	vnsel vm0, $0x0, v24  }
0x61: {  	vm0 =	veq.f32 v28, v1;
	v25 =	vnsel vm2, $0x0, v25;
	v23 =	vadd.f32 v27, v23  }
0x62: {  	v24 =	vnsel vm0, $0x0, v24;
	vm0 =	veq.f32 v62, v1;
	v22 =	vadd.f32 v25, v22  }
0x63: {  	vm1 =	veq.f32 v62, v2;
	v25 =	vnsel vm0, $0x0, v31;
	v23 =	vadd.f32 v60, v23  }
0x64: {  	vm0 =	veq.f32 v32, v1;
	v27 =	vnsel vm1, $0x0, v31;
	v22 =	vadd.f32 v26, v22  }
0x65: {  	vm1 =	veq.f32 v32, v2;
	v23 =	vadd.f32 v27, v23;
	v27 =	vperm.xlane v10, v21  }
0x66: {  	v28 =	vnsel vm1, $0x0, v61;
	v22 =	vadd.f32 v24, v22;
	v24 =	vperm.xlane v6, v21  }
0x67: {  	v26 =	vnsel vm0, $0x0, v61;
	v28 =	vadd.f32 v28, v23;
	vm0 =	veq.f32 v27, v2  }
0x68: {  	v23 =	vperm.xlane v5, v21;
	v21 =	vadd.f32 v25, v22;
	v22 =	vnsel vm0, $0x0, v24  }
0x69: {  	vm1 =	veq.f32 v63, v2;
	vm0 =	veq.f32 v27, v1;
	v25 =	vadd.f32 v22, v28;
	v22 =	vld [tilespmem:s10+$0x0]  }
0x6a: {  	s16 =	simm.s32 $0x1;
	s15 =	simm.s32 $0x2;
	v24 =	vnsel vm0, $0x0, v24;
	v26 =	vadd.f32 v26, v21;
	v27 =	vnsel vm1, $0x0, v23  }
0x6b: {  	s30 =	smov.u32 s10;
	s2 =	smov.u32 s14;
	s0 =	smov.u32 s14;
	vm0 =	veq.f32 v63, v1;
	v21 =	vmov s16;
	v25 =	vadd.f32 v27, v25  }
.LBB2_7:
0x6c: {  	s30 =	sadd.s32 $0x80, s30  }
0x6d: {  	v27 =	vperm.xlane v16, v21;
	v28 =	vperm.xlane v18, v21;
	v24 =	vadd.f32 v24, v26;
	s0 =	sadd.s32 $0x80, s0;
	s11 =	smov.u32 s15;
	s16 =	sadd.s32 $0x1, s15  }
0x6e: {  	p0 =	sne.s32 s15, $0xF;
	v26 =	vperm.xlane v20, v21;
	v23 =	vnsel vm0, $0x0, v23;
	v25 =	vmul.f32 v25, v22  }
0x6f: {  	v29 =	vperm.xlane v14, v21;
	v27 =	vadd.f32 $0.0e+00, v27;
	v23 =	vadd.f32 v23, v24  }
0x70: {  	v30 =	vperm.xlane v19, v21;
	vm0 =	veq.f32 v26, v2;
	v24 =	vperm.xlane v13, v21  }
0x71: {  	vm1 =	veq.f32 v26, v1;
	v25 =	vadd.f32 v3, v25;
	v26 =	vnsel vm0, $0x0, v27  }
0x72: {  	v31 =	vperm.xlane v17, v21;
	v27 =	vnsel vm1, $0x0, v27;
	v22 =	vmul.f32 v23, v22  }
0x73: {  	v23 =	vperm.xlane v15, v21;
	vm0 =	veq.f32 v30, v1;
	vm1 =	veq.f32 v30, v2;
	[tilespmem:s2+$0x0] =	vst v25  }
0x74: {  	v25 =	vnsel vm0, $0x0, v24;
	v24 =	vnsel vm1, $0x0, v24;
	vm0 =	veq.f32 v31, v2;
	[tilespmem:s2+$0xFFFFFFF0] =	vst v22;
	s2 =	smov.u32 s0  }
0x75: {  	vm1 =	veq.f32 v23, v1;
	vm2 =	veq.f32 v23, v2;
	v22 =	vnsel vm0, $0x0, v28  }
0x76: {  	v30 =	vperm.xlane v9, v21;
	v23 =	vnsel vm2, $0x0, v29;
	vm0 =	veq.f32 v31, v1  }
0x77: {  	v23 =	vadd.f32 v23, v26;
	v26 =	vnsel vm0, $0x0, v28;
	v28 =	vperm.xlane v12, v21  }
0x78: {  	v32 =	vperm.xlane v11, v21;
	v29 =	vnsel vm1, $0x0, v29;
	v31 =	vperm.xlane v7, v21  }
0x79: {  	v23 =	vadd.f32 v24, v23;
	vm0 =	veq.f32 v28, v1;
	vm1 =	veq.f32 v28, v2  }
0x7a: {  	v24 =	vadd.f32 v29, v27;
	v27 =	vnsel vm0, $0x0, v31;
	v28 =	vnsel vm1, $0x0, v31  }
0x7b: {  	vm0 =	veq.f32 v32, v1;
	vm1 =	veq.f32 v32, v2;
	v22 =	vadd.f32 v22, v23  }
0x7c: {  	v23 =	vadd.f32 v25, v24;
	v25 =	vnsel vm0, $0x0, v30;
	v24 =	vnsel vm1, $0x0, v30  }
0x7d: {  	v22 =	vadd.f32 v28, v22;
	v28 =	vperm.xlane v10, v21  }
0x7e: {  	v29 =	vperm.xlane v6, v21;
	v26 =	vadd.f32 v26, v23;
	v23 =	vperm.xlane v5, v21  }
.Ltmp1:
0x7f: {  	v21 =	vperm.xlane v8, v21;
	v30 =	vadd.f32 v24, v22;
	vm0 =	veq.f32 v28, v2;
	(pc) =	sbr.rel @p0 .LBB2_7-.Ltmp1, $4  }
0x80: {  	v26 =	vadd.f32 v27, v26;
	vm1 =	veq.f32 v28, v1;
	v27 =	vnsel vm0, $0x0, v29;
	v22 =	vld [tilespmem:s30+$0x0]  }
0x81: {  	v24 =	vnsel vm1, $0x0, v29;
	vm1 =	veq.f32 v21, v2;
	v27 =	vadd.f32 v27, v30  }
0x82: {  	vm0 =	veq.f32 v21, v1;
	v26 =	vadd.f32 v25, v26;
	v25 =	vnsel vm1, $0x0, v23  }
0x83: {  	s15 =	smov.u32 s16;
	v21 =	vmov s11;
	v25 =	vadd.f32 v25, v27  }
0x84: {  	v16 =	vperm.xlane v16, v21;
	v18 =	vperm.xlane v18, v21  }
0x85: {  	v20 =	vperm.xlane v20, v21;
	v14 =	vperm.xlane v14, v21  }
0x86: {  	v13 =	vperm.xlane v13, v21;
	v19 =	vperm.xlane v19, v21  }
0x87: {  	v17 =	vperm.xlane v17, v21;
	v15 =	vperm.xlane v15, v21  }
0x88: {  	v9 =	vperm.xlane v9, v21;
	v12 =	vperm.xlane v12, v21  }
0x89: {  	v7 =	vperm.xlane v7, v21;
	v11 =	vperm.xlane v11, v21  }
0x8a: {  	v24 =	vadd.f32 v24, v26;
	v10 =	vperm.xlane v10, v21;
	v6 =	vperm.xlane v6, v21  }
0x8b: {  	v23 =	vnsel vm0, $0x0, v23;
	v8 =	vperm.xlane v8, v21;
	v5 =	vperm.xlane v5, v21  }
0x8c: {  	v25 =	vmul.f32 v25, v22;
	v16 =	vadd.f32 $0.0e+00, v16;
	v23 =	vadd.f32 v23, v24  }
0x8d: {  	vm14 =	veq.f32 v20, v2;
	vm1 =	veq.f32 v20, v1;
	vm15 =	veq.f32 v19, v1  }
0x8e: {  	vm4 =	veq.f32 v19, v2;
	vm5 =	veq.f32 v15, v2;
	vm6 =	veq.f32 v17, v2  }
0x8f: {  	vm2 =	veq.f32 v15, v1;
	v56 =	vnsel vm5, $0x0, v14;
	v52 =	vnsel vm14, $0x0, v16  }
0x90: {  	v14 =	vnsel vm2, $0x0, v14;
	v16 =	vnsel vm1, $0x0, v16;
	v15 =	vadd.f32 v56, v52  }
0x91: {  	v55 =	vnsel vm15, $0x0, v13;
	v13 =	vnsel vm4, $0x0, v13;
	v14 =	vadd.f32 v14, v16  }
0x92: {  	vm7 =	veq.f32 v17, v1;
	vm8 =	veq.f32 v12, v1;
	v13 =	vadd.f32 v13, v15  }
0x93: {  	vm9 =	veq.f32 v12, v2;
	v57 =	vnsel vm6, $0x0, v18;
	v14 =	vadd.f32 v55, v14  }
0x94: {  	v53 =	vadd.f32 v3, v25;
	v17 =	vnsel vm7, $0x0, v18;
	v13 =	vadd.f32 v57, v13  }
0x95: {  	v58 =	vnsel vm8, $0x0, v7;
	v7 =	vnsel vm9, $0x0, v7;
	v59 =	vadd.f32 v17, v14  }
0x96: {  	vm11 =	veq.f32 v11, v2;
	v54 =	vmul.f32 v23, v22;
	v7 =	vadd.f32 v7, v13  }
0x97: {  	vm10 =	veq.f32 v11, v1;
	v11 =	vnsel vm11, $0x0, v9;
	[tilespmem:s2+$0x0] =	vst v53;
	v60 =	vadd.f32 v58, v59  }
0x98: {  	s11 =	sadd.s32 $0x80, s30;
	vm12 =	veq.f32 v10, v2;
	v9 =	vnsel vm10, $0x0, v9;
	[tilespmem:s2+$0xFFFFFFF0] =	vst v54;
	v7 =	vadd.f32 v11, v7  }
0x99: {  	v61 =	vnsel vm12, $0x0, v6;
	vm14 =	veq.f32 v10, v1;
	v62 =	vld [tilespmem:s11+$0x0];
	v9 =	vadd.f32 v9, v60  }
0x9a: {  	vm13 =	veq.f32 v8, v2;
	v6 =	vnsel vm14, $0x0, v6;
	v7 =	vadd.f32 v61, v7  }
0x9b: {  	v63 =	vnsel vm13, $0x0, v5;
	vm15 =	veq.f32 v8, v1;
	v6 =	vadd.f32 v6, v9  }
0x9c: {  	s3 =	sadd.s32 $0x1, s3;
	v5 =	vnsel vm15, $0x0, v5;
	v7 =	vadd.f32 v63, v7  }
0x9d: {  	p0 =	sne.s32 s3, $0x5;
	v5 =	vadd.f32 v5, v6  }
.Ltmp2:
0x9e: {  	v7 =	vmul.f32 v7, v62;
	(pc) =	sbr.rel @p0 .LBB2_6-.Ltmp2, $4  }
0x9f: {  	v5 =	vmul.f32 v5, v62  }
0xa0: {  	s0 =	sadd.s32 $0x80, s0;
	v6 =	vadd.f32 v3, v7  }
0xa1: {  	[tilespmem:s0+$0xFFFFFFF0] =	vst v5  }
0xa2: {  	s10 =	sadd.s32 $0x800, s10;
	s14 =	sadd.s32 $0x800, s14;
	[tilespmem:s0+$0x0] =	vst v6  }
0xa3: {  	s28 =	sadd.s32 $0x1, s28  }
0xa4: {  	p0 =	sne.s32 s28, $0x5  }
.Ltmp3:
0xa5: {  	s0 =	sadd.s32 $0x3200, s29;
	(pc) =	sbr.rel @p0 .LBB2_5-.Ltmp3, $4  }
0xa6: {  	[spmem:s1] =	stream.indirect.scatter.add.f32 [tilespmem:s23], [sflag:$0x1], $0x80, s0, s22, $0xb8;
	[tilespmem:$0x19E00] =	vst v63  }
0xa7: {  	_ =	swait.ge [sflag:s17], $0x2800  }
0xa8: {  	[sflag:s17] =	ssyncset.done $0x0  }
0xa9: {  	[sflag:s17] =	ssyncadd.s32 $0xFFFFD800  }
0xaa: {  	s26 =	sadd.s32 $0x1, s26  }
0xab: {  	p0 =	sne.s32 s26, $0x32  }
.Ltmp4:
0xac: {  	_ = 	snop;
	(pc) =	sbr.rel @p0 .LBB2_4-.Ltmp4, $1  }
0xad: {  	_ =	sdelay $0x3  }
0xae: {  	[bflag:$0x0] =	sbarrier.arrive $0xFFFF  }
0xaf: {  	s11 =	rddreg [dreg:$0x4]  }
0xb0: {  	s0 =	rddreg [dreg:$0x5]  }
0xb1: {  	s2 =	rddreg [dreg:$0x7]  }
0xb2: {  	[hbm:s0], [sflag:s11] =	dma.local [spmem:s2], $0x2800  }
0xb3: {  	_ =	swait.ge [sflag:s17], $0x2800  }
0xb4: {  	s24 =	sadd.s32 $0x1, s24;
	s30 =	rddreg [dreg:$0x6]  }
0xb5: {  	p0 =	sne.s32 s24, s30  }
.Ltmp5:
0xb6: {  	_ = 	snop;
	(pc) =	sbr.rel @p0 .LBB2_1-.Ltmp5, $3  }
0xb7: {  	_ =	sdelay $0x1  }
0xb8: {  	[sflag:s17] =	ssyncset.done $0x0  }
0xb9: {  	[sflag:s17] =	ssyncadd.s32 $0xFFFFD800  }
0xba: {  	_ =	sfence.sel $0x180000  }
0xbb: {  	[bflag:$0x0] =	sbarrier.arrive $0xFFFF  }
0xbc: {  	_ =	strace $0x90000047  }
0xbd: {  	s0 =	stileid.u32;
	[bflag:$0x2] =	sbarrier.arrive $0xFFFF  }
0xbe: {  	p0 =	sne.s32 s0, $0x0;
	s0 =	rddreg [dreg:$0x2]  }
0xbf: {  	s0 =	sadd.s32 @!p0 $0x100000, s0  }
0xc0: {  	[sflag:s0] =	ssyncadd.tile.s32 @!p0 $0x1;
	_ =	shalt  }
.Lfunc_end2:
_tile_overlayer_lowered:
.L_overlay_start_2:
0xc1: {  	(tag) =	ssettag $0x2  }
0xc2: {  	s0 =	rddreg [dreg:$0x0];
	s2 =	stileid.u32  }
0xc3: {  	s1 =	rddreg [dreg:$0x1];
	p0 =	sne.s32 s2, $0x0  }
0xc4: {  	s3 =	rddreg [dreg:$0x2];
	[bflag:$0x3] =	sbarrier.arrive $0xFFFF;
	s2 =	simm.s32 @!p0 $0x1C01  }
0xc5: {  	[timem:s3], [sflag:s2] =	dma.local @!p0 [hbm:s0], s1  }
0xc6: {  	s0 =	simm.s32 @!p0 $0x1  }
0xc7: {  	_ =	swait.ge @!p0 [sflag:s0], s1  }
0xc8: {  	s1 =	ssub.s32 @!p0 $0x0, s1;
	[sflag:s0] =	ssyncset.done @!p0 $0x0  }
0xc9: {  	[sflag:s0] =	ssyncadd.s32 @!p0 s1  }
0xca: {  	[bflag:$0x3] =	sbarrier.arrive $0xFFFF  }
0xcb: {  	_ =	shalt  }

</sc_bundles>
